<compile_context>
chip_gen: v7x
topology: tpu7x:2x2x1
jax: 0.10.2.dev20260603
libtpu: 0.0.44.dev20260713+nightly
codegen_flags: <defaults>
</compile_context>

<pallas_src>
import functools

import jax
import jax.numpy as jnp
from jax import lax
from jax.experimental import pallas as pl
from jax.experimental.pallas import tpu as pltpu, tpu_sc as plsc

_B, _N, _M = 8, 4096, 1024
_C1, _C2 = 128, 256
_H1, _H2 = 256, 128
_BN = 512
_NB = _N // _BN

_NPTS = _B * _N
_NROWS = _B * _M
_NW = 32
_PPW = _NPTS // _NW
_CHUNK = 32
_NCH = _PPW // _CHUNK
_IDXC = 3 * _CHUNK
_WEXPC = _IDXC * 16

_interpret = False


def _dot(a, b):
    return jax.lax.dot_general(
        a, b, (((1,), (0,)), ((), ())),
        preferred_element_type=jnp.float32)


def _k1_body(xyz1_ref, xyz2t_ref, idx_ref, wexp_ref):
    b = pl.program_id(0)

    x1 = xyz1_ref[0]
    x2t = xyz2t_ref[0]

    mm = _dot(x1, x2t)
    s1 = x1[:, 0:1] * x1[:, 0:1] + x1[:, 1:2] * x1[:, 1:2] + x1[:, 2:3] * x1[:, 2:3]
    s2 = x2t[0:1, :] * x2t[0:1, :] + x2t[1:2, :] * x2t[1:2, :] + x2t[2:3, :] * x2t[2:3, :]
    d = -2.0 * mm
    d = d + s1
    d = d + s2

    iotaf = jax.lax.broadcasted_iota(jnp.int32, (_BN, _M), 1).astype(jnp.float32)
    big = jnp.float32(jnp.inf)
    recips = []
    cols = []
    for _ in range(3):
        m = jnp.min(d, axis=1, keepdims=True)
        colf = jnp.min(jnp.where(d == m, iotaf, jnp.float32(_M)),
                       axis=1, keepdims=True)
        mask = iotaf == colf
        d = jnp.where(mask, big, d)
        recips.append(1.0 / (m + 1e-8))
        cols.append(colf.astype(jnp.int32) + b * _M)
    norm = recips[0] + recips[1] + recips[2]

    idx_ref[0] = jnp.concatenate(cols, axis=1)
    ws = [jnp.broadcast_to(recips[k] / norm, (_BN, 16)) for k in range(3)]
    wexp_ref[0] = jnp.concatenate(ws, axis=1)


_sc_mesh = plsc.VectorSubcoreMesh(core_axis_name="c", subcore_axis_name="s")


@functools.partial(
    pl.kernel,
    out_type=jax.ShapeDtypeStruct((_NPTS * _C2,), jnp.float32),
    mesh=_sc_mesh,
    scratch_types=[
        pltpu.VMEM((3 * _PPW,), jnp.int32),
        pltpu.VMEM((_IDXC, _C2), jnp.float32),
        pltpu.VMEM((_IDXC, _C2), jnp.float32),
        pltpu.VMEM((_WEXPC,), jnp.float32),
        pltpu.VMEM((_WEXPC,), jnp.float32),
        pltpu.VMEM((_CHUNK * _C2,), jnp.float32),
        pltpu.SemaphoreType.DMA,
        pltpu.SemaphoreType.DMA,
        pltpu.SemaphoreType.DMA,
        pltpu.SemaphoreType.DMA,
    ],
)
def _sc_interp(p2_hbm, gidx_hbm, wexp_hbm, out_hbm,
               idx_all, rows0, rows1, w0, w1, out_v,
               sg0, sg1, sw0, sw1):
    wid = lax.axis_index("s") * 2 + lax.axis_index("c")
    base_i = wid * (_PPW * 3)

    pltpu.sync_copy(gidx_hbm.at[pl.ds(base_i, _PPW * 3)], idx_all)

    def start_chunk(c, rows_buf, w_buf, sg, sw):
        pltpu.async_copy(
            p2_hbm.at[idx_all.at[pl.ds(c * _IDXC, _IDXC)]], rows_buf, sg)
        pltpu.async_copy(
            wexp_hbm.at[pl.ds((base_i + c * _IDXC) * 16, _WEXPC)], w_buf, sw)

    def wait_chunk(c, rows_buf, w_buf, sg, sw):
        pltpu.make_async_copy(
            p2_hbm.at[idx_all.at[pl.ds(c * _IDXC, _IDXC)]], rows_buf, sg).wait()
        pltpu.make_async_copy(
            wexp_hbm.at[pl.ds((base_i + c * _IDXC) * 16, _WEXPC)], w_buf, sw).wait()

    def compute_chunk(c, rows_v, w_v):
        def point_body(half, _):
            for u in range(2):
                i = 2 * half + u
                pw0 = w_v[pl.ds((3 * i) * 16, 16)]
                pw1 = w_v[pl.ds((3 * i + 1) * 16, 16)]
                pw2 = w_v[pl.ds((3 * i + 2) * 16, 16)]
                for c16 in range(_C2 // 16):
                    o = c16 * 16
                    r0 = rows_v[3 * i, pl.ds(o, 16)]
                    r1 = rows_v[3 * i + 1, pl.ds(o, 16)]
                    r2 = rows_v[3 * i + 2, pl.ds(o, 16)]
                    acc = r0 * pw0
                    acc = acc + r1 * pw1
                    acc = acc + r2 * pw2
                    out_v[pl.ds(i * _C2 + o, 16)] = acc
            return 0

        lax.fori_loop(0, _CHUNK // 2, point_body, 0)
        dst = (wid * _PPW + c * _CHUNK) * _C2
        pltpu.sync_copy(out_v, out_hbm.at[pl.ds(dst, _CHUNK * _C2)])

    start_chunk(0, rows0, w0, sg0, sw0)

    def _ring_body(j, _):
        a = 2 * j
        b = a + 1
        start_chunk(b, rows1, w1, sg1, sw1)
        wait_chunk(a, rows0, w0, sg0, sw0)
        compute_chunk(a, rows0, w0)

        @pl.when(b + 1 < _NCH)
        def _():
            start_chunk(b + 1, rows0, w0, sg0, sw0)

        wait_chunk(b, rows1, w1, sg1, sw1)
        compute_chunk(b, rows1, w1)
        return 0

    lax.fori_loop(0, _NCH // 2, _ring_body, 0)


def _bn_scale_shift(stats, g, beta):
    cnt = jnp.float32(_B * _N)
    mean = stats[0:1, :] / cnt
    var = stats[1:2, :] / cnt - mean * mean
    rstd = jax.lax.rsqrt(var + 1e-5)
    scale = rstd * g
    shift = beta - mean * scale
    return scale, shift


def _mlp_body(p1_ref, interp_ref, h1_in, h2_in,
              w1at_ref, w1bt_ref, b1_ref, g1_ref, beta1_ref,
              w2t_ref, b2_ref, g2_ref, beta2_ref,
              out_ref, h1_out, h2_out, stats1_ref, stats2_ref):
    p = pl.program_id(0)
    b = pl.program_id(1)
    nb = pl.program_id(2)

    @pl.when(p == 0)
    def _():
        h1 = _dot(p1_ref[0], w1at_ref[...]) + _dot(interp_ref[0], w1bt_ref[...])
        h1 = h1 + b1_ref[...]
        h1_out[0] = h1

        @pl.when((b == 0) & (nb == 0))
        def _():
            stats1_ref[...] = jnp.zeros((8, _H1), jnp.float32)

        stats1_ref[0:1, :] += jnp.sum(h1, axis=0, keepdims=True)
        stats1_ref[1:2, :] += jnp.sum(h1 * h1, axis=0, keepdims=True)

    @pl.when(p == 1)
    def _():
        scale, shift = _bn_scale_shift(stats1_ref[...], g1_ref[...], beta1_ref[...])
        hn = jnp.maximum(h1_in[0] * scale + shift, 0.0)
        h2 = _dot(hn, w2t_ref[...]) + b2_ref[...]
        h2_out[0] = h2

        @pl.when((b == 0) & (nb == 0))
        def _():
            stats2_ref[...] = jnp.zeros((8, _H2), jnp.float32)

        stats2_ref[0:1, :] += jnp.sum(h2, axis=0, keepdims=True)
        stats2_ref[1:2, :] += jnp.sum(h2 * h2, axis=0, keepdims=True)

    @pl.when(p == 2)
    def _():
        scale, shift = _bn_scale_shift(stats2_ref[...], g2_ref[...], beta2_ref[...])
        out_ref[0] = jnp.maximum(h2_in[0] * scale + shift, 0.0)


def kernel(xyz1, xyz2, points1, points2, W1, b1, g1, beta1, W2, b2, g2, beta2):
    xyz2t = jnp.transpose(xyz2, (0, 2, 1))
    w1at = jnp.transpose(W1[:, :_C1])
    w1bt = jnp.transpose(W1[:, _C1:])
    w2t = jnp.transpose(W2)
    b1r = b1.reshape(1, _H1)
    b2r = b2.reshape(1, _H2)
    g1r = g1.reshape(1, _H1)
    beta1r = beta1.reshape(1, _H1)
    g2r = g2.reshape(1, _H2)
    beta2r = beta2.reshape(1, _H2)

    grid = (_B, _NB)

    gidx, wexp = pl.pallas_call(
        _k1_body,
        grid=grid,
        in_specs=[
            pl.BlockSpec((1, _BN, 3), lambda b, n: (b, n, 0)),
            pl.BlockSpec((1, 3, _M), lambda b, n: (b, 0, 0)),
        ],
        out_specs=[
            pl.BlockSpec((1, _BN, 3), lambda b, n: (b, n, 0)),
            pl.BlockSpec((1, _BN, 48), lambda b, n: (b, n, 0)),
        ],
        out_shape=[
            jax.ShapeDtypeStruct((_B, _N, 3), jnp.int32),
            jax.ShapeDtypeStruct((_B, _N, 48), jnp.float32),
        ],
        interpret=_interpret,
    )(xyz1, xyz2t)

    interp_flat = _sc_interp(points2.reshape(_NROWS, _C2),
                             gidx.reshape(_NPTS * 3),
                             wexp.reshape(_NPTS * 48))
    interp = interp_flat.reshape(_B, _N, _C2)

    def _on(phase):
        def f(p, b, n):
            sel = p == phase
            return jnp.where(sel, b, 0), jnp.where(sel, n, 0), 0
        return f

    def _in_phase(phase):
        def f(p, b, n):
            sel = p == phase
            return (jnp.where(sel, b, _B - 1),
                    jnp.where(sel, n, _NB - 1), 0)
        return f

    _const2 = lambda p, b, n: (0, 0)
    h1_buf = jnp.zeros((_B, _N, _H1), jnp.float32)
    h2_buf = jnp.zeros((_B, _N, _H2), jnp.float32)

    out, _, _, _, _ = pl.pallas_call(
        _mlp_body,
        grid=(3, _B, _NB),
        in_specs=[
            pl.BlockSpec((1, _BN, _C1), _on(0)),
            pl.BlockSpec((1, _BN, _C2), _on(0)),
            pl.BlockSpec((1, _BN, _H1), _in_phase(1)),
            pl.BlockSpec((1, _BN, _H2), _in_phase(2)),
            pl.BlockSpec((_C1, _H1), _const2),
            pl.BlockSpec((_C2, _H1), _const2),
            pl.BlockSpec((1, _H1), _const2),
            pl.BlockSpec((1, _H1), _const2),
            pl.BlockSpec((1, _H1), _const2),
            pl.BlockSpec((_H1, _H2), _const2),
            pl.BlockSpec((1, _H2), _const2),
            pl.BlockSpec((1, _H2), _const2),
            pl.BlockSpec((1, _H2), _const2),
        ],
        out_specs=[
            pl.BlockSpec((1, _BN, _H2), _on(2)),
            pl.BlockSpec((1, _BN, _H1), _on(0)),
            pl.BlockSpec((1, _BN, _H2), _on(1)),
            pl.BlockSpec((8, _H1), _const2),
            pl.BlockSpec((8, _H2), _const2),
        ],
        out_shape=[
            jax.ShapeDtypeStruct((_B, _N, _H2), jnp.float32),
            jax.ShapeDtypeStruct((_B, _N, _H1), jnp.float32),
            jax.ShapeDtypeStruct((_B, _N, _H2), jnp.float32),
            jax.ShapeDtypeStruct((8, _H1), jnp.float32),
            jax.ShapeDtypeStruct((8, _H2), jnp.float32),
        ],
        input_output_aliases={2: 1, 3: 2},
        interpret=_interpret,
    )(points1, interp, h1_buf, h2_buf, w1at, w1bt, b1r, g1r, beta1r,
      w2t, b2r, g2r, beta2r)

    return out

# --- scband reference (transcript-rebuilt; emitter-appended) ---
"""Pipeline reference for scband-fp-layer-42099269435600 (READ-ONLY COPY).

The authoritative reference and input builder live on the scoring server;
editing this copy changes nothing except your own understanding.
"""

import jax, jax.numpy as jnp
import numpy as np

B, N, M = 8, 4096, 1024
C1, C2 = 128, 256
IN_CH = C1 + C2
MLP = [256, 128]


def setup_inputs(seed: int = 0) -> dict:
    key = jax.random.key(seed)
    ks = jax.random.split(key, 12)
    xyz1 = jax.random.uniform(ks[0], (B, N, 3), dtype=jnp.float32)
    xyz2 = jax.random.uniform(ks[1], (B, M, 3), dtype=jnp.float32)
    points1 = jax.random.normal(ks[2], (B, N, C1), dtype=jnp.float32)
    points2 = jax.random.normal(ks[3], (B, M, C2), dtype=jnp.float32)
    W1 = jax.random.normal(ks[4], (MLP[0], IN_CH), dtype=jnp.float32) * 0.02
    b1 = jnp.zeros((MLP[0],), dtype=jnp.float32)
    g1 = jnp.ones((MLP[0],), dtype=jnp.float32)
    beta1 = jnp.zeros((MLP[0],), dtype=jnp.float32)
    W2 = jax.random.normal(ks[5], (MLP[1], MLP[0]), dtype=jnp.float32) * 0.02
    b2 = jnp.zeros((MLP[1],), dtype=jnp.float32)
    g2 = jnp.ones((MLP[1],), dtype=jnp.float32)
    beta2 = jnp.zeros((MLP[1],), dtype=jnp.float32)
    return {"xyz1": xyz1, "xyz2": xyz2, "points1": points1, "points2": points2,
            "W1": W1, "b1": b1, "g1": g1, "beta1": beta1,
            "W2": W2, "b2": b2, "g2": g2, "beta2": beta2}


def _square_distance(src, dst):
    # src: (B,N,C), dst: (B,M,C) -> (B,N,M)
    d = -2.0 * jnp.matmul(src, jnp.transpose(dst, (0, 2, 1)))
    d = d + jnp.sum(src ** 2, axis=-1)[:, :, None]
    d = d + jnp.sum(dst ** 2, axis=-1)[:, None, :]
    return d


def _bn_relu(h, gamma, beta):
    # h: (B, N, C); BatchNorm1d in training mode: stats over batch+spatial dims per channel
    mean = jnp.mean(h, axis=(0, 1), keepdims=True)
    var = jnp.var(h, axis=(0, 1), keepdims=True)
    hn = (h - mean) / jnp.sqrt(var + 1e-5)
    return jax.nn.relu(hn * gamma + beta)


def reference(xyz1, xyz2, points1, points2, W1, b1, g1, beta1, W2, b2, g2, beta2):
    b, n, _ = xyz1.shape
    _, m, _ = xyz2.shape
    dists = _square_distance(xyz1, xyz2)  # (B,N,M)
    neg_d, idx = jax.lax.top_k(-dists, 3)  # 3 smallest distances
    d3 = -neg_d  # (B,N,3)
    dist_recip = 1.0 / (d3 + 1e-8)
    norm = jnp.sum(dist_recip, axis=2, keepdims=True)
    weight = dist_recip / norm  # (B,N,3)
    batch_idx = jnp.arange(b)[:, None, None]
    gathered = points2[batch_idx, idx]  # (B,N,3,C2)
    interpolated = jnp.sum(gathered * weight[..., None], axis=2)  # (B,N,C2)
    new_points = jnp.concatenate([points1, interpolated], axis=-1)  # (B,N,IN_CH)
    h = jnp.matmul(new_points, W1.T) + b1  # Conv1d k=1 == per-point linear
    h = _bn_relu(h, g1, beta1)
    h = jnp.matmul(h, W2.T) + b2
    h = _bn_relu(h, g2, beta2)
    return h  # (B, N, MLP[-1])

if __name__ == "__main__":
    import jax
    _d = setup_inputs()
    print(jax.jit(kernel)(*tuple(_d.values())))

</pallas_src>

<mosaic_0001>
#map = affine_map<(d0, d1) -> (0, 0)>
#map1 = affine_map<(d0, d1) -> (0)>
module attributes {stable_mosaic.version = 14 : i64} {
  func.func @_sc_interp(%arg0: i32, %arg1: i32, %arg2: memref<8192x256xf32, #tpu.memory_space<hbm>>, %arg3: memref<98304xi32, #tpu.memory_space<hbm>>, %arg4: memref<1572864xf32, #tpu.memory_space<hbm>>, %arg5: memref<8388608xf32, #tpu.memory_space<hbm>>, %arg6: memref<3072xi32, #tpu.memory_space<vmem>>, %arg7: memref<96x256xf32, #tpu.memory_space<vmem>>, %arg8: memref<96x256xf32, #tpu.memory_space<vmem>>, %arg9: memref<1536xf32, #tpu.memory_space<vmem>>, %arg10: memref<1536xf32, #tpu.memory_space<vmem>>, %arg11: memref<8192xf32, #tpu.memory_space<vmem>>, %arg12: memref<!tpu.dma_semaphore, #tpu.memory_space<semaphore_mem>>, %arg13: memref<!tpu.dma_semaphore, #tpu.memory_space<semaphore_mem>>, %arg14: memref<!tpu.dma_semaphore, #tpu.memory_space<semaphore_mem>>, %arg15: memref<!tpu.dma_semaphore, #tpu.memory_space<semaphore_mem>>) attributes {dimension_semantics = [#tpu.dimension_semantics<core_parallel>, #tpu.dimension_semantics<subcore_parallel>], iteration_bounds = array<i64: 2, 16>, scalar_prefetch = 0 : i64, scratch_operands = 10 : i64, tpu.core_type = #tpu.core_type<sc_vector_subcore>, window_params = [{transform_indices = #map}, {transform_indices = #map1}, {transform_indices = #map1}, {transform_indices = #map1}]} {
    %mul3A = arith.constant 2 : i32
    %mul3A_0 = arith.muli %arg1, %mul3A : i32
    %add3A = arith.addi %mul3A_0, %arg0 : i32
    %mul3A_1 = arith.constant 3072 : i32
    %mul3A_2 = arith.muli %add3A, %mul3A_1 : i32
    "tpu.region"() ({
      %run_scoped3A = tpu.sem_alloc : memref<!tpu.dma_semaphore, #tpu.memory_space<semaphore_mem>>
      %dma_start3A_19 = tpu.memref_slice %arg3[%mul3A_2] : memref<98304xi32, #tpu.memory_space<hbm>> -> memref<3072xi32, #tpu.memory_space<hbm>>
      %dma_start3A_20 = tpu.memref_slice %arg3[%mul3A_2] : memref<98304xi32, #tpu.memory_space<hbm>> -> memref<3072xi32, #tpu.memory_space<hbm>>
      tpu.enqueue_dma source(%dma_start3A_20 : memref<3072xi32, #tpu.memory_space<hbm>>) target(%arg6 : memref<3072xi32, #tpu.memory_space<vmem>>) target_semaphore(%run_scoped3A : memref<!tpu.dma_semaphore, #tpu.memory_space<semaphore_mem>>)
      %dma_wait3A = tpu.memref_slice %arg3[%mul3A_2] : memref<98304xi32, #tpu.memory_space<hbm>> -> memref<3072xi32, #tpu.memory_space<hbm>>
      %dma_wait3A_21 = tpu.memref_slice %arg3[%mul3A_2] : memref<98304xi32, #tpu.memory_space<hbm>> -> memref<3072xi32, #tpu.memory_space<hbm>>
      tpu.wait_dma2 semaphore(%run_scoped3A : memref<!tpu.dma_semaphore, #tpu.memory_space<semaphore_mem>>) src(%dma_wait3A_21 : memref<3072xi32, #tpu.memory_space<hbm>>) dst(%arg6 : memref<3072xi32, #tpu.memory_space<vmem>>)
      tpu.yield
    }) : () -> ()
    %dma_start3A = arith.constant 0 : i32
    %dma_start3A_3 = tpu.memref_slice %arg6[%dma_start3A] : memref<3072xi32, #tpu.memory_space<vmem>> -> memref<96xi32, #tpu.memory_space<vmem>>
    %dma_start3A_4 = arith.constant 0 : i32
    %dma_start3A_5 = arith.constant 0 : i32
    %dma_start3A_6 = tpu.memref_slice %arg2[%dma_start3A_4, %dma_start3A_5] : memref<8192x256xf32, #tpu.memory_space<hbm>> -> memref<8192x256xf32, #tpu.memory_space<hbm>>
    tpu.enqueue_indirect_dma source(%dma_start3A_6 : memref<8192x256xf32, #tpu.memory_space<hbm>>) target(%arg7 : memref<96x256xf32, #tpu.memory_space<vmem>>) offsets(%dma_start3A_3 : memref<96xi32, #tpu.memory_space<vmem>>) semaphore(%arg12 : memref<!tpu.dma_semaphore, #tpu.memory_space<semaphore_mem>>)
    %add3A_7 = arith.constant 0 : i32
    %add3A_8 = arith.addi %mul3A_2, %add3A_7 : i32
    %mul3A_9 = arith.constant 16 : i32
    %mul3A_10 = arith.muli %add3A_8, %mul3A_9 : i32
    %dma_start3A_11 = tpu.memref_slice %arg4[%mul3A_10] : memref<1572864xf32, #tpu.memory_space<hbm>> -> memref<1536xf32, #tpu.memory_space<hbm>>
    %dma_start3A_12 = tpu.memref_slice %arg4[%mul3A_10] : memref<1572864xf32, #tpu.memory_space<hbm>> -> memref<1536xf32, #tpu.memory_space<hbm>>
    tpu.enqueue_dma source(%dma_start3A_12 : memref<1536xf32, #tpu.memory_space<hbm>>) target(%arg9 : memref<1536xf32, #tpu.memory_space<vmem>>) target_semaphore(%arg14 : memref<!tpu.dma_semaphore, #tpu.memory_space<semaphore_mem>>)
    %scan3A = arith.constant 0 : i32
    %scan3A_13 = arith.constant 0 : i32
    %scan3A_14 = arith.constant 16 : i32
    %scan3A_15 = arith.addi %scan3A_13, %scan3A_14 : i32
    %scan3A_16 = arith.constant 1 : i32
    %scan3A_17 = scf.for %scan3A_19 = %scan3A_13 to %scan3A_15 step %scan3A_16 iter_args(%scan3A_20 = %scan3A) -> (i32)  : i32 {
      %mul3A_21 = arith.constant 2 : i32
      %mul3A_22 = arith.muli %mul3A_21, %scan3A_19 : i32
      %add3A_23 = arith.constant 1 : i32
      %add3A_24 = arith.addi %mul3A_22, %add3A_23 : i32
      %mul3A_25 = arith.constant 96 : i32
      %mul3A_26 = arith.muli %add3A_24, %mul3A_25 : i32
      %dma_start3A_27 = tpu.memref_slice %arg6[%mul3A_26] : memref<3072xi32, #tpu.memory_space<vmem>> -> memref<96xi32, #tpu.memory_space<vmem>>
      %dma_start3A_28 = arith.constant 0 : i32
      %dma_start3A_29 = arith.constant 0 : i32
      %dma_start3A_30 = tpu.memref_slice %arg2[%dma_start3A_28, %dma_start3A_29] : memref<8192x256xf32, #tpu.memory_space<hbm>> -> memref<8192x256xf32, #tpu.memory_space<hbm>>
      tpu.enqueue_indirect_dma source(%dma_start3A_30 : memref<8192x256xf32, #tpu.memory_space<hbm>>) target(%arg8 : memref<96x256xf32, #tpu.memory_space<vmem>>) offsets(%dma_start3A_27 : memref<96xi32, #tpu.memory_space<vmem>>) semaphore(%arg13 : memref<!tpu.dma_semaphore, #tpu.memory_space<semaphore_mem>>)
      %mul3A_31 = arith.constant 96 : i32
      %mul3A_32 = arith.muli %add3A_24, %mul3A_31 : i32
      %add3A_33 = arith.addi %mul3A_2, %mul3A_32 : i32
      %mul3A_34 = arith.constant 16 : i32
      %mul3A_35 = arith.muli %add3A_33, %mul3A_34 : i32
      %dma_start3A_36 = tpu.memref_slice %arg4[%mul3A_35] : memref<1572864xf32, #tpu.memory_space<hbm>> -> memref<1536xf32, #tpu.memory_space<hbm>>
      %dma_start3A_37 = tpu.memref_slice %arg4[%mul3A_35] : memref<1572864xf32, #tpu.memory_space<hbm>> -> memref<1536xf32, #tpu.memory_space<hbm>>
      tpu.enqueue_dma source(%dma_start3A_37 : memref<1536xf32, #tpu.memory_space<hbm>>) target(%arg10 : memref<1536xf32, #tpu.memory_space<vmem>>) target_semaphore(%arg15 : memref<!tpu.dma_semaphore, #tpu.memory_space<semaphore_mem>>)
      %mul3A_38 = arith.constant 96 : i32
      %mul3A_39 = arith.muli %mul3A_22, %mul3A_38 : i32
      %dma_wait3A = tpu.memref_slice %arg6[%mul3A_39] : memref<3072xi32, #tpu.memory_space<vmem>> -> memref<96xi32, #tpu.memory_space<vmem>>
      %dma_wait3A_40 = arith.constant 0 : i32
      %dma_wait3A_41 = arith.constant 0 : i32
      %dma_wait3A_42 = tpu.memref_slice %arg2[%dma_wait3A_40, %dma_wait3A_41] : memref<8192x256xf32, #tpu.memory_space<hbm>> -> memref<8192x256xf32, #tpu.memory_space<hbm>>
      tpu.wait_indirect_dma semaphore(%arg12 : memref<!tpu.dma_semaphore, #tpu.memory_space<semaphore_mem>>) src(%dma_wait3A_42 : memref<8192x256xf32, #tpu.memory_space<hbm>>) dst(%arg7 : memref<96x256xf32, #tpu.memory_space<vmem>>)
      %mul3A_43 = arith.constant 96 : i32
      %mul3A_44 = arith.muli %mul3A_22, %mul3A_43 : i32
      %add3A_45 = arith.addi %mul3A_2, %mul3A_44 : i32
      %mul3A_46 = arith.constant 16 : i32
      %mul3A_47 = arith.muli %add3A_45, %mul3A_46 : i32
      %dma_wait3A_48 = tpu.memref_slice %arg4[%mul3A_47] : memref<1572864xf32, #tpu.memory_space<hbm>> -> memref<1536xf32, #tpu.memory_space<hbm>>
      %dma_wait3A_49 = tpu.memref_slice %arg4[%mul3A_47] : memref<1572864xf32, #tpu.memory_space<hbm>> -> memref<1536xf32, #tpu.memory_space<hbm>>
      tpu.wait_dma2 semaphore(%arg14 : memref<!tpu.dma_semaphore, #tpu.memory_space<semaphore_mem>>) src(%dma_wait3A_49 : memref<1536xf32, #tpu.memory_space<hbm>>) dst(%arg9 : memref<1536xf32, #tpu.memory_space<vmem>>)
      %scan3A_50 = arith.constant 0 : i32
      %scan3A_51 = arith.constant 0 : i32
      %scan3A_52 = arith.constant 16 : i32
      %scan3A_53 = arith.addi %scan3A_51, %scan3A_52 : i32
      %scan3A_54 = arith.constant 1 : i32
      %scan3A_55 = scf.for %scan3A_96 = %scan3A_51 to %scan3A_53 step %scan3A_54 iter_args(%scan3A_97 = %scan3A_50) -> (i32)  : i32 {
        %mul3A_98 = arith.constant 2 : i32
        %mul3A_99 = arith.muli %mul3A_98, %scan3A_96 : i32
        %add3A_100 = arith.constant 0 : i32
        %add3A_101 = arith.addi %mul3A_99, %add3A_100 : i32
        %mul3A_102 = arith.constant 3 : i32
        %mul3A_103 = arith.muli %mul3A_102, %add3A_101 : i32
        %mul3A_104 = arith.constant 16 : i32
        %mul3A_105 = arith.muli %mul3A_103, %mul3A_104 : i32
        %get3A = arith.index_cast %mul3A_105 : i32 to index
        %get3A_106 = tpu.vector_load %arg9[%get3A] {strides = array<i32>} : memref<1536xf32, #tpu.memory_space<vmem>>, vector<16xf32>,
        %get3A_107 = vector.shape_cast %get3A_106 : vector<16xf32> to vector<16xf32>
        %mul3A_108 = arith.constant 3 : i32
        %mul3A_109 = arith.muli %mul3A_108, %add3A_101 : i32
        %add3A_110 = arith.constant 1 : i32
        %add3A_111 = arith.addi %mul3A_109, %add3A_110 : i32
        %mul3A_112 = arith.constant 16 : i32
        %mul3A_113 = arith.muli %add3A_111, %mul3A_112 : i32
        %get3A_114 = arith.index_cast %mul3A_113 : i32 to index
        %get3A_115 = tpu.vector_load %arg9[%get3A_114] {strides = array<i32>} : memref<1536xf32, #tpu.memory_space<vmem>>, vector<16xf32>,
        %get3A_116 = vector.shape_cast %get3A_115 : vector<16xf32> to vector<16xf32>
        %mul3A_117 = arith.constant 3 : i32
        %mul3A_118 = arith.muli %mul3A_117, %add3A_101 : i32
        %add3A_119 = arith.constant 2 : i32
        %add3A_120 = arith.addi %mul3A_118, %add3A_119 : i32
        %mul3A_121 = arith.constant 16 : i32
        %mul3A_122 = arith.muli %add3A_120, %mul3A_121 : i32
        %get3A_123 = arith.index_cast %mul3A_122 : i32 to index
        %get3A_124 = tpu.vector_load %arg9[%get3A_123] {strides = array<i32>} : memref<1536xf32, #tpu.memory_space<vmem>>, vector<16xf32>,
        %get3A_125 = vector.shape_cast %get3A_124 : vector<16xf32> to vector<16xf32>
        %mul3A_126 = arith.constant 3 : i32
        %mul3A_127 = arith.muli %mul3A_126, %add3A_101 : i32
        %get3A_128 = arith.index_cast %mul3A_127 : i32 to index
        %get3A_129 = arith.constant 0 : index
        %get3A_130 = tpu.vector_load %arg7[%get3A_128, %get3A_129] {strides = array<i32>} : memref<96x256xf32, #tpu.memory_space<vmem>>, vector<1x16xf32>,
        %get3A_131 = vector.shape_cast %get3A_130 : vector<1x16xf32> to vector<16xf32>
        %mul3A_132 = arith.constant 3 : i32
        %mul3A_133 = arith.muli %mul3A_132, %add3A_101 : i32
        %add3A_134 = arith.constant 1 : i32
        %add3A_135 = arith.addi %mul3A_133, %add3A_134 : i32
        %get3A_136 = arith.index_cast %add3A_135 : i32 to index
        %get3A_137 = arith.constant 0 : index
        %get3A_138 = tpu.vector_load %arg7[%get3A_136, %get3A_137] {strides = array<i32>} : memref<96x256xf32, #tpu.memory_space<vmem>>, vector<1x16xf32>,
        %get3A_139 = vector.shape_cast %get3A_138 : vector<1x16xf32> to vector<16xf32>
        %mul3A_140 = arith.constant 3 : i32
        %mul3A_141 = arith.muli %mul3A_140, %add3A_101 : i32
        %add3A_142 = arith.constant 2 : i32
        %add3A_143 = arith.addi %mul3A_141, %add3A_142 : i32
        %get3A_144 = arith.index_cast %add3A_143 : i32 to index
        %get3A_145 = arith.constant 0 : index
        %get3A_146 = tpu.vector_load %arg7[%get3A_144, %get3A_145] {strides = array<i32>} : memref<96x256xf32, #tpu.memory_space<vmem>>, vector<1x16xf32>,
        %get3A_147 = vector.shape_cast %get3A_146 : vector<1x16xf32> to vector<16xf32>
        %mul3A_148 = arith.mulf %get3A_131, %get3A_107 : vector<16xf32>
        %mul3A_149 = arith.mulf %get3A_139, %get3A_116 : vector<16xf32>
        %add3A_150 = arith.addf %mul3A_148, %mul3A_149 : vector<16xf32>
        %mul3A_151 = arith.mulf %get3A_147, %get3A_125 : vector<16xf32>
        %add3A_152 = arith.addf %add3A_150, %mul3A_151 : vector<16xf32>
        %mul3A_153 = arith.constant 256 : i32
        %mul3A_154 = arith.muli %add3A_101, %mul3A_153 : i32
        %add3A_155 = arith.constant 0 : i32
        %add3A_156 = arith.addi %mul3A_154, %add3A_155 : i32
        %swap3A = arith.index_cast %add3A_156 : i32 to index
        %swap3A_157 = tpu.vector_load %arg11[%swap3A] {strides = array<i32>} : memref<8192xf32, #tpu.memory_space<vmem>>, vector<16xf32>,
        %swap3A_158 = vector.shape_cast %swap3A_157 : vector<16xf32> to vector<16xf32>
        %swap3A_159 = vector.shape_cast %add3A_152 : vector<16xf32> to vector<16xf32>
        tpu.vector_store %arg11[%swap3A], %swap3A_159 {strides = array<i32>} : memref<8192xf32, #tpu.memory_space<vmem>>, vector<16xf32>,
        %mul3A_160 = arith.constant 3 : i32
        %mul3A_161 = arith.muli %mul3A_160, %add3A_101 : i32
        %get3A_162 = arith.index_cast %mul3A_161 : i32 to index
        %get3A_163 = arith.constant 16 : index
        %get3A_164 = tpu.vector_load %arg7[%get3A_162, %get3A_163] {strides = array<i32>} : memref<96x256xf32, #tpu.memory_space<vmem>>, vector<1x16xf32>,
        %get3A_165 = vector.shape_cast %get3A_164 : vector<1x16xf32> to vector<16xf32>
        %mul3A_166 = arith.constant 3 : i32
        %mul3A_167 = arith.muli %mul3A_166, %add3A_101 : i32
        %add3A_168 = arith.constant 1 : i32
        %add3A_169 = arith.addi %mul3A_167, %add3A_168 : i32
        %get3A_170 = arith.index_cast %add3A_169 : i32 to index
        %get3A_171 = arith.constant 16 : index
        %get3A_172 = tpu.vector_load %arg7[%get3A_170, %get3A_171] {strides = array<i32>} : memref<96x256xf32, #tpu.memory_space<vmem>>, vector<1x16xf32>,
        %get3A_173 = vector.shape_cast %get3A_172 : vector<1x16xf32> to vector<16xf32>
        %mul3A_174 = arith.constant 3 : i32
        %mul3A_175 = arith.muli %mul3A_174, %add3A_101 : i32
        %add3A_176 = arith.constant 2 : i32
        %add3A_177 = arith.addi %mul3A_175, %add3A_176 : i32
        %get3A_178 = arith.index_cast %add3A_177 : i32 to index
        %get3A_179 = arith.constant 16 : index
        %get3A_180 = tpu.vector_load %arg7[%get3A_178, %get3A_179] {strides = array<i32>} : memref<96x256xf32, #tpu.memory_space<vmem>>, vector<1x16xf32>,
        %get3A_181 = vector.shape_cast %get3A_180 : vector<1x16xf32> to vector<16xf32>
        %mul3A_182 = arith.mulf %get3A_165, %get3A_107 : vector<16xf32>
        %mul3A_183 = arith.mulf %get3A_173, %get3A_116 : vector<16xf32>
        %add3A_184 = arith.addf %mul3A_182, %mul3A_183 : vector<16xf32>
        %mul3A_185 = arith.mulf %get3A_181, %get3A_125 : vector<16xf32>
        %add3A_186 = arith.addf %add3A_184, %mul3A_185 : vector<16xf32>
        %mul3A_187 = arith.constant 256 : i32
        %mul3A_188 = arith.muli %add3A_101, %mul3A_187 : i32
        %add3A_189 = arith.constant 16 : i32
        %add3A_190 = arith.addi %mul3A_188, %add3A_189 : i32
        %swap3A_191 = arith.index_cast %add3A_190 : i32 to index
        %swap3A_192 = tpu.vector_load %arg11[%swap3A_191] {strides = array<i32>} : memref<8192xf32, #tpu.memory_space<vmem>>, vector<16xf32>,
        %swap3A_193 = vector.shape_cast %swap3A_192 : vector<16xf32> to vector<16xf32>
        %swap3A_194 = vector.shape_cast %add3A_186 : vector<16xf32> to vector<16xf32>
        tpu.vector_store %arg11[%swap3A_191], %swap3A_194 {strides = array<i32>} : memref<8192xf32, #tpu.memory_space<vmem>>, vector<16xf32>,
        %mul3A_195 = arith.constant 3 : i32
        %mul3A_196 = arith.muli %mul3A_195, %add3A_101 : i32
        %get3A_197 = arith.index_cast %mul3A_196 : i32 to index
        %get3A_198 = arith.constant 32 : index
        %get3A_199 = tpu.vector_load %arg7[%get3A_197, %get3A_198] {strides = array<i32>} : memref<96x256xf32, #tpu.memory_space<vmem>>, vector<1x16xf32>,
        %get3A_200 = vector.shape_cast %get3A_199 : vector<1x16xf32> to vector<16xf32>
        %mul3A_201 = arith.constant 3 : i32
        %mul3A_202 = arith.muli %mul3A_201, %add3A_101 : i32
        %add3A_203 = arith.constant 1 : i32
        %add3A_204 = arith.addi %mul3A_202, %add3A_203 : i32
        %get3A_205 = arith.index_cast %add3A_204 : i32 to index
        %get3A_206 = arith.constant 32 : index
        %get3A_207 = tpu.vector_load %arg7[%get3A_205, %get3A_206] {strides = array<i32>} : memref<96x256xf32, #tpu.memory_space<vmem>>, vector<1x16xf32>,
        %get3A_208 = vector.shape_cast %get3A_207 : vector<1x16xf32> to vector<16xf32>
        %mul3A_209 = arith.constant 3 : i32
        %mul3A_210 = arith.muli %mul3A_209, %add3A_101 : i32
        %add3A_211 = arith.constant 2 : i32
        %add3A_212 = arith.addi %mul3A_210, %add3A_211 : i32
        %get3A_213 = arith.index_cast %add3A_212 : i32 to index
        %get3A_214 = arith.constant 32 : index
        %get3A_215 = tpu.vector_load %arg7[%get3A_213, %get3A_214] {strides = array<i32>} : memref<96x256xf32, #tpu.memory_space<vmem>>, vector<1x16xf32>,
        %get3A_216 = vector.shape_cast %get3A_215 : vector<1x16xf32> to vector<16xf32>
        %mul3A_217 = arith.mulf %get3A_200, %get3A_107 : vector<16xf32>
        %mul3A_218 = arith.mulf %get3A_208, %get3A_116 : vector<16xf32>
        %add3A_219 = arith.addf %mul3A_217, %mul3A_218 : vector<16xf32>
        %mul3A_220 = arith.mulf %get3A_216, %get3A_125 : vector<16xf32>
        %add3A_221 = arith.addf %add3A_219, %mul3A_220 : vector<16xf32>
        %mul3A_222 = arith.constant 256 : i32
        %mul3A_223 = arith.muli %add3A_101, %mul3A_222 : i32
        %add3A_224 = arith.constant 32 : i32
        %add3A_225 = arith.addi %mul3A_223, %add3A_224 : i32
        %swap3A_226 = arith.index_cast %add3A_225 : i32 to index
        %swap3A_227 = tpu.vector_load %arg11[%swap3A_226] {strides = array<i32>} : memref<8192xf32, #tpu.memory_space<vmem>>, vector<16xf32>,
        %swap3A_228 = vector.shape_cast %swap3A_227 : vector<16xf32> to vector<16xf32>
        %swap3A_229 = vector.shape_cast %add3A_221 : vector<16xf32> to vector<16xf32>
        tpu.vector_store %arg11[%swap3A_226], %swap3A_229 {strides = array<i32>} : memref<8192xf32, #tpu.memory_space<vmem>>, vector<16xf32>,
        %mul3A_230 = arith.constant 3 : i32
        %mul3A_231 = arith.muli %mul3A_230, %add3A_101 : i32
        %get3A_232 = arith.index_cast %mul3A_231 : i32 to index
        %get3A_233 = arith.constant 48 : index
        %get3A_234 = tpu.vector_load %arg7[%get3A_232, %get3A_233] {strides = array<i32>} : memref<96x256xf32, #tpu.memory_space<vmem>>, vector<1x16xf32>,
        %get3A_235 = vector.shape_cast %get3A_234 : vector<1x16xf32> to vector<16xf32>
        %mul3A_236 = arith.constant 3 : i32
        %mul3A_237 = arith.muli %mul3A_236, %add3A_101 : i32
        %add3A_238 = arith.constant 1 : i32
        %add3A_239 = arith.addi %mul3A_237, %add3A_238 : i32
        %get3A_240 = arith.index_cast %add3A_239 : i32 to index
        %get3A_241 = arith.constant 48 : index
        %get3A_242 = tpu.vector_load %arg7[%get3A_240, %get3A_241] {strides = array<i32>} : memref<96x256xf32, #tpu.memory_space<vmem>>, vector<1x16xf32>,
        %get3A_243 = vector.shape_cast %get3A_242 : vector<1x16xf32> to vector<16xf32>
        %mul3A_244 = arith.constant 3 : i32
        %mul3A_245 = arith.muli %mul3A_244, %add3A_101 : i32
        %add3A_246 = arith.constant 2 : i32
        %add3A_247 = arith.addi %mul3A_245, %add3A_246 : i32
        %get3A_248 = arith.index_cast %add3A_247 : i32 to index
        %get3A_249 = arith.constant 48 : index
        %get3A_250 = tpu.vector_load %arg7[%get3A_248, %get3A_249] {strides = array<i32>} : memref<96x256xf32, #tpu.memory_space<vmem>>, vector<1x16xf32>,
        %get3A_251 = vector.shape_cast %get3A_250 : vector<1x16xf32> to vector<16xf32>
        %mul3A_252 = arith.mulf %get3A_235, %get3A_107 : vector<16xf32>
        %mul3A_253 = arith.mulf %get3A_243, %get3A_116 : vector<16xf32>
        %add3A_254 = arith.addf %mul3A_252, %mul3A_253 : vector<16xf32>
        %mul3A_255 = arith.mulf %get3A_251, %get3A_125 : vector<16xf32>
        %add3A_256 = arith.addf %add3A_254, %mul3A_255 : vector<16xf32>
        %mul3A_257 = arith.constant 256 : i32
        %mul3A_258 = arith.muli %add3A_101, %mul3A_257 : i32
        %add3A_259 = arith.constant 48 : i32
        %add3A_260 = arith.addi %mul3A_258, %add3A_259 : i32
        %swap3A_261 = arith.index_cast %add3A_260 : i32 to index
        %swap3A_262 = tpu.vector_load %arg11[%swap3A_261] {strides = array<i32>} : memref<8192xf32, #tpu.memory_space<vmem>>, vector<16xf32>,
        %swap3A_263 = vector.shape_cast %swap3A_262 : vector<16xf32> to vector<16xf32>
        %swap3A_264 = vector.shape_cast %add3A_256 : vector<16xf32> to vector<16xf32>
        tpu.vector_store %arg11[%swap3A_261], %swap3A_264 {strides = array<i32>} : memref<8192xf32, #tpu.memory_space<vmem>>, vector<16xf32>,
        %mul3A_265 = arith.constant 3 : i32
        %mul3A_266 = arith.muli %mul3A_265, %add3A_101 : i32
        %get3A_267 = arith.index_cast %mul3A_266 : i32 to index
        %get3A_268 = arith.constant 64 : index
        %get3A_269 = tpu.vector_load %arg7[%get3A_267, %get3A_268] {strides = array<i32>} : memref<96x256xf32, #tpu.memory_space<vmem>>, vector<1x16xf32>,
        %get3A_270 = vector.shape_cast %get3A_269 : vector<1x16xf32> to vector<16xf32>
        %mul3A_271 = arith.constant 3 : i32
        %mul3A_272 = arith.muli %mul3A_271, %add3A_101 : i32
        %add3A_273 = arith.constant 1 : i32
        %add3A_274 = arith.addi %mul3A_272, %add3A_273 : i32
        %get3A_275 = arith.index_cast %add3A_274 : i32 to index
        %get3A_276 = arith.constant 64 : index
        %get3A_277 = tpu.vector_load %arg7[%get3A_275, %get3A_276] {strides = array<i32>} : memref<96x256xf32, #tpu.memory_space<vmem>>, vector<1x16xf32>,
        %get3A_278 = vector.shape_cast %get3A_277 : vector<1x16xf32> to vector<16xf32>
        %mul3A_279 = arith.constant 3 : i32
        %mul3A_280 = arith.muli %mul3A_279, %add3A_101 : i32
        %add3A_281 = arith.constant 2 : i32
        %add3A_282 = arith.addi %mul3A_280, %add3A_281 : i32
        %get3A_283 = arith.index_cast %add3A_282 : i32 to index
        %get3A_284 = arith.constant 64 : index
        %get3A_285 = tpu.vector_load %arg7[%get3A_283, %get3A_284] {strides = array<i32>} : memref<96x256xf32, #tpu.memory_space<vmem>>, vector<1x16xf32>,
        %get3A_286 = vector.shape_cast %get3A_285 : vector<1x16xf32> to vector<16xf32>
        %mul3A_287 = arith.mulf %get3A_270, %get3A_107 : vector<16xf32>
        %mul3A_288 = arith.mulf %get3A_278, %get3A_116 : vector<16xf32>
        %add3A_289 = arith.addf %mul3A_287, %mul3A_288 : vector<16xf32>
        %mul3A_290 = arith.mulf %get3A_286, %get3A_125 : vector<16xf32>
        %add3A_291 = arith.addf %add3A_289, %mul3A_290 : vector<16xf32>
        %mul3A_292 = arith.constant 256 : i32
        %mul3A_293 = arith.muli %add3A_101, %mul3A_292 : i32
        %add3A_294 = arith.constant 64 : i32
        %add3A_295 = arith.addi %mul3A_293, %add3A_294 : i32
        %swap3A_296 = arith.index_cast %add3A_295 : i32 to index
        %swap3A_297 = tpu.vector_load %arg11[%swap3A_296] {strides = array<i32>} : memref<8192xf32, #tpu.memory_space<vmem>>, vector<16xf32>,
        %swap3A_298 = vector.shape_cast %swap3A_297 : vector<16xf32> to vector<16xf32>
        %swap3A_299 = vector.shape_cast %add3A_291 : vector<16xf32> to vector<16xf32>
        tpu.vector_store %arg11[%swap3A_296], %swap3A_299 {strides = array<i32>} : memref<8192xf32, #tpu.memory_space<vmem>>, vector<16xf32>,
        %mul3A_300 = arith.constant 3 : i32
        %mul3A_301 = arith.muli %mul3A_300, %add3A_101 : i32
        %get3A_302 = arith.index_cast %mul3A_301 : i32 to index
        %get3A_303 = arith.constant 80 : index
        %get3A_304 = tpu.vector_load %arg7[%get3A_302, %get3A_303] {strides = array<i32>} : memref<96x256xf32, #tpu.memory_space<vmem>>, vector<1x16xf32>,
        %get3A_305 = vector.shape_cast %get3A_304 : vector<1x16xf32> to vector<16xf32>
        %mul3A_306 = arith.constant 3 : i32
        %mul3A_307 = arith.muli %mul3A_306, %add3A_101 : i32
        %add3A_308 = arith.constant 1 : i32
        %add3A_309 = arith.addi %mul3A_307, %add3A_308 : i32
        %get3A_310 = arith.index_cast %add3A_309 : i32 to index
        %get3A_311 = arith.constant 80 : index
        %get3A_312 = tpu.vector_load %arg7[%get3A_310, %get3A_311] {strides = array<i32>} : memref<96x256xf32, #tpu.memory_space<vmem>>, vector<1x16xf32>,
        %get3A_313 = vector.shape_cast %get3A_312 : vector<1x16xf32> to vector<16xf32>
        %mul3A_314 = arith.constant 3 : i32
        %mul3A_315 = arith.muli %mul3A_314, %add3A_101 : i32
        %add3A_316 = arith.constant 2 : i32
        %add3A_317 = arith.addi %mul3A_315, %add3A_316 : i32
        %get3A_318 = arith.index_cast %add3A_317 : i32 to index
        %get3A_319 = arith.constant 80 : index
        %get3A_320 = tpu.vector_load %arg7[%get3A_318, %get3A_319] {strides = array<i32>} : memref<96x256xf32, #tpu.memory_space<vmem>>, vector<1x16xf32>,
        %get3A_321 = vector.shape_cast %get3A_320 : vector<1x16xf32> to vector<16xf32>
        %mul3A_322 = arith.mulf %get3A_305, %get3A_107 : vector<16xf32>
        %mul3A_323 = arith.mulf %get3A_313, %get3A_116 : vector<16xf32>
        %add3A_324 = arith.addf %mul3A_322, %mul3A_323 : vector<16xf32>
        %mul3A_325 = arith.mulf %get3A_321, %get3A_125 : vector<16xf32>
        %add3A_326 = arith.addf %add3A_324, %mul3A_325 : vector<16xf32>
        %mul3A_327 = arith.constant 256 : i32
        %mul3A_328 = arith.muli %add3A_101, %mul3A_327 : i32
        %add3A_329 = arith.constant 80 : i32
        %add3A_330 = arith.addi %mul3A_328, %add3A_329 : i32
        %swap3A_331 = arith.index_cast %add3A_330 : i32 to index
        %swap3A_332 = tpu.vector_load %arg11[%swap3A_331] {strides = array<i32>} : memref<8192xf32, #tpu.memory_space<vmem>>, vector<16xf32>,
        %swap3A_333 = vector.shape_cast %swap3A_332 : vector<16xf32> to vector<16xf32>
        %swap3A_334 = vector.shape_cast %add3A_326 : vector<16xf32> to vector<16xf32>
        tpu.vector_store %arg11[%swap3A_331], %swap3A_334 {strides = array<i32>} : memref<8192xf32, #tpu.memory_space<vmem>>, vector<16xf32>,
        %mul3A_335 = arith.constant 3 : i32
        %mul3A_336 = arith.muli %mul3A_335, %add3A_101 : i32
        %get3A_337 = arith.index_cast %mul3A_336 : i32 to index
        %get3A_338 = arith.constant 96 : index
        %get3A_339 = tpu.vector_load %arg7[%get3A_337, %get3A_338] {strides = array<i32>} : memref<96x256xf32, #tpu.memory_space<vmem>>, vector<1x16xf32>,
        %get3A_340 = vector.shape_cast %get3A_339 : vector<1x16xf32> to vector<16xf32>
        %mul3A_341 = arith.constant 3 : i32
        %mul3A_342 = arith.muli %mul3A_341, %add3A_101 : i32
        %add3A_343 = arith.constant 1 : i32
        %add3A_344 = arith.addi %mul3A_342, %add3A_343 : i32
        %get3A_345 = arith.index_cast %add3A_344 : i32 to index
        %get3A_346 = arith.constant 96 : index
        %get3A_347 = tpu.vector_load %arg7[%get3A_345, %get3A_346] {strides = array<i32>} : memref<96x256xf32, #tpu.memory_space<vmem>>, vector<1x16xf32>,
        %get3A_348 = vector.shape_cast %get3A_347 : vector<1x16xf32> to vector<16xf32>
        %mul3A_349 = arith.constant 3 : i32
        %mul3A_350 = arith.muli %mul3A_349, %add3A_101 : i32
        %add3A_351 = arith.constant 2 : i32
        %add3A_352 = arith.addi %mul3A_350, %add3A_351 : i32
        %get3A_353 = arith.index_cast %add3A_352 : i32 to index
        %get3A_354 = arith.constant 96 : index
        %get3A_355 = tpu.vector_load %arg7[%get3A_353, %get3A_354] {strides = array<i32>} : memref<96x256xf32, #tpu.memory_space<vmem>>, vector<1x16xf32>,
        %get3A_356 = vector.shape_cast %get3A_355 : vector<1x16xf32> to vector<16xf32>
        %mul3A_357 = arith.mulf %get3A_340, %get3A_107 : vector<16xf32>
        %mul3A_358 = arith.mulf %get3A_348, %get3A_116 : vector<16xf32>
        %add3A_359 = arith.addf %mul3A_357, %mul3A_358 : vector<16xf32>
        %mul3A_360 = arith.mulf %get3A_356, %get3A_125 : vector<16xf32>
        %add3A_361 = arith.addf %add3A_359, %mul3A_360 : vector<16xf32>
        %mul3A_362 = arith.constant 256 : i32
        %mul3A_363 = arith.muli %add3A_101, %mul3A_362 : i32
        %add3A_364 = arith.constant 96 : i32
        %add3A_365 = arith.addi %mul3A_363, %add3A_364 : i32
        %swap3A_366 = arith.index_cast %add3A_365 : i32 to index
        %swap3A_367 = tpu.vector_load %arg11[%swap3A_366] {strides = array<i32>} : memref<8192xf32, #tpu.memory_space<vmem>>, vector<16xf32>,
        %swap3A_368 = vector.shape_cast %swap3A_367 : vector<16xf32> to vector<16xf32>
        %swap3A_369 = vector.shape_cast %add3A_361 : vector<16xf32> to vector<16xf32>
        tpu.vector_store %arg11[%swap3A_366], %swap3A_369 {strides = array<i32>} : memref<8192xf32, #tpu.memory_space<vmem>>, vector<16xf32>,
        %mul3A_370 = arith.constant 3 : i32
        %mul3A_371 = arith.muli %mul3A_370, %add3A_101 : i32
        %get3A_372 = arith.index_cast %mul3A_371 : i32 to index
        %get3A_373 = arith.constant 112 : index
        %get3A_374 = tpu.vector_load %arg7[%get3A_372, %get3A_373] {strides = array<i32>} : memref<96x256xf32, #tpu.memory_space<vmem>>, vector<1x16xf32>,
        %get3A_375 = vector.shape_cast %get3A_374 : vector<1x16xf32> to vector<16xf32>
        %mul3A_376 = arith.constant 3 : i32
        %mul3A_377 = arith.muli %mul3A_376, %add3A_101 : i32
        %add3A_378 = arith.constant 1 : i32
        %add3A_379 = arith.addi %mul3A_377, %add3A_378 : i32
        %get3A_380 = arith.index_cast %add3A_379 : i32 to index
        %get3A_381 = arith.constant 112 : index
        %get3A_382 = tpu.vector_load %arg7[%get3A_380, %get3A_381] {strides = array<i32>} : memref<96x256xf32, #tpu.memory_space<vmem>>, vector<1x16xf32>,
        %get3A_383 = vector.shape_cast %get3A_382 : vector<1x16xf32> to vector<16xf32>
        %mul3A_384 = arith.constant 3 : i32
        %mul3A_385 = arith.muli %mul3A_384, %add3A_101 : i32
        %add3A_386 = arith.constant 2 : i32
        %add3A_387 = arith.addi %mul3A_385, %add3A_386 : i32
        %get3A_388 = arith.index_cast %add3A_387 : i32 to index
        %get3A_389 = arith.constant 112 : index
        %get3A_390 = tpu.vector_load %arg7[%get3A_388, %get3A_389] {strides = array<i32>} : memref<96x256xf32, #tpu.memory_space<vmem>>, vector<1x16xf32>,
        %get3A_391 = vector.shape_cast %get3A_390 : vector<1x16xf32> to vector<16xf32>
        %mul3A_392 = arith.mulf %get3A_375, %get3A_107 : vector<16xf32>
        %mul3A_393 = arith.mulf %get3A_383, %get3A_116 : vector<16xf32>
        %add3A_394 = arith.addf %mul3A_392, %mul3A_393 : vector<16xf32>
        %mul3A_395 = arith.mulf %get3A_391, %get3A_125 : vector<16xf32>
        %add3A_396 = arith.addf %add3A_394, %mul3A_395 : vector<16xf32>
        %mul3A_397 = arith.constant 256 : i32
        %mul3A_398 = arith.muli %add3A_101, %mul3A_397 : i32
        %add3A_399 = arith.constant 112 : i32
        %add3A_400 = arith.addi %mul3A_398, %add3A_399 : i32
        %swap3A_401 = arith.index_cast %add3A_400 : i32 to index
        %swap3A_402 = tpu.vector_load %arg11[%swap3A_401] {strides = array<i32>} : memref<8192xf32, #tpu.memory_space<vmem>>, vector<16xf32>,
        %swap3A_403 = vector.shape_cast %swap3A_402 : vector<16xf32> to vector<16xf32>
        %swap3A_404 = vector.shape_cast %add3A_396 : vector<16xf32> to vector<16xf32>
        tpu.vector_store %arg11[%swap3A_401], %swap3A_404 {strides = array<i32>} : memref<8192xf32, #tpu.memory_space<vmem>>, vector<16xf32>,
        %mul3A_405 = arith.constant 3 : i32
        %mul3A_406 = arith.muli %mul3A_405, %add3A_101 : i32
        %get3A_407 = arith.index_cast %mul3A_406 : i32 to index
        %get3A_408 = arith.constant 128 : index
        %get3A_409 = tpu.vector_load %arg7[%get3A_407, %get3A_408] {strides = array<i32>} : memref<96x256xf32, #tpu.memory_space<vmem>>, vector<1x16xf32>,
        %get3A_410 = vector.shape_cast %get3A_409 : vector<1x16xf32> to vector<16xf32>
        %mul3A_411 = arith.constant 3 : i32
        %mul3A_412 = arith.muli %mul3A_411, %add3A_101 : i32
        %add3A_413 = arith.constant 1 : i32
        %add3A_414 = arith.addi %mul3A_412, %add3A_413 : i32
        %get3A_415 = arith.index_cast %add3A_414 : i32 to index
        %get3A_416 = arith.constant 128 : index
        %get3A_417 = tpu.vector_load %arg7[%get3A_415, %get3A_416] {strides = array<i32>} : memref<96x256xf32, #tpu.memory_space<vmem>>, vector<1x16xf32>,
        %get3A_418 = vector.shape_cast %get3A_417 : vector<1x16xf32> to vector<16xf32>
        %mul3A_419 = arith.constant 3 : i32
        %mul3A_420 = arith.muli %mul3A_419, %add3A_101 : i32
        %add3A_421 = arith.constant 2 : i32
        %add3A_422 = arith.addi %mul3A_420, %add3A_421 : i32
        %get3A_423 = arith.index_cast %add3A_422 : i32 to index
        %get3A_424 = arith.constant 128 : index
        %get3A_425 = tpu.vector_load %arg7[%get3A_423, %get3A_424] {strides = array<i32>} : memref<96x256xf32, #tpu.memory_space<vmem>>, vector<1x16xf32>,
        %get3A_426 = vector.shape_cast %get3A_425 : vector<1x16xf32> to vector<16xf32>
        %mul3A_427 = arith.mulf %get3A_410, %get3A_107 : vector<16xf32>
        %mul3A_428 = arith.mulf %get3A_418, %get3A_116 : vector<16xf32>
        %add3A_429 = arith.addf %mul3A_427, %mul3A_428 : vector<16xf32>
        %mul3A_430 = arith.mulf %get3A_426, %get3A_125 : vector<16xf32>
        %add3A_431 = arith.addf %add3A_429, %mul3A_430 : vector<16xf32>
        %mul3A_432 = arith.constant 256 : i32
        %mul3A_433 = arith.muli %add3A_101, %mul3A_432 : i32
        %add3A_434 = arith.constant 128 : i32
        %add3A_435 = arith.addi %mul3A_433, %add3A_434 : i32
        %swap3A_436 = arith.index_cast %add3A_435 : i32 to index
        %swap3A_437 = tpu.vector_load %arg11[%swap3A_436] {strides = array<i32>} : memref<8192xf32, #tpu.memory_space<vmem>>, vector<16xf32>,
        %swap3A_438 = vector.shape_cast %swap3A_437 : vector<16xf32> to vector<16xf32>
        %swap3A_439 = vector.shape_cast %add3A_431 : vector<16xf32> to vector<16xf32>
        tpu.vector_store %arg11[%swap3A_436], %swap3A_439 {strides = array<i32>} : memref<8192xf32, #tpu.memory_space<vmem>>, vector<16xf32>,
        %mul3A_440 = arith.constant 3 : i32
        %mul3A_441 = arith.muli %mul3A_440, %add3A_101 : i32
        %get3A_442 = arith.index_cast %mul3A_441 : i32 to index
        %get3A_443 = arith.constant 144 : index
        %get3A_444 = tpu.vector_load %arg7[%get3A_442, %get3A_443] {strides = array<i32>} : memref<96x256xf32, #tpu.memory_space<vmem>>, vector<1x16xf32>,
        %get3A_445 = vector.shape_cast %get3A_444 : vector<1x16xf32> to vector<16xf32>
        %mul3A_446 = arith.constant 3 : i32
        %mul3A_447 = arith.muli %mul3A_446, %add3A_101 : i32
        %add3A_448 = arith.constant 1 : i32
        %add3A_449 = arith.addi %mul3A_447, %add3A_448 : i32
        %get3A_450 = arith.index_cast %add3A_449 : i32 to index
        %get3A_451 = arith.constant 144 : index
        %get3A_452 = tpu.vector_load %arg7[%get3A_450, %get3A_451] {strides = array<i32>} : memref<96x256xf32, #tpu.memory_space<vmem>>, vector<1x16xf32>,
        %get3A_453 = vector.shape_cast %get3A_452 : vector<1x16xf32> to vector<16xf32>
        %mul3A_454 = arith.constant 3 : i32
        %mul3A_455 = arith.muli %mul3A_454, %add3A_101 : i32
        %add3A_456 = arith.constant 2 : i32
        %add3A_457 = arith.addi %mul3A_455, %add3A_456 : i32
        %get3A_458 = arith.index_cast %add3A_457 : i32 to index
        %get3A_459 = arith.constant 144 : index
        %get3A_460 = tpu.vector_load %arg7[%get3A_458, %get3A_459] {strides = array<i32>} : memref<96x256xf32, #tpu.memory_space<vmem>>, vector<1x16xf32>,
        %get3A_461 = vector.shape_cast %get3A_460 : vector<1x16xf32> to vector<16xf32>
        %mul3A_462 = arith.mulf %get3A_445, %get3A_107 : vector<16xf32>
        %mul3A_463 = arith.mulf %get3A_453, %get3A_116 : vector<16xf32>
        %add3A_464 = arith.addf %mul3A_462, %mul3A_463 : vector<16xf32>
        %mul3A_465 = arith.mulf %get3A_461, %get3A_125 : vector<16xf32>
        %add3A_466 = arith.addf %add3A_464, %mul3A_465 : vector<16xf32>
        %mul3A_467 = arith.constant 256 : i32
        %mul3A_468 = arith.muli %add3A_101, %mul3A_467 : i32
        %add3A_469 = arith.constant 144 : i32
        %add3A_470 = arith.addi %mul3A_468, %add3A_469 : i32
        %swap3A_471 = arith.index_cast %add3A_470 : i32 to index
        %swap3A_472 = tpu.vector_load %arg11[%swap3A_471] {strides = array<i32>} : memref<8192xf32, #tpu.memory_space<vmem>>, vector<16xf32>,
        %swap3A_473 = vector.shape_cast %swap3A_472 : vector<16xf32> to vector<16xf32>
        %swap3A_474 = vector.shape_cast %add3A_466 : vector<16xf32> to vector<16xf32>
        tpu.vector_store %arg11[%swap3A_471], %swap3A_474 {strides = array<i32>} : memref<8192xf32, #tpu.memory_space<vmem>>, vector<16xf32>,
        %mul3A_475 = arith.constant 3 : i32
        %mul3A_476 = arith.muli %mul3A_475, %add3A_101 : i32
        %get3A_477 = arith.index_cast %mul3A_476 : i32 to index
        %get3A_478 = arith.constant 160 : index
        %get3A_479 = tpu.vector_load %arg7[%get3A_477, %get3A_478] {strides = array<i32>} : memref<96x256xf32, #tpu.memory_space<vmem>>, vector<1x16xf32>,
        %get3A_480 = vector.shape_cast %get3A_479 : vector<1x16xf32> to vector<16xf32>
        %mul3A_481 = arith.constant 3 : i32
        %mul3A_482 = arith.muli %mul3A_481, %add3A_101 : i32
        %add3A_483 = arith.constant 1 : i32
        %add3A_484 = arith.addi %mul3A_482, %add3A_483 : i32
        %get3A_485 = arith.index_cast %add3A_484 : i32 to index
        %get3A_486 = arith.constant 160 : index
        %get3A_487 = tpu.vector_load %arg7[%get3A_485, %get3A_486] {strides = array<i32>} : memref<96x256xf32, #tpu.memory_space<vmem>>, vector<1x16xf32>,
        %get3A_488 = vector.shape_cast %get3A_487 : vector<1x16xf32> to vector<16xf32>
        %mul3A_489 = arith.constant 3 : i32
        %mul3A_490 = arith.muli %mul3A_489, %add3A_101 : i32
        %add3A_491 = arith.constant 2 : i32
        %add3A_492 = arith.addi %mul3A_490, %add3A_491 : i32
        %get3A_493 = arith.index_cast %add3A_492 : i32 to index
        %get3A_494 = arith.constant 160 : index
        %get3A_495 = tpu.vector_load %arg7[%get3A_493, %get3A_494] {strides = array<i32>} : memref<96x256xf32, #tpu.memory_space<vmem>>, vector<1x16xf32>,
        %get3A_496 = vector.shape_cast %get3A_495 : vector<1x16xf32> to vector<16xf32>
        %mul3A_497 = arith.mulf %get3A_480, %get3A_107 : vector<16xf32>
        %mul3A_498 = arith.mulf %get3A_488, %get3A_116 : vector<16xf32>
        %add3A_499 = arith.addf %mul3A_497, %mul3A_498 : vector<16xf32>
        %mul3A_500 = arith.mulf %get3A_496, %get3A_125 : vector<16xf32>
        %add3A_501 = arith.addf %add3A_499, %mul3A_500 : vector<16xf32>
        %mul3A_502 = arith.constant 256 : i32
        %mul3A_503 = arith.muli %add3A_101, %mul3A_502 : i32
        %add3A_504 = arith.constant 160 : i32
        %add3A_505 = arith.addi %mul3A_503, %add3A_504 : i32
        %swap3A_506 = arith.index_cast %add3A_505 : i32 to index
        %swap3A_507 = tpu.vector_load %arg11[%swap3A_506] {strides = array<i32>} : memref<8192xf32, #tpu.memory_space<vmem>>, vector<16xf32>,
        %swap3A_508 = vector.shape_cast %swap3A_507 : vector<16xf32> to vector<16xf32>
        %swap3A_509 = vector.shape_cast %add3A_501 : vector<16xf32> to vector<16xf32>
        tpu.vector_store %arg11[%swap3A_506], %swap3A_509 {strides = array<i32>} : memref<8192xf32, #tpu.memory_space<vmem>>, vector<16xf32>,
        %mul3A_510 = arith.constant 3 : i32
        %mul3A_511 = arith.muli %mul3A_510, %add3A_101 : i32
        %get3A_512 = arith.index_cast %mul3A_511 : i32 to index
        %get3A_513 = arith.constant 176 : index
        %get3A_514 = tpu.vector_load %arg7[%get3A_512, %get3A_513] {strides = array<i32>} : memref<96x256xf32, #tpu.memory_space<vmem>>, vector<1x16xf32>,
        %get3A_515 = vector.shape_cast %get3A_514 : vector<1x16xf32> to vector<16xf32>
        %mul3A_516 = arith.constant 3 : i32
        %mul3A_517 = arith.muli %mul3A_516, %add3A_101 : i32
        %add3A_518 = arith.constant 1 : i32
        %add3A_519 = arith.addi %mul3A_517, %add3A_518 : i32
        %get3A_520 = arith.index_cast %add3A_519 : i32 to index
        %get3A_521 = arith.constant 176 : index
        %get3A_522 = tpu.vector_load %arg7[%get3A_520, %get3A_521] {strides = array<i32>} : memref<96x256xf32, #tpu.memory_space<vmem>>, vector<1x16xf32>,
        %get3A_523 = vector.shape_cast %get3A_522 : vector<1x16xf32> to vector<16xf32>
        %mul3A_524 = arith.constant 3 : i32
        %mul3A_525 = arith.muli %mul3A_524, %add3A_101 : i32
        %add3A_526 = arith.constant 2 : i32
        %add3A_527 = arith.addi %mul3A_525, %add3A_526 : i32
        %get3A_528 = arith.index_cast %add3A_527 : i32 to index
        %get3A_529 = arith.constant 176 : index
        %get3A_530 = tpu.vector_load %arg7[%get3A_528, %get3A_529] {strides = array<i32>} : memref<96x256xf32, #tpu.memory_space<vmem>>, vector<1x16xf32>,
        %get3A_531 = vector.shape_cast %get3A_530 : vector<1x16xf32> to vector<16xf32>
        %mul3A_532 = arith.mulf %get3A_515, %get3A_107 : vector<16xf32>
        %mul3A_533 = arith.mulf %get3A_523, %get3A_116 : vector<16xf32>
        %add3A_534 = arith.addf %mul3A_532, %mul3A_533 : vector<16xf32>
        %mul3A_535 = arith.mulf %get3A_531, %get3A_125 : vector<16xf32>
        %add3A_536 = arith.addf %add3A_534, %mul3A_535 : vector<16xf32>
        %mul3A_537 = arith.constant 256 : i32
        %mul3A_538 = arith.muli %add3A_101, %mul3A_537 : i32
        %add3A_539 = arith.constant 176 : i32
        %add3A_540 = arith.addi %mul3A_538, %add3A_539 : i32
        %swap3A_541 = arith.index_cast %add3A_540 : i32 to index
        %swap3A_542 = tpu.vector_load %arg11[%swap3A_541] {strides = array<i32>} : memref<8192xf32, #tpu.memory_space<vmem>>, vector<16xf32>,
        %swap3A_543 = vector.shape_cast %swap3A_542 : vector<16xf32> to vector<16xf32>
        %swap3A_544 = vector.shape_cast %add3A_536 : vector<16xf32> to vector<16xf32>
        tpu.vector_store %arg11[%swap3A_541], %swap3A_544 {strides = array<i32>} : memref<8192xf32, #tpu.memory_space<vmem>>, vector<16xf32>,
        %mul3A_545 = arith.constant 3 : i32
        %mul3A_546 = arith.muli %mul3A_545, %add3A_101 : i32
        %get3A_547 = arith.index_cast %mul3A_546 : i32 to index
        %get3A_548 = arith.constant 192 : index
        %get3A_549 = tpu.vector_load %arg7[%get3A_547, %get3A_548] {strides = array<i32>} : memref<96x256xf32, #tpu.memory_space<vmem>>, vector<1x16xf32>,
        %get3A_550 = vector.shape_cast %get3A_549 : vector<1x16xf32> to vector<16xf32>
        %mul3A_551 = arith.constant 3 : i32
        %mul3A_552 = arith.muli %mul3A_551, %add3A_101 : i32
        %add3A_553 = arith.constant 1 : i32
        %add3A_554 = arith.addi %mul3A_552, %add3A_553 : i32
        %get3A_555 = arith.index_cast %add3A_554 : i32 to index
        %get3A_556 = arith.constant 192 : index
        %get3A_557 = tpu.vector_load %arg7[%get3A_555, %get3A_556] {strides = array<i32>} : memref<96x256xf32, #tpu.memory_space<vmem>>, vector<1x16xf32>,
        %get3A_558 = vector.shape_cast %get3A_557 : vector<1x16xf32> to vector<16xf32>
        %mul3A_559 = arith.constant 3 : i32
        %mul3A_560 = arith.muli %mul3A_559, %add3A_101 : i32
        %add3A_561 = arith.constant 2 : i32
        %add3A_562 = arith.addi %mul3A_560, %add3A_561 : i32
        %get3A_563 = arith.index_cast %add3A_562 : i32 to index
        %get3A_564 = arith.constant 192 : index
        %get3A_565 = tpu.vector_load %arg7[%get3A_563, %get3A_564] {strides = array<i32>} : memref<96x256xf32, #tpu.memory_space<vmem>>, vector<1x16xf32>,
        %get3A_566 = vector.shape_cast %get3A_565 : vector<1x16xf32> to vector<16xf32>
        %mul3A_567 = arith.mulf %get3A_550, %get3A_107 : vector<16xf32>
        %mul3A_568 = arith.mulf %get3A_558, %get3A_116 : vector<16xf32>
        %add3A_569 = arith.addf %mul3A_567, %mul3A_568 : vector<16xf32>
        %mul3A_570 = arith.mulf %get3A_566, %get3A_125 : vector<16xf32>
        %add3A_571 = arith.addf %add3A_569, %mul3A_570 : vector<16xf32>
        %mul3A_572 = arith.constant 256 : i32
        %mul3A_573 = arith.muli %add3A_101, %mul3A_572 : i32
        %add3A_574 = arith.constant 192 : i32
        %add3A_575 = arith.addi %mul3A_573, %add3A_574 : i32
        %swap3A_576 = arith.index_cast %add3A_575 : i32 to index
        %swap3A_577 = tpu.vector_load %arg11[%swap3A_576] {strides = array<i32>} : memref<8192xf32, #tpu.memory_space<vmem>>, vector<16xf32>,
        %swap3A_578 = vector.shape_cast %swap3A_577 : vector<16xf32> to vector<16xf32>
        %swap3A_579 = vector.shape_cast %add3A_571 : vector<16xf32> to vector<16xf32>
        tpu.vector_store %arg11[%swap3A_576], %swap3A_579 {strides = array<i32>} : memref<8192xf32, #tpu.memory_space<vmem>>, vector<16xf32>,
        %mul3A_580 = arith.constant 3 : i32
        %mul3A_581 = arith.muli %mul3A_580, %add3A_101 : i32
        %get3A_582 = arith.index_cast %mul3A_581 : i32 to index
        %get3A_583 = arith.constant 208 : index
        %get3A_584 = tpu.vector_load %arg7[%get3A_582, %get3A_583] {strides = array<i32>} : memref<96x256xf32, #tpu.memory_space<vmem>>, vector<1x16xf32>,
        %get3A_585 = vector.shape_cast %get3A_584 : vector<1x16xf32> to vector<16xf32>
        %mul3A_586 = arith.constant 3 : i32
        %mul3A_587 = arith.muli %mul3A_586, %add3A_101 : i32
        %add3A_588 = arith.constant 1 : i32
        %add3A_589 = arith.addi %mul3A_587, %add3A_588 : i32
        %get3A_590 = arith.index_cast %add3A_589 : i32 to index
        %get3A_591 = arith.constant 208 : index
        %get3A_592 = tpu.vector_load %arg7[%get3A_590, %get3A_591] {strides = array<i32>} : memref<96x256xf32, #tpu.memory_space<vmem>>, vector<1x16xf32>,
        %get3A_593 = vector.shape_cast %get3A_592 : vector<1x16xf32> to vector<16xf32>
        %mul3A_594 = arith.constant 3 : i32
        %mul3A_595 = arith.muli %mul3A_594, %add3A_101 : i32
        %add3A_596 = arith.constant 2 : i32
        %add3A_597 = arith.addi %mul3A_595, %add3A_596 : i32
        %get3A_598 = arith.index_cast %add3A_597 : i32 to index
        %get3A_599 = arith.constant 208 : index
        %get3A_600 = tpu.vector_load %arg7[%get3A_598, %get3A_599] {strides = array<i32>} : memref<96x256xf32, #tpu.memory_space<vmem>>, vector<1x16xf32>,
        %get3A_601 = vector.shape_cast %get3A_600 : vector<1x16xf32> to vector<16xf32>
        %mul3A_602 = arith.mulf %get3A_585, %get3A_107 : vector<16xf32>
        %mul3A_603 = arith.mulf %get3A_593, %get3A_116 : vector<16xf32>
        %add3A_604 = arith.addf %mul3A_602, %mul3A_603 : vector<16xf32>
        %mul3A_605 = arith.mulf %get3A_601, %get3A_125 : vector<16xf32>
        %add3A_606 = arith.addf %add3A_604, %mul3A_605 : vector<16xf32>
        %mul3A_607 = arith.constant 256 : i32
        %mul3A_608 = arith.muli %add3A_101, %mul3A_607 : i32
        %add3A_609 = arith.constant 208 : i32
        %add3A_610 = arith.addi %mul3A_608, %add3A_609 : i32
        %swap3A_611 = arith.index_cast %add3A_610 : i32 to index
        %swap3A_612 = tpu.vector_load %arg11[%swap3A_611] {strides = array<i32>} : memref<8192xf32, #tpu.memory_space<vmem>>, vector<16xf32>,
        %swap3A_613 = vector.shape_cast %swap3A_612 : vector<16xf32> to vector<16xf32>
        %swap3A_614 = vector.shape_cast %add3A_606 : vector<16xf32> to vector<16xf32>
        tpu.vector_store %arg11[%swap3A_611], %swap3A_614 {strides = array<i32>} : memref<8192xf32, #tpu.memory_space<vmem>>, vector<16xf32>,
        %mul3A_615 = arith.constant 3 : i32
        %mul3A_616 = arith.muli %mul3A_615, %add3A_101 : i32
        %get3A_617 = arith.index_cast %mul3A_616 : i32 to index
        %get3A_618 = arith.constant 224 : index
        %get3A_619 = tpu.vector_load %arg7[%get3A_617, %get3A_618] {strides = array<i32>} : memref<96x256xf32, #tpu.memory_space<vmem>>, vector<1x16xf32>,
        %get3A_620 = vector.shape_cast %get3A_619 : vector<1x16xf32> to vector<16xf32>
        %mul3A_621 = arith.constant 3 : i32
        %mul3A_622 = arith.muli %mul3A_621, %add3A_101 : i32
        %add3A_623 = arith.constant 1 : i32
        %add3A_624 = arith.addi %mul3A_622, %add3A_623 : i32
        %get3A_625 = arith.index_cast %add3A_624 : i32 to index
        %get3A_626 = arith.constant 224 : index
        %get3A_627 = tpu.vector_load %arg7[%get3A_625, %get3A_626] {strides = array<i32>} : memref<96x256xf32, #tpu.memory_space<vmem>>, vector<1x16xf32>,
        %get3A_628 = vector.shape_cast %get3A_627 : vector<1x16xf32> to vector<16xf32>
        %mul3A_629 = arith.constant 3 : i32
        %mul3A_630 = arith.muli %mul3A_629, %add3A_101 : i32
        %add3A_631 = arith.constant 2 : i32
        %add3A_632 = arith.addi %mul3A_630, %add3A_631 : i32
        %get3A_633 = arith.index_cast %add3A_632 : i32 to index
        %get3A_634 = arith.constant 224 : index
        %get3A_635 = tpu.vector_load %arg7[%get3A_633, %get3A_634] {strides = array<i32>} : memref<96x256xf32, #tpu.memory_space<vmem>>, vector<1x16xf32>,
        %get3A_636 = vector.shape_cast %get3A_635 : vector<1x16xf32> to vector<16xf32>
        %mul3A_637 = arith.mulf %get3A_620, %get3A_107 : vector<16xf32>
        %mul3A_638 = arith.mulf %get3A_628, %get3A_116 : vector<16xf32>
        %add3A_639 = arith.addf %mul3A_637, %mul3A_638 : vector<16xf32>
        %mul3A_640 = arith.mulf %get3A_636, %get3A_125 : vector<16xf32>
        %add3A_641 = arith.addf %add3A_639, %mul3A_640 : vector<16xf32>
        %mul3A_642 = arith.constant 256 : i32
        %mul3A_643 = arith.muli %add3A_101, %mul3A_642 : i32
        %add3A_644 = arith.constant 224 : i32
        %add3A_645 = arith.addi %mul3A_643, %add3A_644 : i32
        %swap3A_646 = arith.index_cast %add3A_645 : i32 to index
        %swap3A_647 = tpu.vector_load %arg11[%swap3A_646] {strides = array<i32>} : memref<8192xf32, #tpu.memory_space<vmem>>, vector<16xf32>,
        %swap3A_648 = vector.shape_cast %swap3A_647 : vector<16xf32> to vector<16xf32>
        %swap3A_649 = vector.shape_cast %add3A_641 : vector<16xf32> to vector<16xf32>
        tpu.vector_store %arg11[%swap3A_646], %swap3A_649 {strides = array<i32>} : memref<8192xf32, #tpu.memory_space<vmem>>, vector<16xf32>,
        %mul3A_650 = arith.constant 3 : i32
        %mul3A_651 = arith.muli %mul3A_650, %add3A_101 : i32
        %get3A_652 = arith.index_cast %mul3A_651 : i32 to index
        %get3A_653 = arith.constant 240 : index
        %get3A_654 = tpu.vector_load %arg7[%get3A_652, %get3A_653] {strides = array<i32>} : memref<96x256xf32, #tpu.memory_space<vmem>>, vector<1x16xf32>,
        %get3A_655 = vector.shape_cast %get3A_654 : vector<1x16xf32> to vector<16xf32>
        %mul3A_656 = arith.constant 3 : i32
        %mul3A_657 = arith.muli %mul3A_656, %add3A_101 : i32
        %add3A_658 = arith.constant 1 : i32
        %add3A_659 = arith.addi %mul3A_657, %add3A_658 : i32
        %get3A_660 = arith.index_cast %add3A_659 : i32 to index
        %get3A_661 = arith.constant 240 : index
        %get3A_662 = tpu.vector_load %arg7[%get3A_660, %get3A_661] {strides = array<i32>} : memref<96x256xf32, #tpu.memory_space<vmem>>, vector<1x16xf32>,
        %get3A_663 = vector.shape_cast %get3A_662 : vector<1x16xf32> to vector<16xf32>
        %mul3A_664 = arith.constant 3 : i32
        %mul3A_665 = arith.muli %mul3A_664, %add3A_101 : i32
        %add3A_666 = arith.constant 2 : i32
        %add3A_667 = arith.addi %mul3A_665, %add3A_666 : i32
        %get3A_668 = arith.index_cast %add3A_667 : i32 to index
        %get3A_669 = arith.constant 240 : index
        %get3A_670 = tpu.vector_load %arg7[%get3A_668, %get3A_669] {strides = array<i32>} : memref<96x256xf32, #tpu.memory_space<vmem>>, vector<1x16xf32>,
        %get3A_671 = vector.shape_cast %get3A_670 : vector<1x16xf32> to vector<16xf32>
        %mul3A_672 = arith.mulf %get3A_655, %get3A_107 : vector<16xf32>
        %mul3A_673 = arith.mulf %get3A_663, %get3A_116 : vector<16xf32>
        %add3A_674 = arith.addf %mul3A_672, %mul3A_673 : vector<16xf32>
        %mul3A_675 = arith.mulf %get3A_671, %get3A_125 : vector<16xf32>
        %add3A_676 = arith.addf %add3A_674, %mul3A_675 : vector<16xf32>
        %mul3A_677 = arith.constant 256 : i32
        %mul3A_678 = arith.muli %add3A_101, %mul3A_677 : i32
        %add3A_679 = arith.constant 240 : i32
        %add3A_680 = arith.addi %mul3A_678, %add3A_679 : i32
        %swap3A_681 = arith.index_cast %add3A_680 : i32 to index
        %swap3A_682 = tpu.vector_load %arg11[%swap3A_681] {strides = array<i32>} : memref<8192xf32, #tpu.memory_space<vmem>>, vector<16xf32>,
        %swap3A_683 = vector.shape_cast %swap3A_682 : vector<16xf32> to vector<16xf32>
        %swap3A_684 = vector.shape_cast %add3A_676 : vector<16xf32> to vector<16xf32>
        tpu.vector_store %arg11[%swap3A_681], %swap3A_684 {strides = array<i32>} : memref<8192xf32, #tpu.memory_space<vmem>>, vector<16xf32>,
        %mul3A_685 = arith.constant 2 : i32
        %mul3A_686 = arith.muli %mul3A_685, %scan3A_96 : i32
        %add3A_687 = arith.constant 1 : i32
        %add3A_688 = arith.addi %mul3A_686, %add3A_687 : i32
        %mul3A_689 = arith.constant 3 : i32
        %mul3A_690 = arith.muli %mul3A_689, %add3A_688 : i32
        %mul3A_691 = arith.constant 16 : i32
        %mul3A_692 = arith.muli %mul3A_690, %mul3A_691 : i32
        %get3A_693 = arith.index_cast %mul3A_692 : i32 to index
        %get3A_694 = tpu.vector_load %arg9[%get3A_693] {strides = array<i32>} : memref<1536xf32, #tpu.memory_space<vmem>>, vector<16xf32>,
        %get3A_695 = vector.shape_cast %get3A_694 : vector<16xf32> to vector<16xf32>
        %mul3A_696 = arith.constant 3 : i32
        %mul3A_697 = arith.muli %mul3A_696, %add3A_688 : i32
        %add3A_698 = arith.constant 1 : i32
        %add3A_699 = arith.addi %mul3A_697, %add3A_698 : i32
        %mul3A_700 = arith.constant 16 : i32
        %mul3A_701 = arith.muli %add3A_699, %mul3A_700 : i32
        %get3A_702 = arith.index_cast %mul3A_701 : i32 to index
        %get3A_703 = tpu.vector_load %arg9[%get3A_702] {strides = array<i32>} : memref<1536xf32, #tpu.memory_space<vmem>>, vector<16xf32>,
        %get3A_704 = vector.shape_cast %get3A_703 : vector<16xf32> to vector<16xf32>
        %mul3A_705 = arith.constant 3 : i32
        %mul3A_706 = arith.muli %mul3A_705, %add3A_688 : i32
        %add3A_707 = arith.constant 2 : i32
        %add3A_708 = arith.addi %mul3A_706, %add3A_707 : i32
        %mul3A_709 = arith.constant 16 : i32
        %mul3A_710 = arith.muli %add3A_708, %mul3A_709 : i32
        %get3A_711 = arith.index_cast %mul3A_710 : i32 to index
        %get3A_712 = tpu.vector_load %arg9[%get3A_711] {strides = array<i32>} : memref<1536xf32, #tpu.memory_space<vmem>>, vector<16xf32>,
        %get3A_713 = vector.shape_cast %get3A_712 : vector<16xf32> to vector<16xf32>
        %mul3A_714 = arith.constant 3 : i32
        %mul3A_715 = arith.muli %mul3A_714, %add3A_688 : i32
        %get3A_716 = arith.index_cast %mul3A_715 : i32 to index
        %get3A_717 = arith.constant 0 : index
        %get3A_718 = tpu.vector_load %arg7[%get3A_716, %get3A_717] {strides = array<i32>} : memref<96x256xf32, #tpu.memory_space<vmem>>, vector<1x16xf32>,
        %get3A_719 = vector.shape_cast %get3A_718 : vector<1x16xf32> to vector<16xf32>
        %mul3A_720 = arith.constant 3 : i32
        %mul3A_721 = arith.muli %mul3A_720, %add3A_688 : i32
        %add3A_722 = arith.constant 1 : i32
        %add3A_723 = arith.addi %mul3A_721, %add3A_722 : i32
        %get3A_724 = arith.index_cast %add3A_723 : i32 to index
        %get3A_725 = arith.constant 0 : index
        %get3A_726 = tpu.vector_load %arg7[%get3A_724, %get3A_725] {strides = array<i32>} : memref<96x256xf32, #tpu.memory_space<vmem>>, vector<1x16xf32>,
        %get3A_727 = vector.shape_cast %get3A_726 : vector<1x16xf32> to vector<16xf32>
        %mul3A_728 = arith.constant 3 : i32
        %mul3A_729 = arith.muli %mul3A_728, %add3A_688 : i32
        %add3A_730 = arith.constant 2 : i32
        %add3A_731 = arith.addi %mul3A_729, %add3A_730 : i32
        %get3A_732 = arith.index_cast %add3A_731 : i32 to index
        %get3A_733 = arith.constant 0 : index
        %get3A_734 = tpu.vector_load %arg7[%get3A_732, %get3A_733] {strides = array<i32>} : memref<96x256xf32, #tpu.memory_space<vmem>>, vector<1x16xf32>,
        %get3A_735 = vector.shape_cast %get3A_734 : vector<1x16xf32> to vector<16xf32>
        %mul3A_736 = arith.mulf %get3A_719, %get3A_695 : vector<16xf32>
        %mul3A_737 = arith.mulf %get3A_727, %get3A_704 : vector<16xf32>
        %add3A_738 = arith.addf %mul3A_736, %mul3A_737 : vector<16xf32>
        %mul3A_739 = arith.mulf %get3A_735, %get3A_713 : vector<16xf32>
        %add3A_740 = arith.addf %add3A_738, %mul3A_739 : vector<16xf32>
        %mul3A_741 = arith.constant 256 : i32
        %mul3A_742 = arith.muli %add3A_688, %mul3A_741 : i32
        %add3A_743 = arith.constant 0 : i32
        %add3A_744 = arith.addi %mul3A_742, %add3A_743 : i32
        %swap3A_745 = arith.index_cast %add3A_744 : i32 to index
        %swap3A_746 = tpu.vector_load %arg11[%swap3A_745] {strides = array<i32>} : memref<8192xf32, #tpu.memory_space<vmem>>, vector<16xf32>,
        %swap3A_747 = vector.shape_cast %swap3A_746 : vector<16xf32> to vector<16xf32>
        %swap3A_748 = vector.shape_cast %add3A_740 : vector<16xf32> to vector<16xf32>
        tpu.vector_store %arg11[%swap3A_745], %swap3A_748 {strides = array<i32>} : memref<8192xf32, #tpu.memory_space<vmem>>, vector<16xf32>,
        %mul3A_749 = arith.constant 3 : i32
        %mul3A_750 = arith.muli %mul3A_749, %add3A_688 : i32
        %get3A_751 = arith.index_cast %mul3A_750 : i32 to index
        %get3A_752 = arith.constant 16 : index
        %get3A_753 = tpu.vector_load %arg7[%get3A_751, %get3A_752] {strides = array<i32>} : memref<96x256xf32, #tpu.memory_space<vmem>>, vector<1x16xf32>,
        %get3A_754 = vector.shape_cast %get3A_753 : vector<1x16xf32> to vector<16xf32>
        %mul3A_755 = arith.constant 3 : i32
        %mul3A_756 = arith.muli %mul3A_755, %add3A_688 : i32
        %add3A_757 = arith.constant 1 : i32
        %add3A_758 = arith.addi %mul3A_756, %add3A_757 : i32
        %get3A_759 = arith.index_cast %add3A_758 : i32 to index
        %get3A_760 = arith.constant 16 : index
        %get3A_761 = tpu.vector_load %arg7[%get3A_759, %get3A_760] {strides = array<i32>} : memref<96x256xf32, #tpu.memory_space<vmem>>, vector<1x16xf32>,
        %get3A_762 = vector.shape_cast %get3A_761 : vector<1x16xf32> to vector<16xf32>
        %mul3A_763 = arith.constant 3 : i32
        %mul3A_764 = arith.muli %mul3A_763, %add3A_688 : i32
        %add3A_765 = arith.constant 2 : i32
        %add3A_766 = arith.addi %mul3A_764, %add3A_765 : i32
        %get3A_767 = arith.index_cast %add3A_766 : i32 to index
        %get3A_768 = arith.constant 16 : index
        %get3A_769 = tpu.vector_load %arg7[%get3A_767, %get3A_768] {strides = array<i32>} : memref<96x256xf32, #tpu.memory_space<vmem>>, vector<1x16xf32>,
        %get3A_770 = vector.shape_cast %get3A_769 : vector<1x16xf32> to vector<16xf32>
        %mul3A_771 = arith.mulf %get3A_754, %get3A_695 : vector<16xf32>
        %mul3A_772 = arith.mulf %get3A_762, %get3A_704 : vector<16xf32>
        %add3A_773 = arith.addf %mul3A_771, %mul3A_772 : vector<16xf32>
        %mul3A_774 = arith.mulf %get3A_770, %get3A_713 : vector<16xf32>
        %add3A_775 = arith.addf %add3A_773, %mul3A_774 : vector<16xf32>
        %mul3A_776 = arith.constant 256 : i32
        %mul3A_777 = arith.muli %add3A_688, %mul3A_776 : i32
        %add3A_778 = arith.constant 16 : i32
        %add3A_779 = arith.addi %mul3A_777, %add3A_778 : i32
        %swap3A_780 = arith.index_cast %add3A_779 : i32 to index
        %swap3A_781 = tpu.vector_load %arg11[%swap3A_780] {strides = array<i32>} : memref<8192xf32, #tpu.memory_space<vmem>>, vector<16xf32>,
        %swap3A_782 = vector.shape_cast %swap3A_781 : vector<16xf32> to vector<16xf32>
        %swap3A_783 = vector.shape_cast %add3A_775 : vector<16xf32> to vector<16xf32>
        tpu.vector_store %arg11[%swap3A_780], %swap3A_783 {strides = array<i32>} : memref<8192xf32, #tpu.memory_space<vmem>>, vector<16xf32>,
        %mul3A_784 = arith.constant 3 : i32
        %mul3A_785 = arith.muli %mul3A_784, %add3A_688 : i32
        %get3A_786 = arith.index_cast %mul3A_785 : i32 to index
        %get3A_787 = arith.constant 32 : index
        %get3A_788 = tpu.vector_load %arg7[%get3A_786, %get3A_787] {strides = array<i32>} : memref<96x256xf32, #tpu.memory_space<vmem>>, vector<1x16xf32>,
        %get3A_789 = vector.shape_cast %get3A_788 : vector<1x16xf32> to vector<16xf32>
        %mul3A_790 = arith.constant 3 : i32
        %mul3A_791 = arith.muli %mul3A_790, %add3A_688 : i32
        %add3A_792 = arith.constant 1 : i32
        %add3A_793 = arith.addi %mul3A_791, %add3A_792 : i32
        %get3A_794 = arith.index_cast %add3A_793 : i32 to index
        %get3A_795 = arith.constant 32 : index
        %get3A_796 = tpu.vector_load %arg7[%get3A_794, %get3A_795] {strides = array<i32>} : memref<96x256xf32, #tpu.memory_space<vmem>>, vector<1x16xf32>,
        %get3A_797 = vector.shape_cast %get3A_796 : vector<1x16xf32> to vector<16xf32>
        %mul3A_798 = arith.constant 3 : i32
        %mul3A_799 = arith.muli %mul3A_798, %add3A_688 : i32
        %add3A_800 = arith.constant 2 : i32
        %add3A_801 = arith.addi %mul3A_799, %add3A_800 : i32
        %get3A_802 = arith.index_cast %add3A_801 : i32 to index
        %get3A_803 = arith.constant 32 : index
        %get3A_804 = tpu.vector_load %arg7[%get3A_802, %get3A_803] {strides = array<i32>} : memref<96x256xf32, #tpu.memory_space<vmem>>, vector<1x16xf32>,
        %get3A_805 = vector.shape_cast %get3A_804 : vector<1x16xf32> to vector<16xf32>
        %mul3A_806 = arith.mulf %get3A_789, %get3A_695 : vector<16xf32>
        %mul3A_807 = arith.mulf %get3A_797, %get3A_704 : vector<16xf32>
        %add3A_808 = arith.addf %mul3A_806, %mul3A_807 : vector<16xf32>
        %mul3A_809 = arith.mulf %get3A_805, %get3A_713 : vector<16xf32>
        %add3A_810 = arith.addf %add3A_808, %mul3A_809 : vector<16xf32>
        %mul3A_811 = arith.constant 256 : i32
        %mul3A_812 = arith.muli %add3A_688, %mul3A_811 : i32
        %add3A_813 = arith.constant 32 : i32
        %add3A_814 = arith.addi %mul3A_812, %add3A_813 : i32
        %swap3A_815 = arith.index_cast %add3A_814 : i32 to index
        %swap3A_816 = tpu.vector_load %arg11[%swap3A_815] {strides = array<i32>} : memref<8192xf32, #tpu.memory_space<vmem>>, vector<16xf32>,
        %swap3A_817 = vector.shape_cast %swap3A_816 : vector<16xf32> to vector<16xf32>
        %swap3A_818 = vector.shape_cast %add3A_810 : vector<16xf32> to vector<16xf32>
        tpu.vector_store %arg11[%swap3A_815], %swap3A_818 {strides = array<i32>} : memref<8192xf32, #tpu.memory_space<vmem>>, vector<16xf32>,
        %mul3A_819 = arith.constant 3 : i32
        %mul3A_820 = arith.muli %mul3A_819, %add3A_688 : i32
        %get3A_821 = arith.index_cast %mul3A_820 : i32 to index
        %get3A_822 = arith.constant 48 : index
        %get3A_823 = tpu.vector_load %arg7[%get3A_821, %get3A_822] {strides = array<i32>} : memref<96x256xf32, #tpu.memory_space<vmem>>, vector<1x16xf32>,
        %get3A_824 = vector.shape_cast %get3A_823 : vector<1x16xf32> to vector<16xf32>
        %mul3A_825 = arith.constant 3 : i32
        %mul3A_826 = arith.muli %mul3A_825, %add3A_688 : i32
        %add3A_827 = arith.constant 1 : i32
        %add3A_828 = arith.addi %mul3A_826, %add3A_827 : i32
        %get3A_829 = arith.index_cast %add3A_828 : i32 to index
        %get3A_830 = arith.constant 48 : index
        %get3A_831 = tpu.vector_load %arg7[%get3A_829, %get3A_830] {strides = array<i32>} : memref<96x256xf32, #tpu.memory_space<vmem>>, vector<1x16xf32>,
        %get3A_832 = vector.shape_cast %get3A_831 : vector<1x16xf32> to vector<16xf32>
        %mul3A_833 = arith.constant 3 : i32
        %mul3A_834 = arith.muli %mul3A_833, %add3A_688 : i32
        %add3A_835 = arith.constant 2 : i32
        %add3A_836 = arith.addi %mul3A_834, %add3A_835 : i32
        %get3A_837 = arith.index_cast %add3A_836 : i32 to index
        %get3A_838 = arith.constant 48 : index
        %get3A_839 = tpu.vector_load %arg7[%get3A_837, %get3A_838] {strides = array<i32>} : memref<96x256xf32, #tpu.memory_space<vmem>>, vector<1x16xf32>,
        %get3A_840 = vector.shape_cast %get3A_839 : vector<1x16xf32> to vector<16xf32>
        %mul3A_841 = arith.mulf %get3A_824, %get3A_695 : vector<16xf32>
        %mul3A_842 = arith.mulf %get3A_832, %get3A_704 : vector<16xf32>
        %add3A_843 = arith.addf %mul3A_841, %mul3A_842 : vector<16xf32>
        %mul3A_844 = arith.mulf %get3A_840, %get3A_713 : vector<16xf32>
        %add3A_845 = arith.addf %add3A_843, %mul3A_844 : vector<16xf32>
        %mul3A_846 = arith.constant 256 : i32
        %mul3A_847 = arith.muli %add3A_688, %mul3A_846 : i32
        %add3A_848 = arith.constant 48 : i32
        %add3A_849 = arith.addi %mul3A_847, %add3A_848 : i32
        %swap3A_850 = arith.index_cast %add3A_849 : i32 to index
        %swap3A_851 = tpu.vector_load %arg11[%swap3A_850] {strides = array<i32>} : memref<8192xf32, #tpu.memory_space<vmem>>, vector<16xf32>,
        %swap3A_852 = vector.shape_cast %swap3A_851 : vector<16xf32> to vector<16xf32>
        %swap3A_853 = vector.shape_cast %add3A_845 : vector<16xf32> to vector<16xf32>
        tpu.vector_store %arg11[%swap3A_850], %swap3A_853 {strides = array<i32>} : memref<8192xf32, #tpu.memory_space<vmem>>, vector<16xf32>,
        %mul3A_854 = arith.constant 3 : i32
        %mul3A_855 = arith.muli %mul3A_854, %add3A_688 : i32
        %get3A_856 = arith.index_cast %mul3A_855 : i32 to index
        %get3A_857 = arith.constant 64 : index
        %get3A_858 = tpu.vector_load %arg7[%get3A_856, %get3A_857] {strides = array<i32>} : memref<96x256xf32, #tpu.memory_space<vmem>>, vector<1x16xf32>,
        %get3A_859 = vector.shape_cast %get3A_858 : vector<1x16xf32> to vector<16xf32>
        %mul3A_860 = arith.constant 3 : i32
        %mul3A_861 = arith.muli %mul3A_860, %add3A_688 : i32
        %add3A_862 = arith.constant 1 : i32
        %add3A_863 = arith.addi %mul3A_861, %add3A_862 : i32
        %get3A_864 = arith.index_cast %add3A_863 : i32 to index
        %get3A_865 = arith.constant 64 : index
        %get3A_866 = tpu.vector_load %arg7[%get3A_864, %get3A_865] {strides = array<i32>} : memref<96x256xf32, #tpu.memory_space<vmem>>, vector<1x16xf32>,
        %get3A_867 = vector.shape_cast %get3A_866 : vector<1x16xf32> to vector<16xf32>
        %mul3A_868 = arith.constant 3 : i32
        %mul3A_869 = arith.muli %mul3A_868, %add3A_688 : i32
        %add3A_870 = arith.constant 2 : i32
        %add3A_871 = arith.addi %mul3A_869, %add3A_870 : i32
        %get3A_872 = arith.index_cast %add3A_871 : i32 to index
        %get3A_873 = arith.constant 64 : index
        %get3A_874 = tpu.vector_load %arg7[%get3A_872, %get3A_873] {strides = array<i32>} : memref<96x256xf32, #tpu.memory_space<vmem>>, vector<1x16xf32>,
        %get3A_875 = vector.shape_cast %get3A_874 : vector<1x16xf32> to vector<16xf32>
        %mul3A_876 = arith.mulf %get3A_859, %get3A_695 : vector<16xf32>
        %mul3A_877 = arith.mulf %get3A_867, %get3A_704 : vector<16xf32>
        %add3A_878 = arith.addf %mul3A_876, %mul3A_877 : vector<16xf32>
        %mul3A_879 = arith.mulf %get3A_875, %get3A_713 : vector<16xf32>
        %add3A_880 = arith.addf %add3A_878, %mul3A_879 : vector<16xf32>
        %mul3A_881 = arith.constant 256 : i32
        %mul3A_882 = arith.muli %add3A_688, %mul3A_881 : i32
        %add3A_883 = arith.constant 64 : i32
        %add3A_884 = arith.addi %mul3A_882, %add3A_883 : i32
        %swap3A_885 = arith.index_cast %add3A_884 : i32 to index
        %swap3A_886 = tpu.vector_load %arg11[%swap3A_885] {strides = array<i32>} : memref<8192xf32, #tpu.memory_space<vmem>>, vector<16xf32>,
        %swap3A_887 = vector.shape_cast %swap3A_886 : vector<16xf32> to vector<16xf32>
        %swap3A_888 = vector.shape_cast %add3A_880 : vector<16xf32> to vector<16xf32>
        tpu.vector_store %arg11[%swap3A_885], %swap3A_888 {strides = array<i32>} : memref<8192xf32, #tpu.memory_space<vmem>>, vector<16xf32>,
        %mul3A_889 = arith.constant 3 : i32
        %mul3A_890 = arith.muli %mul3A_889, %add3A_688 : i32
        %get3A_891 = arith.index_cast %mul3A_890 : i32 to index
        %get3A_892 = arith.constant 80 : index
        %get3A_893 = tpu.vector_load %arg7[%get3A_891, %get3A_892] {strides = array<i32>} : memref<96x256xf32, #tpu.memory_space<vmem>>, vector<1x16xf32>,
        %get3A_894 = vector.shape_cast %get3A_893 : vector<1x16xf32> to vector<16xf32>
        %mul3A_895 = arith.constant 3 : i32
        %mul3A_896 = arith.muli %mul3A_895, %add3A_688 : i32
        %add3A_897 = arith.constant 1 : i32
        %add3A_898 = arith.addi %mul3A_896, %add3A_897 : i32
        %get3A_899 = arith.index_cast %add3A_898 : i32 to index
        %get3A_900 = arith.constant 80 : index
        %get3A_901 = tpu.vector_load %arg7[%get3A_899, %get3A_900] {strides = array<i32>} : memref<96x256xf32, #tpu.memory_space<vmem>>, vector<1x16xf32>,
        %get3A_902 = vector.shape_cast %get3A_901 : vector<1x16xf32> to vector<16xf32>
        %mul3A_903 = arith.constant 3 : i32
        %mul3A_904 = arith.muli %mul3A_903, %add3A_688 : i32
        %add3A_905 = arith.constant 2 : i32
        %add3A_906 = arith.addi %mul3A_904, %add3A_905 : i32
        %get3A_907 = arith.index_cast %add3A_906 : i32 to index
        %get3A_908 = arith.constant 80 : index
        %get3A_909 = tpu.vector_load %arg7[%get3A_907, %get3A_908] {strides = array<i32>} : memref<96x256xf32, #tpu.memory_space<vmem>>, vector<1x16xf32>,
        %get3A_910 = vector.shape_cast %get3A_909 : vector<1x16xf32> to vector<16xf32>
        %mul3A_911 = arith.mulf %get3A_894, %get3A_695 : vector<16xf32>
        %mul3A_912 = arith.mulf %get3A_902, %get3A_704 : vector<16xf32>
        %add3A_913 = arith.addf %mul3A_911, %mul3A_912 : vector<16xf32>
        %mul3A_914 = arith.mulf %get3A_910, %get3A_713 : vector<16xf32>
        %add3A_915 = arith.addf %add3A_913, %mul3A_914 : vector<16xf32>
        %mul3A_916 = arith.constant 256 : i32
        %mul3A_917 = arith.muli %add3A_688, %mul3A_916 : i32
        %add3A_918 = arith.constant 80 : i32
        %add3A_919 = arith.addi %mul3A_917, %add3A_918 : i32
        %swap3A_920 = arith.index_cast %add3A_919 : i32 to index
        %swap3A_921 = tpu.vector_load %arg11[%swap3A_920] {strides = array<i32>} : memref<8192xf32, #tpu.memory_space<vmem>>, vector<16xf32>,
        %swap3A_922 = vector.shape_cast %swap3A_921 : vector<16xf32> to vector<16xf32>
        %swap3A_923 = vector.shape_cast %add3A_915 : vector<16xf32> to vector<16xf32>
        tpu.vector_store %arg11[%swap3A_920], %swap3A_923 {strides = array<i32>} : memref<8192xf32, #tpu.memory_space<vmem>>, vector<16xf32>,
        %mul3A_924 = arith.constant 3 : i32
        %mul3A_925 = arith.muli %mul3A_924, %add3A_688 : i32
        %get3A_926 = arith.index_cast %mul3A_925 : i32 to index
        %get3A_927 = arith.constant 96 : index
        %get3A_928 = tpu.vector_load %arg7[%get3A_926, %get3A_927] {strides = array<i32>} : memref<96x256xf32, #tpu.memory_space<vmem>>, vector<1x16xf32>,
        %get3A_929 = vector.shape_cast %get3A_928 : vector<1x16xf32> to vector<16xf32>
        %mul3A_930 = arith.constant 3 : i32
        %mul3A_931 = arith.muli %mul3A_930, %add3A_688 : i32
        %add3A_932 = arith.constant 1 : i32
        %add3A_933 = arith.addi %mul3A_931, %add3A_932 : i32
        %get3A_934 = arith.index_cast %add3A_933 : i32 to index
        %get3A_935 = arith.constant 96 : index
        %get3A_936 = tpu.vector_load %arg7[%get3A_934, %get3A_935] {strides = array<i32>} : memref<96x256xf32, #tpu.memory_space<vmem>>, vector<1x16xf32>,
        %get3A_937 = vector.shape_cast %get3A_936 : vector<1x16xf32> to vector<16xf32>
        %mul3A_938 = arith.constant 3 : i32
        %mul3A_939 = arith.muli %mul3A_938, %add3A_688 : i32
        %add3A_940 = arith.constant 2 : i32
        %add3A_941 = arith.addi %mul3A_939, %add3A_940 : i32
        %get3A_942 = arith.index_cast %add3A_941 : i32 to index
        %get3A_943 = arith.constant 96 : index
        %get3A_944 = tpu.vector_load %arg7[%get3A_942, %get3A_943] {strides = array<i32>} : memref<96x256xf32, #tpu.memory_space<vmem>>, vector<1x16xf32>,
        %get3A_945 = vector.shape_cast %get3A_944 : vector<1x16xf32> to vector<16xf32>
        %mul3A_946 = arith.mulf %get3A_929, %get3A_695 : vector<16xf32>
        %mul3A_947 = arith.mulf %get3A_937, %get3A_704 : vector<16xf32>
        %add3A_948 = arith.addf %mul3A_946, %mul3A_947 : vector<16xf32>
        %mul3A_949 = arith.mulf %get3A_945, %get3A_713 : vector<16xf32>
        %add3A_950 = arith.addf %add3A_948, %mul3A_949 : vector<16xf32>
        %mul3A_951 = arith.constant 256 : i32
        %mul3A_952 = arith.muli %add3A_688, %mul3A_951 : i32
        %add3A_953 = arith.constant 96 : i32
        %add3A_954 = arith.addi %mul3A_952, %add3A_953 : i32
        %swap3A_955 = arith.index_cast %add3A_954 : i32 to index
        %swap3A_956 = tpu.vector_load %arg11[%swap3A_955] {strides = array<i32>} : memref<8192xf32, #tpu.memory_space<vmem>>, vector<16xf32>,
        %swap3A_957 = vector.shape_cast %swap3A_956 : vector<16xf32> to vector<16xf32>
        %swap3A_958 = vector.shape_cast %add3A_950 : vector<16xf32> to vector<16xf32>
        tpu.vector_store %arg11[%swap3A_955], %swap3A_958 {strides = array<i32>} : memref<8192xf32, #tpu.memory_space<vmem>>, vector<16xf32>,
        %mul3A_959 = arith.constant 3 : i32
        %mul3A_960 = arith.muli %mul3A_959, %add3A_688 : i32
        %get3A_961 = arith.index_cast %mul3A_960 : i32 to index
        %get3A_962 = arith.constant 112 : index
        %get3A_963 = tpu.vector_load %arg7[%get3A_961, %get3A_962] {strides = array<i32>} : memref<96x256xf32, #tpu.memory_space<vmem>>, vector<1x16xf32>,
        %get3A_964 = vector.shape_cast %get3A_963 : vector<1x16xf32> to vector<16xf32>
        %mul3A_965 = arith.constant 3 : i32
        %mul3A_966 = arith.muli %mul3A_965, %add3A_688 : i32
        %add3A_967 = arith.constant 1 : i32
        %add3A_968 = arith.addi %mul3A_966, %add3A_967 : i32
        %get3A_969 = arith.index_cast %add3A_968 : i32 to index
        %get3A_970 = arith.constant 112 : index
        %get3A_971 = tpu.vector_load %arg7[%get3A_969, %get3A_970] {strides = array<i32>} : memref<96x256xf32, #tpu.memory_space<vmem>>, vector<1x16xf32>,
        %get3A_972 = vector.shape_cast %get3A_971 : vector<1x16xf32> to vector<16xf32>
        %mul3A_973 = arith.constant 3 : i32
        %mul3A_974 = arith.muli %mul3A_973, %add3A_688 : i32
        %add3A_975 = arith.constant 2 : i32
        %add3A_976 = arith.addi %mul3A_974, %add3A_975 : i32
        %get3A_977 = arith.index_cast %add3A_976 : i32 to index
        %get3A_978 = arith.constant 112 : index
        %get3A_979 = tpu.vector_load %arg7[%get3A_977, %get3A_978] {strides = array<i32>} : memref<96x256xf32, #tpu.memory_space<vmem>>, vector<1x16xf32>,
        %get3A_980 = vector.shape_cast %get3A_979 : vector<1x16xf32> to vector<16xf32>
        %mul3A_981 = arith.mulf %get3A_964, %get3A_695 : vector<16xf32>
        %mul3A_982 = arith.mulf %get3A_972, %get3A_704 : vector<16xf32>
        %add3A_983 = arith.addf %mul3A_981, %mul3A_982 : vector<16xf32>
        %mul3A_984 = arith.mulf %get3A_980, %get3A_713 : vector<16xf32>
        %add3A_985 = arith.addf %add3A_983, %mul3A_984 : vector<16xf32>
        %mul3A_986 = arith.constant 256 : i32
        %mul3A_987 = arith.muli %add3A_688, %mul3A_986 : i32
        %add3A_988 = arith.constant 112 : i32
        %add3A_989 = arith.addi %mul3A_987, %add3A_988 : i32
        %swap3A_990 = arith.index_cast %add3A_989 : i32 to index
        %swap3A_991 = tpu.vector_load %arg11[%swap3A_990] {strides = array<i32>} : memref<8192xf32, #tpu.memory_space<vmem>>, vector<16xf32>,
        %swap3A_992 = vector.shape_cast %swap3A_991 : vector<16xf32> to vector<16xf32>
        %swap3A_993 = vector.shape_cast %add3A_985 : vector<16xf32> to vector<16xf32>
        tpu.vector_store %arg11[%swap3A_990], %swap3A_993 {strides = array<i32>} : memref<8192xf32, #tpu.memory_space<vmem>>, vector<16xf32>,
        %mul3A_994 = arith.constant 3 : i32
        %mul3A_995 = arith.muli %mul3A_994, %add3A_688 : i32
        %get3A_996 = arith.index_cast %mul3A_995 : i32 to index
        %get3A_997 = arith.constant 128 : index
        %get3A_998 = tpu.vector_load %arg7[%get3A_996, %get3A_997] {strides = array<i32>} : memref<96x256xf32, #tpu.memory_space<vmem>>, vector<1x16xf32>,
        %get3A_999 = vector.shape_cast %get3A_998 : vector<1x16xf32> to vector<16xf32>
        %mul3A_1000 = arith.constant 3 : i32
        %mul3A_1001 = arith.muli %mul3A_1000, %add3A_688 : i32
        %add3A_1002 = arith.constant 1 : i32
        %add3A_1003 = arith.addi %mul3A_1001, %add3A_1002 : i32
        %get3A_1004 = arith.index_cast %add3A_1003 : i32 to index
        %get3A_1005 = arith.constant 128 : index
        %get3A_1006 = tpu.vector_load %arg7[%get3A_1004, %get3A_1005] {strides = array<i32>} : memref<96x256xf32, #tpu.memory_space<vmem>>, vector<1x16xf32>,
        %get3A_1007 = vector.shape_cast %get3A_1006 : vector<1x16xf32> to vector<16xf32>
        %mul3A_1008 = arith.constant 3 : i32
        %mul3A_1009 = arith.muli %mul3A_1008, %add3A_688 : i32
        %add3A_1010 = arith.constant 2 : i32
        %add3A_1011 = arith.addi %mul3A_1009, %add3A_1010 : i32
        %get3A_1012 = arith.index_cast %add3A_1011 : i32 to index
        %get3A_1013 = arith.constant 128 : index
        %get3A_1014 = tpu.vector_load %arg7[%get3A_1012, %get3A_1013] {strides = array<i32>} : memref<96x256xf32, #tpu.memory_space<vmem>>, vector<1x16xf32>,
        %get3A_1015 = vector.shape_cast %get3A_1014 : vector<1x16xf32> to vector<16xf32>
        %mul3A_1016 = arith.mulf %get3A_999, %get3A_695 : vector<16xf32>
        %mul3A_1017 = arith.mulf %get3A_1007, %get3A_704 : vector<16xf32>
        %add3A_1018 = arith.addf %mul3A_1016, %mul3A_1017 : vector<16xf32>
        %mul3A_1019 = arith.mulf %get3A_1015, %get3A_713 : vector<16xf32>
        %add3A_1020 = arith.addf %add3A_1018, %mul3A_1019 : vector<16xf32>
        %mul3A_1021 = arith.constant 256 : i32
        %mul3A_1022 = arith.muli %add3A_688, %mul3A_1021 : i32
        %add3A_1023 = arith.constant 128 : i32
        %add3A_1024 = arith.addi %mul3A_1022, %add3A_1023 : i32
        %swap3A_1025 = arith.index_cast %add3A_1024 : i32 to index
        %swap3A_1026 = tpu.vector_load %arg11[%swap3A_1025] {strides = array<i32>} : memref<8192xf32, #tpu.memory_space<vmem>>, vector<16xf32>,
        %swap3A_1027 = vector.shape_cast %swap3A_1026 : vector<16xf32> to vector<16xf32>
        %swap3A_1028 = vector.shape_cast %add3A_1020 : vector<16xf32> to vector<16xf32>
        tpu.vector_store %arg11[%swap3A_1025], %swap3A_1028 {strides = array<i32>} : memref<8192xf32, #tpu.memory_space<vmem>>, vector<16xf32>,
        %mul3A_1029 = arith.constant 3 : i32
        %mul3A_1030 = arith.muli %mul3A_1029, %add3A_688 : i32
        %get3A_1031 = arith.index_cast %mul3A_1030 : i32 to index
        %get3A_1032 = arith.constant 144 : index
        %get3A_1033 = tpu.vector_load %arg7[%get3A_1031, %get3A_1032] {strides = array<i32>} : memref<96x256xf32, #tpu.memory_space<vmem>>, vector<1x16xf32>,
        %get3A_1034 = vector.shape_cast %get3A_1033 : vector<1x16xf32> to vector<16xf32>
        %mul3A_1035 = arith.constant 3 : i32
        %mul3A_1036 = arith.muli %mul3A_1035, %add3A_688 : i32
        %add3A_1037 = arith.constant 1 : i32
        %add3A_1038 = arith.addi %mul3A_1036, %add3A_1037 : i32
        %get3A_1039 = arith.index_cast %add3A_1038 : i32 to index
        %get3A_1040 = arith.constant 144 : index
        %get3A_1041 = tpu.vector_load %arg7[%get3A_1039, %get3A_1040] {strides = array<i32>} : memref<96x256xf32, #tpu.memory_space<vmem>>, vector<1x16xf32>,
        %get3A_1042 = vector.shape_cast %get3A_1041 : vector<1x16xf32> to vector<16xf32>
        %mul3A_1043 = arith.constant 3 : i32
        %mul3A_1044 = arith.muli %mul3A_1043, %add3A_688 : i32
        %add3A_1045 = arith.constant 2 : i32
        %add3A_1046 = arith.addi %mul3A_1044, %add3A_1045 : i32
        %get3A_1047 = arith.index_cast %add3A_1046 : i32 to index
        %get3A_1048 = arith.constant 144 : index
        %get3A_1049 = tpu.vector_load %arg7[%get3A_1047, %get3A_1048] {strides = array<i32>} : memref<96x256xf32, #tpu.memory_space<vmem>>, vector<1x16xf32>,
        %get3A_1050 = vector.shape_cast %get3A_1049 : vector<1x16xf32> to vector<16xf32>
        %mul3A_1051 = arith.mulf %get3A_1034, %get3A_695 : vector<16xf32>
        %mul3A_1052 = arith.mulf %get3A_1042, %get3A_704 : vector<16xf32>
        %add3A_1053 = arith.addf %mul3A_1051, %mul3A_1052 : vector<16xf32>
        %mul3A_1054 = arith.mulf %get3A_1050, %get3A_713 : vector<16xf32>
        %add3A_1055 = arith.addf %add3A_1053, %mul3A_1054 : vector<16xf32>
        %mul3A_1056 = arith.constant 256 : i32
        %mul3A_1057 = arith.muli %add3A_688, %mul3A_1056 : i32
        %add3A_1058 = arith.constant 144 : i32
        %add3A_1059 = arith.addi %mul3A_1057, %add3A_1058 : i32
        %swap3A_1060 = arith.index_cast %add3A_1059 : i32 to index
        %swap3A_1061 = tpu.vector_load %arg11[%swap3A_1060] {strides = array<i32>} : memref<8192xf32, #tpu.memory_space<vmem>>, vector<16xf32>,
        %swap3A_1062 = vector.shape_cast %swap3A_1061 : vector<16xf32> to vector<16xf32>
        %swap3A_1063 = vector.shape_cast %add3A_1055 : vector<16xf32> to vector<16xf32>
        tpu.vector_store %arg11[%swap3A_1060], %swap3A_1063 {strides = array<i32>} : memref<8192xf32, #tpu.memory_space<vmem>>, vector<16xf32>,
        %mul3A_1064 = arith.constant 3 : i32
        %mul3A_1065 = arith.muli %mul3A_1064, %add3A_688 : i32
        %get3A_1066 = arith.index_cast %mul3A_1065 : i32 to index
        %get3A_1067 = arith.constant 160 : index
        %get3A_1068 = tpu.vector_load %arg7[%get3A_1066, %get3A_1067] {strides = array<i32>} : memref<96x256xf32, #tpu.memory_space<vmem>>, vector<1x16xf32>,
        %get3A_1069 = vector.shape_cast %get3A_1068 : vector<1x16xf32> to vector<16xf32>
        %mul3A_1070 = arith.constant 3 : i32
        %mul3A_1071 = arith.muli %mul3A_1070, %add3A_688 : i32
        %add3A_1072 = arith.constant 1 : i32
        %add3A_1073 = arith.addi %mul3A_1071, %add3A_1072 : i32
        %get3A_1074 = arith.index_cast %add3A_1073 : i32 to index
        %get3A_1075 = arith.constant 160 : index
        %get3A_1076 = tpu.vector_load %arg7[%get3A_1074, %get3A_1075] {strides = array<i32>} : memref<96x256xf32, #tpu.memory_space<vmem>>, vector<1x16xf32>,
        %get3A_1077 = vector.shape_cast %get3A_1076 : vector<1x16xf32> to vector<16xf32>
        %mul3A_1078 = arith.constant 3 : i32
        %mul3A_1079 = arith.muli %mul3A_1078, %add3A_688 : i32
        %add3A_1080 = arith.constant 2 : i32
        %add3A_1081 = arith.addi %mul3A_1079, %add3A_1080 : i32
        %get3A_1082 = arith.index_cast %add3A_1081 : i32 to index
        %get3A_1083 = arith.constant 160 : index
        %get3A_1084 = tpu.vector_load %arg7[%get3A_1082, %get3A_1083] {strides = array<i32>} : memref<96x256xf32, #tpu.memory_space<vmem>>, vector<1x16xf32>,
        %get3A_1085 = vector.shape_cast %get3A_1084 : vector<1x16xf32> to vector<16xf32>
        %mul3A_1086 = arith.mulf %get3A_1069, %get3A_695 : vector<16xf32>
        %mul3A_1087 = arith.mulf %get3A_1077, %get3A_704 : vector<16xf32>
        %add3A_1088 = arith.addf %mul3A_1086, %mul3A_1087 : vector<16xf32>
        %mul3A_1089 = arith.mulf %get3A_1085, %get3A_713 : vector<16xf32>
        %add3A_1090 = arith.addf %add3A_1088, %mul3A_1089 : vector<16xf32>
        %mul3A_1091 = arith.constant 256 : i32
        %mul3A_1092 = arith.muli %add3A_688, %mul3A_1091 : i32
        %add3A_1093 = arith.constant 160 : i32
        %add3A_1094 = arith.addi %mul3A_1092, %add3A_1093 : i32
        %swap3A_1095 = arith.index_cast %add3A_1094 : i32 to index
        %swap3A_1096 = tpu.vector_load %arg11[%swap3A_1095] {strides = array<i32>} : memref<8192xf32, #tpu.memory_space<vmem>>, vector<16xf32>,
        %swap3A_1097 = vector.shape_cast %swap3A_1096 : vector<16xf32> to vector<16xf32>
        %swap3A_1098 = vector.shape_cast %add3A_1090 : vector<16xf32> to vector<16xf32>
        tpu.vector_store %arg11[%swap3A_1095], %swap3A_1098 {strides = array<i32>} : memref<8192xf32, #tpu.memory_space<vmem>>, vector<16xf32>,
        %mul3A_1099 = arith.constant 3 : i32
        %mul3A_1100 = arith.muli %mul3A_1099, %add3A_688 : i32
        %get3A_1101 = arith.index_cast %mul3A_1100 : i32 to index
        %get3A_1102 = arith.constant 176 : index
        %get3A_1103 = tpu.vector_load %arg7[%get3A_1101, %get3A_1102] {strides = array<i32>} : memref<96x256xf32, #tpu.memory_space<vmem>>, vector<1x16xf32>,
        %get3A_1104 = vector.shape_cast %get3A_1103 : vector<1x16xf32> to vector<16xf32>
        %mul3A_1105 = arith.constant 3 : i32
        %mul3A_1106 = arith.muli %mul3A_1105, %add3A_688 : i32
        %add3A_1107 = arith.constant 1 : i32
        %add3A_1108 = arith.addi %mul3A_1106, %add3A_1107 : i32
        %get3A_1109 = arith.index_cast %add3A_1108 : i32 to index
        %get3A_1110 = arith.constant 176 : index
        %get3A_1111 = tpu.vector_load %arg7[%get3A_1109, %get3A_1110] {strides = array<i32>} : memref<96x256xf32, #tpu.memory_space<vmem>>, vector<1x16xf32>,
        %get3A_1112 = vector.shape_cast %get3A_1111 : vector<1x16xf32> to vector<16xf32>
        %mul3A_1113 = arith.constant 3 : i32
        %mul3A_1114 = arith.muli %mul3A_1113, %add3A_688 : i32
        %add3A_1115 = arith.constant 2 : i32
        %add3A_1116 = arith.addi %mul3A_1114, %add3A_1115 : i32
        %get3A_1117 = arith.index_cast %add3A_1116 : i32 to index
        %get3A_1118 = arith.constant 176 : index
        %get3A_1119 = tpu.vector_load %arg7[%get3A_1117, %get3A_1118] {strides = array<i32>} : memref<96x256xf32, #tpu.memory_space<vmem>>, vector<1x16xf32>,
        %get3A_1120 = vector.shape_cast %get3A_1119 : vector<1x16xf32> to vector<16xf32>
        %mul3A_1121 = arith.mulf %get3A_1104, %get3A_695 : vector<16xf32>
        %mul3A_1122 = arith.mulf %get3A_1112, %get3A_704 : vector<16xf32>
        %add3A_1123 = arith.addf %mul3A_1121, %mul3A_1122 : vector<16xf32>
        %mul3A_1124 = arith.mulf %get3A_1120, %get3A_713 : vector<16xf32>
        %add3A_1125 = arith.addf %add3A_1123, %mul3A_1124 : vector<16xf32>
        %mul3A_1126 = arith.constant 256 : i32
        %mul3A_1127 = arith.muli %add3A_688, %mul3A_1126 : i32
        %add3A_1128 = arith.constant 176 : i32
        %add3A_1129 = arith.addi %mul3A_1127, %add3A_1128 : i32
        %swap3A_1130 = arith.index_cast %add3A_1129 : i32 to index
        %swap3A_1131 = tpu.vector_load %arg11[%swap3A_1130] {strides = array<i32>} : memref<8192xf32, #tpu.memory_space<vmem>>, vector<16xf32>,
        %swap3A_1132 = vector.shape_cast %swap3A_1131 : vector<16xf32> to vector<16xf32>
        %swap3A_1133 = vector.shape_cast %add3A_1125 : vector<16xf32> to vector<16xf32>
        tpu.vector_store %arg11[%swap3A_1130], %swap3A_1133 {strides = array<i32>} : memref<8192xf32, #tpu.memory_space<vmem>>, vector<16xf32>,
        %mul3A_1134 = arith.constant 3 : i32
        %mul3A_1135 = arith.muli %mul3A_1134, %add3A_688 : i32
        %get3A_1136 = arith.index_cast %mul3A_1135 : i32 to index
        %get3A_1137 = arith.constant 192 : index
        %get3A_1138 = tpu.vector_load %arg7[%get3A_1136, %get3A_1137] {strides = array<i32>} : memref<96x256xf32, #tpu.memory_space<vmem>>, vector<1x16xf32>,
        %get3A_1139 = vector.shape_cast %get3A_1138 : vector<1x16xf32> to vector<16xf32>
        %mul3A_1140 = arith.constant 3 : i32
        %mul3A_1141 = arith.muli %mul3A_1140, %add3A_688 : i32
        %add3A_1142 = arith.constant 1 : i32
        %add3A_1143 = arith.addi %mul3A_1141, %add3A_1142 : i32
        %get3A_1144 = arith.index_cast %add3A_1143 : i32 to index
        %get3A_1145 = arith.constant 192 : index
        %get3A_1146 = tpu.vector_load %arg7[%get3A_1144, %get3A_1145] {strides = array<i32>} : memref<96x256xf32, #tpu.memory_space<vmem>>, vector<1x16xf32>,
        %get3A_1147 = vector.shape_cast %get3A_1146 : vector<1x16xf32> to vector<16xf32>
        %mul3A_1148 = arith.constant 3 : i32
        %mul3A_1149 = arith.muli %mul3A_1148, %add3A_688 : i32
        %add3A_1150 = arith.constant 2 : i32
        %add3A_1151 = arith.addi %mul3A_1149, %add3A_1150 : i32
        %get3A_1152 = arith.index_cast %add3A_1151 : i32 to index
        %get3A_1153 = arith.constant 192 : index
        %get3A_1154 = tpu.vector_load %arg7[%get3A_1152, %get3A_1153] {strides = array<i32>} : memref<96x256xf32, #tpu.memory_space<vmem>>, vector<1x16xf32>,
        %get3A_1155 = vector.shape_cast %get3A_1154 : vector<1x16xf32> to vector<16xf32>
        %mul3A_1156 = arith.mulf %get3A_1139, %get3A_695 : vector<16xf32>
        %mul3A_1157 = arith.mulf %get3A_1147, %get3A_704 : vector<16xf32>
        %add3A_1158 = arith.addf %mul3A_1156, %mul3A_1157 : vector<16xf32>
        %mul3A_1159 = arith.mulf %get3A_1155, %get3A_713 : vector<16xf32>
        %add3A_1160 = arith.addf %add3A_1158, %mul3A_1159 : vector<16xf32>
        %mul3A_1161 = arith.constant 256 : i32
        %mul3A_1162 = arith.muli %add3A_688, %mul3A_1161 : i32
        %add3A_1163 = arith.constant 192 : i32
        %add3A_1164 = arith.addi %mul3A_1162, %add3A_1163 : i32
        %swap3A_1165 = arith.index_cast %add3A_1164 : i32 to index
        %swap3A_1166 = tpu.vector_load %arg11[%swap3A_1165] {strides = array<i32>} : memref<8192xf32, #tpu.memory_space<vmem>>, vector<16xf32>,
        %swap3A_1167 = vector.shape_cast %swap3A_1166 : vector<16xf32> to vector<16xf32>
        %swap3A_1168 = vector.shape_cast %add3A_1160 : vector<16xf32> to vector<16xf32>
        tpu.vector_store %arg11[%swap3A_1165], %swap3A_1168 {strides = array<i32>} : memref<8192xf32, #tpu.memory_space<vmem>>, vector<16xf32>,
        %mul3A_1169 = arith.constant 3 : i32
        %mul3A_1170 = arith.muli %mul3A_1169, %add3A_688 : i32
        %get3A_1171 = arith.index_cast %mul3A_1170 : i32 to index
        %get3A_1172 = arith.constant 208 : index
        %get3A_1173 = tpu.vector_load %arg7[%get3A_1171, %get3A_1172] {strides = array<i32>} : memref<96x256xf32, #tpu.memory_space<vmem>>, vector<1x16xf32>,
        %get3A_1174 = vector.shape_cast %get3A_1173 : vector<1x16xf32> to vector<16xf32>
        %mul3A_1175 = arith.constant 3 : i32
        %mul3A_1176 = arith.muli %mul3A_1175, %add3A_688 : i32
        %add3A_1177 = arith.constant 1 : i32
        %add3A_1178 = arith.addi %mul3A_1176, %add3A_1177 : i32
        %get3A_1179 = arith.index_cast %add3A_1178 : i32 to index
        %get3A_1180 = arith.constant 208 : index
        %get3A_1181 = tpu.vector_load %arg7[%get3A_1179, %get3A_1180] {strides = array<i32>} : memref<96x256xf32, #tpu.memory_space<vmem>>, vector<1x16xf32>,
        %get3A_1182 = vector.shape_cast %get3A_1181 : vector<1x16xf32> to vector<16xf32>
        %mul3A_1183 = arith.constant 3 : i32
        %mul3A_1184 = arith.muli %mul3A_1183, %add3A_688 : i32
        %add3A_1185 = arith.constant 2 : i32
        %add3A_1186 = arith.addi %mul3A_1184, %add3A_1185 : i32
        %get3A_1187 = arith.index_cast %add3A_1186 : i32 to index
        %get3A_1188 = arith.constant 208 : index
        %get3A_1189 = tpu.vector_load %arg7[%get3A_1187, %get3A_1188] {strides = array<i32>} : memref<96x256xf32, #tpu.memory_space<vmem>>, vector<1x16xf32>,
        %get3A_1190 = vector.shape_cast %get3A_1189 : vector<1x16xf32> to vector<16xf32>
        %mul3A_1191 = arith.mulf %get3A_1174, %get3A_695 : vector<16xf32>
        %mul3A_1192 = arith.mulf %get3A_1182, %get3A_704 : vector<16xf32>
        %add3A_1193 = arith.addf %mul3A_1191, %mul3A_1192 : vector<16xf32>
        %mul3A_1194 = arith.mulf %get3A_1190, %get3A_713 : vector<16xf32>
        %add3A_1195 = arith.addf %add3A_1193, %mul3A_1194 : vector<16xf32>
        %mul3A_1196 = arith.constant 256 : i32
        %mul3A_1197 = arith.muli %add3A_688, %mul3A_1196 : i32
        %add3A_1198 = arith.constant 208 : i32
        %add3A_1199 = arith.addi %mul3A_1197, %add3A_1198 : i32
        %swap3A_1200 = arith.index_cast %add3A_1199 : i32 to index
        %swap3A_1201 = tpu.vector_load %arg11[%swap3A_1200] {strides = array<i32>} : memref<8192xf32, #tpu.memory_space<vmem>>, vector<16xf32>,
        %swap3A_1202 = vector.shape_cast %swap3A_1201 : vector<16xf32> to vector<16xf32>
        %swap3A_1203 = vector.shape_cast %add3A_1195 : vector<16xf32> to vector<16xf32>
        tpu.vector_store %arg11[%swap3A_1200], %swap3A_1203 {strides = array<i32>} : memref<8192xf32, #tpu.memory_space<vmem>>, vector<16xf32>,
        %mul3A_1204 = arith.constant 3 : i32
        %mul3A_1205 = arith.muli %mul3A_1204, %add3A_688 : i32
        %get3A_1206 = arith.index_cast %mul3A_1205 : i32 to index
        %get3A_1207 = arith.constant 224 : index
        %get3A_1208 = tpu.vector_load %arg7[%get3A_1206, %get3A_1207] {strides = array<i32>} : memref<96x256xf32, #tpu.memory_space<vmem>>, vector<1x16xf32>,
        %get3A_1209 = vector.shape_cast %get3A_1208 : vector<1x16xf32> to vector<16xf32>
        %mul3A_1210 = arith.constant 3 : i32
        %mul3A_1211 = arith.muli %mul3A_1210, %add3A_688 : i32
        %add3A_1212 = arith.constant 1 : i32
        %add3A_1213 = arith.addi %mul3A_1211, %add3A_1212 : i32
        %get3A_1214 = arith.index_cast %add3A_1213 : i32 to index
        %get3A_1215 = arith.constant 224 : index
        %get3A_1216 = tpu.vector_load %arg7[%get3A_1214, %get3A_1215] {strides = array<i32>} : memref<96x256xf32, #tpu.memory_space<vmem>>, vector<1x16xf32>,
        %get3A_1217 = vector.shape_cast %get3A_1216 : vector<1x16xf32> to vector<16xf32>
        %mul3A_1218 = arith.constant 3 : i32
        %mul3A_1219 = arith.muli %mul3A_1218, %add3A_688 : i32
        %add3A_1220 = arith.constant 2 : i32
        %add3A_1221 = arith.addi %mul3A_1219, %add3A_1220 : i32
        %get3A_1222 = arith.index_cast %add3A_1221 : i32 to index
        %get3A_1223 = arith.constant 224 : index
        %get3A_1224 = tpu.vector_load %arg7[%get3A_1222, %get3A_1223] {strides = array<i32>} : memref<96x256xf32, #tpu.memory_space<vmem>>, vector<1x16xf32>,
        %get3A_1225 = vector.shape_cast %get3A_1224 : vector<1x16xf32> to vector<16xf32>
        %mul3A_1226 = arith.mulf %get3A_1209, %get3A_695 : vector<16xf32>
        %mul3A_1227 = arith.mulf %get3A_1217, %get3A_704 : vector<16xf32>
        %add3A_1228 = arith.addf %mul3A_1226, %mul3A_1227 : vector<16xf32>
        %mul3A_1229 = arith.mulf %get3A_1225, %get3A_713 : vector<16xf32>
        %add3A_1230 = arith.addf %add3A_1228, %mul3A_1229 : vector<16xf32>
        %mul3A_1231 = arith.constant 256 : i32
        %mul3A_1232 = arith.muli %add3A_688, %mul3A_1231 : i32
        %add3A_1233 = arith.constant 224 : i32
        %add3A_1234 = arith.addi %mul3A_1232, %add3A_1233 : i32
        %swap3A_1235 = arith.index_cast %add3A_1234 : i32 to index
        %swap3A_1236 = tpu.vector_load %arg11[%swap3A_1235] {strides = array<i32>} : memref<8192xf32, #tpu.memory_space<vmem>>, vector<16xf32>,
        %swap3A_1237 = vector.shape_cast %swap3A_1236 : vector<16xf32> to vector<16xf32>
        %swap3A_1238 = vector.shape_cast %add3A_1230 : vector<16xf32> to vector<16xf32>
        tpu.vector_store %arg11[%swap3A_1235], %swap3A_1238 {strides = array<i32>} : memref<8192xf32, #tpu.memory_space<vmem>>, vector<16xf32>,
        %mul3A_1239 = arith.constant 3 : i32
        %mul3A_1240 = arith.muli %mul3A_1239, %add3A_688 : i32
        %get3A_1241 = arith.index_cast %mul3A_1240 : i32 to index
        %get3A_1242 = arith.constant 240 : index
        %get3A_1243 = tpu.vector_load %arg7[%get3A_1241, %get3A_1242] {strides = array<i32>} : memref<96x256xf32, #tpu.memory_space<vmem>>, vector<1x16xf32>,
        %get3A_1244 = vector.shape_cast %get3A_1243 : vector<1x16xf32> to vector<16xf32>
        %mul3A_1245 = arith.constant 3 : i32
        %mul3A_1246 = arith.muli %mul3A_1245, %add3A_688 : i32
        %add3A_1247 = arith.constant 1 : i32
        %add3A_1248 = arith.addi %mul3A_1246, %add3A_1247 : i32
        %get3A_1249 = arith.index_cast %add3A_1248 : i32 to index
        %get3A_1250 = arith.constant 240 : index
        %get3A_1251 = tpu.vector_load %arg7[%get3A_1249, %get3A_1250] {strides = array<i32>} : memref<96x256xf32, #tpu.memory_space<vmem>>, vector<1x16xf32>,
        %get3A_1252 = vector.shape_cast %get3A_1251 : vector<1x16xf32> to vector<16xf32>
        %mul3A_1253 = arith.constant 3 : i32
        %mul3A_1254 = arith.muli %mul3A_1253, %add3A_688 : i32
        %add3A_1255 = arith.constant 2 : i32
        %add3A_1256 = arith.addi %mul3A_1254, %add3A_1255 : i32
        %get3A_1257 = arith.index_cast %add3A_1256 : i32 to index
        %get3A_1258 = arith.constant 240 : index
        %get3A_1259 = tpu.vector_load %arg7[%get3A_1257, %get3A_1258] {strides = array<i32>} : memref<96x256xf32, #tpu.memory_space<vmem>>, vector<1x16xf32>,
        %get3A_1260 = vector.shape_cast %get3A_1259 : vector<1x16xf32> to vector<16xf32>
        %mul3A_1261 = arith.mulf %get3A_1244, %get3A_695 : vector<16xf32>
        %mul3A_1262 = arith.mulf %get3A_1252, %get3A_704 : vector<16xf32>
        %add3A_1263 = arith.addf %mul3A_1261, %mul3A_1262 : vector<16xf32>
        %mul3A_1264 = arith.mulf %get3A_1260, %get3A_713 : vector<16xf32>
        %add3A_1265 = arith.addf %add3A_1263, %mul3A_1264 : vector<16xf32>
        %mul3A_1266 = arith.constant 256 : i32
        %mul3A_1267 = arith.muli %add3A_688, %mul3A_1266 : i32
        %add3A_1268 = arith.constant 240 : i32
        %add3A_1269 = arith.addi %mul3A_1267, %add3A_1268 : i32
        %swap3A_1270 = arith.index_cast %add3A_1269 : i32 to index
        %swap3A_1271 = tpu.vector_load %arg11[%swap3A_1270] {strides = array<i32>} : memref<8192xf32, #tpu.memory_space<vmem>>, vector<16xf32>,
        %swap3A_1272 = vector.shape_cast %swap3A_1271 : vector<16xf32> to vector<16xf32>
        %swap3A_1273 = vector.shape_cast %add3A_1265 : vector<16xf32> to vector<16xf32>
        tpu.vector_store %arg11[%swap3A_1270], %swap3A_1273 {strides = array<i32>} : memref<8192xf32, #tpu.memory_space<vmem>>, vector<16xf32>,
        %scan3A_1274 = arith.constant 0 : i32
        scf.yield %scan3A_1274 : i32
      }
      %scan3A_56 = arith.constant 16 : i32
      %mul3A_57 = arith.constant 1024 : i32
      %mul3A_58 = arith.muli %add3A, %mul3A_57 : i32
      %mul3A_59 = arith.constant 32 : i32
      %mul3A_60 = arith.muli %mul3A_22, %mul3A_59 : i32
      %add3A_61 = arith.addi %mul3A_58, %mul3A_60 : i32
      %mul3A_62 = arith.constant 256 : i32
      %mul3A_63 = arith.muli %add3A_61, %mul3A_62 : i32
      "tpu.region"() ({
        %run_scoped3A = tpu.sem_alloc : memref<!tpu.dma_semaphore, #tpu.memory_space<semaphore_mem>>
        %dma_start3A_96 = tpu.memref_slice %arg5[%mul3A_63] : memref<8388608xf32, #tpu.memory_space<hbm>> -> memref<8192xf32, #tpu.memory_space<hbm>>
        %dma_start3A_97 = tpu.memref_slice %arg5[%mul3A_63] : memref<8388608xf32, #tpu.memory_space<hbm>> -> memref<8192xf32, #tpu.memory_space<hbm>>
        tpu.enqueue_dma source(%arg11 : memref<8192xf32, #tpu.memory_space<vmem>>) target(%dma_start3A_97 : memref<8192xf32, #tpu.memory_space<hbm>>) target_semaphore(%run_scoped3A : memref<!tpu.dma_semaphore, #tpu.memory_space<semaphore_mem>>)
        %dma_wait3A_98 = tpu.memref_slice %arg5[%mul3A_63] : memref<8388608xf32, #tpu.memory_space<hbm>> -> memref<8192xf32, #tpu.memory_space<hbm>>
        %dma_wait3A_99 = tpu.memref_slice %arg5[%mul3A_63] : memref<8388608xf32, #tpu.memory_space<hbm>> -> memref<8192xf32, #tpu.memory_space<hbm>>
        tpu.wait_dma2 semaphore(%run_scoped3A : memref<!tpu.dma_semaphore, #tpu.memory_space<semaphore_mem>>) src(%arg11 : memref<8192xf32, #tpu.memory_space<vmem>>) dst(%dma_wait3A_99 : memref<8192xf32, #tpu.memory_space<hbm>>)
        tpu.yield
      }) : () -> ()
      %add3A_64 = arith.constant 1 : i32
      %add3A_65 = arith.addi %add3A_24, %add3A_64 : i32
      %lt3A = arith.constant 32 : i32
      %lt3A_66 = arith.cmpi slt, %add3A_65, %lt3A : i32
      %convert_element_type3A = arith.extui %lt3A_66 : i1 to i32
      %cond3A = arith.constant 0 : i32
      %cond3A_67 = arith.cmpi ne, %convert_element_type3A, %cond3A : i32
      scf.if %cond3A_67 {
        %add3A_96 = arith.constant 1 : i32
        %add3A_97 = arith.addi %add3A_24, %add3A_96 : i32
        %mul3A_98 = arith.constant 96 : i32
        %mul3A_99 = arith.muli %add3A_97, %mul3A_98 : i32
        %dma_start3A_100 = tpu.memref_slice %arg6[%mul3A_99] : memref<3072xi32, #tpu.memory_space<vmem>> -> memref<96xi32, #tpu.memory_space<vmem>>
        %dma_start3A_101 = arith.constant 0 : i32
        %dma_start3A_102 = arith.constant 0 : i32
        %dma_start3A_103 = tpu.memref_slice %arg2[%dma_start3A_101, %dma_start3A_102] : memref<8192x256xf32, #tpu.memory_space<hbm>> -> memref<8192x256xf32, #tpu.memory_space<hbm>>
        tpu.enqueue_indirect_dma source(%dma_start3A_103 : memref<8192x256xf32, #tpu.memory_space<hbm>>) target(%arg7 : memref<96x256xf32, #tpu.memory_space<vmem>>) offsets(%dma_start3A_100 : memref<96xi32, #tpu.memory_space<vmem>>) semaphore(%arg12 : memref<!tpu.dma_semaphore, #tpu.memory_space<semaphore_mem>>)
        %mul3A_104 = arith.constant 96 : i32
        %mul3A_105 = arith.muli %add3A_97, %mul3A_104 : i32
        %add3A_106 = arith.addi %mul3A_2, %mul3A_105 : i32
        %mul3A_107 = arith.constant 16 : i32
        %mul3A_108 = arith.muli %add3A_106, %mul3A_107 : i32
        %dma_start3A_109 = tpu.memref_slice %arg4[%mul3A_108] : memref<1572864xf32, #tpu.memory_space<hbm>> -> memref<1536xf32, #tpu.memory_space<hbm>>
        %dma_start3A_110 = tpu.memref_slice %arg4[%mul3A_108] : memref<1572864xf32, #tpu.memory_space<hbm>> -> memref<1536xf32, #tpu.memory_space<hbm>>
        tpu.enqueue_dma source(%dma_start3A_110 : memref<1536xf32, #tpu.memory_space<hbm>>) target(%arg9 : memref<1536xf32, #tpu.memory_space<vmem>>) target_semaphore(%arg14 : memref<!tpu.dma_semaphore, #tpu.memory_space<semaphore_mem>>)
      } else {
      }
      %mul3A_68 = arith.constant 96 : i32
      %mul3A_69 = arith.muli %add3A_24, %mul3A_68 : i32
      %dma_wait3A_70 = tpu.memref_slice %arg6[%mul3A_69] : memref<3072xi32, #tpu.memory_space<vmem>> -> memref<96xi32, #tpu.memory_space<vmem>>
      %dma_wait3A_71 = arith.constant 0 : i32
      %dma_wait3A_72 = arith.constant 0 : i32
      %dma_wait3A_73 = tpu.memref_slice %arg2[%dma_wait3A_71, %dma_wait3A_72] : memref<8192x256xf32, #tpu.memory_space<hbm>> -> memref<8192x256xf32, #tpu.memory_space<hbm>>
      tpu.wait_indirect_dma semaphore(%arg13 : memref<!tpu.dma_semaphore, #tpu.memory_space<semaphore_mem>>) src(%dma_wait3A_73 : memref<8192x256xf32, #tpu.memory_space<hbm>>) dst(%arg8 : memref<96x256xf32, #tpu.memory_space<vmem>>)
      %mul3A_74 = arith.constant 96 : i32
      %mul3A_75 = arith.muli %add3A_24, %mul3A_74 : i32
      %add3A_76 = arith.addi %mul3A_2, %mul3A_75 : i32
      %mul3A_77 = arith.constant 16 : i32
      %mul3A_78 = arith.muli %add3A_76, %mul3A_77 : i32
      %dma_wait3A_79 = tpu.memref_slice %arg4[%mul3A_78] : memref<1572864xf32, #tpu.memory_space<hbm>> -> memref<1536xf32, #tpu.memory_space<hbm>>
      %dma_wait3A_80 = tpu.memref_slice %arg4[%mul3A_78] : memref<1572864xf32, #tpu.memory_space<hbm>> -> memref<1536xf32, #tpu.memory_space<hbm>>
      tpu.wait_dma2 semaphore(%arg15 : memref<!tpu.dma_semaphore, #tpu.memory_space<semaphore_mem>>) src(%dma_wait3A_80 : memref<1536xf32, #tpu.memory_space<hbm>>) dst(%arg10 : memref<1536xf32, #tpu.memory_space<vmem>>)
      %scan3A_81 = arith.constant 0 : i32
      %scan3A_82 = arith.constant 0 : i32
      %scan3A_83 = arith.constant 16 : i32
      %scan3A_84 = arith.addi %scan3A_82, %scan3A_83 : i32
      %scan3A_85 = arith.constant 1 : i32
      %scan3A_86 = scf.for %scan3A_96 = %scan3A_82 to %scan3A_84 step %scan3A_85 iter_args(%scan3A_97 = %scan3A_81) -> (i32)  : i32 {
        %mul3A_98 = arith.constant 2 : i32
        %mul3A_99 = arith.muli %mul3A_98, %scan3A_96 : i32
        %add3A_100 = arith.constant 0 : i32
        %add3A_101 = arith.addi %mul3A_99, %add3A_100 : i32
        %mul3A_102 = arith.constant 3 : i32
        %mul3A_103 = arith.muli %mul3A_102, %add3A_101 : i32
        %mul3A_104 = arith.constant 16 : i32
        %mul3A_105 = arith.muli %mul3A_103, %mul3A_104 : i32
        %get3A = arith.index_cast %mul3A_105 : i32 to index
        %get3A_106 = tpu.vector_load %arg10[%get3A] {strides = array<i32>} : memref<1536xf32, #tpu.memory_space<vmem>>, vector<16xf32>,
        %get3A_107 = vector.shape_cast %get3A_106 : vector<16xf32> to vector<16xf32>
        %mul3A_108 = arith.constant 3 : i32
        %mul3A_109 = arith.muli %mul3A_108, %add3A_101 : i32
        %add3A_110 = arith.constant 1 : i32
        %add3A_111 = arith.addi %mul3A_109, %add3A_110 : i32
        %mul3A_112 = arith.constant 16 : i32
        %mul3A_113 = arith.muli %add3A_111, %mul3A_112 : i32
        %get3A_114 = arith.index_cast %mul3A_113 : i32 to index
        %get3A_115 = tpu.vector_load %arg10[%get3A_114] {strides = array<i32>} : memref<1536xf32, #tpu.memory_space<vmem>>, vector<16xf32>,
        %get3A_116 = vector.shape_cast %get3A_115 : vector<16xf32> to vector<16xf32>
        %mul3A_117 = arith.constant 3 : i32
        %mul3A_118 = arith.muli %mul3A_117, %add3A_101 : i32
        %add3A_119 = arith.constant 2 : i32
        %add3A_120 = arith.addi %mul3A_118, %add3A_119 : i32
        %mul3A_121 = arith.constant 16 : i32
        %mul3A_122 = arith.muli %add3A_120, %mul3A_121 : i32
        %get3A_123 = arith.index_cast %mul3A_122 : i32 to index
        %get3A_124 = tpu.vector_load %arg10[%get3A_123] {strides = array<i32>} : memref<1536xf32, #tpu.memory_space<vmem>>, vector<16xf32>,
        %get3A_125 = vector.shape_cast %get3A_124 : vector<16xf32> to vector<16xf32>
        %mul3A_126 = arith.constant 3 : i32
        %mul3A_127 = arith.muli %mul3A_126, %add3A_101 : i32
        %get3A_128 = arith.index_cast %mul3A_127 : i32 to index
        %get3A_129 = arith.constant 0 : index
        %get3A_130 = tpu.vector_load %arg8[%get3A_128, %get3A_129] {strides = array<i32>} : memref<96x256xf32, #tpu.memory_space<vmem>>, vector<1x16xf32>,
        %get3A_131 = vector.shape_cast %get3A_130 : vector<1x16xf32> to vector<16xf32>
        %mul3A_132 = arith.constant 3 : i32
        %mul3A_133 = arith.muli %mul3A_132, %add3A_101 : i32
        %add3A_134 = arith.constant 1 : i32
        %add3A_135 = arith.addi %mul3A_133, %add3A_134 : i32
        %get3A_136 = arith.index_cast %add3A_135 : i32 to index
        %get3A_137 = arith.constant 0 : index
        %get3A_138 = tpu.vector_load %arg8[%get3A_136, %get3A_137] {strides = array<i32>} : memref<96x256xf32, #tpu.memory_space<vmem>>, vector<1x16xf32>,
        %get3A_139 = vector.shape_cast %get3A_138 : vector<1x16xf32> to vector<16xf32>
        %mul3A_140 = arith.constant 3 : i32
        %mul3A_141 = arith.muli %mul3A_140, %add3A_101 : i32
        %add3A_142 = arith.constant 2 : i32
        %add3A_143 = arith.addi %mul3A_141, %add3A_142 : i32
        %get3A_144 = arith.index_cast %add3A_143 : i32 to index
        %get3A_145 = arith.constant 0 : index
        %get3A_146 = tpu.vector_load %arg8[%get3A_144, %get3A_145] {strides = array<i32>} : memref<96x256xf32, #tpu.memory_space<vmem>>, vector<1x16xf32>,
        %get3A_147 = vector.shape_cast %get3A_146 : vector<1x16xf32> to vector<16xf32>
        %mul3A_148 = arith.mulf %get3A_131, %get3A_107 : vector<16xf32>
        %mul3A_149 = arith.mulf %get3A_139, %get3A_116 : vector<16xf32>
        %add3A_150 = arith.addf %mul3A_148, %mul3A_149 : vector<16xf32>
        %mul3A_151 = arith.mulf %get3A_147, %get3A_125 : vector<16xf32>
        %add3A_152 = arith.addf %add3A_150, %mul3A_151 : vector<16xf32>
        %mul3A_153 = arith.constant 256 : i32
        %mul3A_154 = arith.muli %add3A_101, %mul3A_153 : i32
        %add3A_155 = arith.constant 0 : i32
        %add3A_156 = arith.addi %mul3A_154, %add3A_155 : i32
        %swap3A = arith.index_cast %add3A_156 : i32 to index
        %swap3A_157 = tpu.vector_load %arg11[%swap3A] {strides = array<i32>} : memref<8192xf32, #tpu.memory_space<vmem>>, vector<16xf32>,
        %swap3A_158 = vector.shape_cast %swap3A_157 : vector<16xf32> to vector<16xf32>
        %swap3A_159 = vector.shape_cast %add3A_152 : vector<16xf32> to vector<16xf32>
        tpu.vector_store %arg11[%swap3A], %swap3A_159 {strides = array<i32>} : memref<8192xf32, #tpu.memory_space<vmem>>, vector<16xf32>,
        %mul3A_160 = arith.constant 3 : i32
        %mul3A_161 = arith.muli %mul3A_160, %add3A_101 : i32
        %get3A_162 = arith.index_cast %mul3A_161 : i32 to index
        %get3A_163 = arith.constant 16 : index
        %get3A_164 = tpu.vector_load %arg8[%get3A_162, %get3A_163] {strides = array<i32>} : memref<96x256xf32, #tpu.memory_space<vmem>>, vector<1x16xf32>,
        %get3A_165 = vector.shape_cast %get3A_164 : vector<1x16xf32> to vector<16xf32>
        %mul3A_166 = arith.constant 3 : i32
        %mul3A_167 = arith.muli %mul3A_166, %add3A_101 : i32
        %add3A_168 = arith.constant 1 : i32
        %add3A_169 = arith.addi %mul3A_167, %add3A_168 : i32
        %get3A_170 = arith.index_cast %add3A_169 : i32 to index
        %get3A_171 = arith.constant 16 : index
        %get3A_172 = tpu.vector_load %arg8[%get3A_170, %get3A_171] {strides = array<i32>} : memref<96x256xf32, #tpu.memory_space<vmem>>, vector<1x16xf32>,
        %get3A_173 = vector.shape_cast %get3A_172 : vector<1x16xf32> to vector<16xf32>
        %mul3A_174 = arith.constant 3 : i32
        %mul3A_175 = arith.muli %mul3A_174, %add3A_101 : i32
        %add3A_176 = arith.constant 2 : i32
        %add3A_177 = arith.addi %mul3A_175, %add3A_176 : i32
        %get3A_178 = arith.index_cast %add3A_177 : i32 to index
        %get3A_179 = arith.constant 16 : index
        %get3A_180 = tpu.vector_load %arg8[%get3A_178, %get3A_179] {strides = array<i32>} : memref<96x256xf32, #tpu.memory_space<vmem>>, vector<1x16xf32>,
        %get3A_181 = vector.shape_cast %get3A_180 : vector<1x16xf32> to vector<16xf32>
        %mul3A_182 = arith.mulf %get3A_165, %get3A_107 : vector<16xf32>
        %mul3A_183 = arith.mulf %get3A_173, %get3A_116 : vector<16xf32>
        %add3A_184 = arith.addf %mul3A_182, %mul3A_183 : vector<16xf32>
        %mul3A_185 = arith.mulf %get3A_181, %get3A_125 : vector<16xf32>
        %add3A_186 = arith.addf %add3A_184, %mul3A_185 : vector<16xf32>
        %mul3A_187 = arith.constant 256 : i32
        %mul3A_188 = arith.muli %add3A_101, %mul3A_187 : i32
        %add3A_189 = arith.constant 16 : i32
        %add3A_190 = arith.addi %mul3A_188, %add3A_189 : i32
        %swap3A_191 = arith.index_cast %add3A_190 : i32 to index
        %swap3A_192 = tpu.vector_load %arg11[%swap3A_191] {strides = array<i32>} : memref<8192xf32, #tpu.memory_space<vmem>>, vector<16xf32>,
        %swap3A_193 = vector.shape_cast %swap3A_192 : vector<16xf32> to vector<16xf32>
        %swap3A_194 = vector.shape_cast %add3A_186 : vector<16xf32> to vector<16xf32>
        tpu.vector_store %arg11[%swap3A_191], %swap3A_194 {strides = array<i32>} : memref<8192xf32, #tpu.memory_space<vmem>>, vector<16xf32>,
        %mul3A_195 = arith.constant 3 : i32
        %mul3A_196 = arith.muli %mul3A_195, %add3A_101 : i32
        %get3A_197 = arith.index_cast %mul3A_196 : i32 to index
        %get3A_198 = arith.constant 32 : index
        %get3A_199 = tpu.vector_load %arg8[%get3A_197, %get3A_198] {strides = array<i32>} : memref<96x256xf32, #tpu.memory_space<vmem>>, vector<1x16xf32>,
        %get3A_200 = vector.shape_cast %get3A_199 : vector<1x16xf32> to vector<16xf32>
        %mul3A_201 = arith.constant 3 : i32
        %mul3A_202 = arith.muli %mul3A_201, %add3A_101 : i32
        %add3A_203 = arith.constant 1 : i32
        %add3A_204 = arith.addi %mul3A_202, %add3A_203 : i32
        %get3A_205 = arith.index_cast %add3A_204 : i32 to index
        %get3A_206 = arith.constant 32 : index
        %get3A_207 = tpu.vector_load %arg8[%get3A_205, %get3A_206] {strides = array<i32>} : memref<96x256xf32, #tpu.memory_space<vmem>>, vector<1x16xf32>,
        %get3A_208 = vector.shape_cast %get3A_207 : vector<1x16xf32> to vector<16xf32>
        %mul3A_209 = arith.constant 3 : i32
        %mul3A_210 = arith.muli %mul3A_209, %add3A_101 : i32
        %add3A_211 = arith.constant 2 : i32
        %add3A_212 = arith.addi %mul3A_210, %add3A_211 : i32
        %get3A_213 = arith.index_cast %add3A_212 : i32 to index
        %get3A_214 = arith.constant 32 : index
        %get3A_215 = tpu.vector_load %arg8[%get3A_213, %get3A_214] {strides = array<i32>} : memref<96x256xf32, #tpu.memory_space<vmem>>, vector<1x16xf32>,
        %get3A_216 = vector.shape_cast %get3A_215 : vector<1x16xf32> to vector<16xf32>
        %mul3A_217 = arith.mulf %get3A_200, %get3A_107 : vector<16xf32>
        %mul3A_218 = arith.mulf %get3A_208, %get3A_116 : vector<16xf32>
        %add3A_219 = arith.addf %mul3A_217, %mul3A_218 : vector<16xf32>
        %mul3A_220 = arith.mulf %get3A_216, %get3A_125 : vector<16xf32>
        %add3A_221 = arith.addf %add3A_219, %mul3A_220 : vector<16xf32>
        %mul3A_222 = arith.constant 256 : i32
        %mul3A_223 = arith.muli %add3A_101, %mul3A_222 : i32
        %add3A_224 = arith.constant 32 : i32
        %add3A_225 = arith.addi %mul3A_223, %add3A_224 : i32
        %swap3A_226 = arith.index_cast %add3A_225 : i32 to index
        %swap3A_227 = tpu.vector_load %arg11[%swap3A_226] {strides = array<i32>} : memref<8192xf32, #tpu.memory_space<vmem>>, vector<16xf32>,
        %swap3A_228 = vector.shape_cast %swap3A_227 : vector<16xf32> to vector<16xf32>
        %swap3A_229 = vector.shape_cast %add3A_221 : vector<16xf32> to vector<16xf32>
        tpu.vector_store %arg11[%swap3A_226], %swap3A_229 {strides = array<i32>} : memref<8192xf32, #tpu.memory_space<vmem>>, vector<16xf32>,
        %mul3A_230 = arith.constant 3 : i32
        %mul3A_231 = arith.muli %mul3A_230, %add3A_101 : i32
        %get3A_232 = arith.index_cast %mul3A_231 : i32 to index
        %get3A_233 = arith.constant 48 : index
        %get3A_234 = tpu.vector_load %arg8[%get3A_232, %get3A_233] {strides = array<i32>} : memref<96x256xf32, #tpu.memory_space<vmem>>, vector<1x16xf32>,
        %get3A_235 = vector.shape_cast %get3A_234 : vector<1x16xf32> to vector<16xf32>
        %mul3A_236 = arith.constant 3 : i32
        %mul3A_237 = arith.muli %mul3A_236, %add3A_101 : i32
        %add3A_238 = arith.constant 1 : i32
        %add3A_239 = arith.addi %mul3A_237, %add3A_238 : i32
        %get3A_240 = arith.index_cast %add3A_239 : i32 to index
        %get3A_241 = arith.constant 48 : index
        %get3A_242 = tpu.vector_load %arg8[%get3A_240, %get3A_241] {strides = array<i32>} : memref<96x256xf32, #tpu.memory_space<vmem>>, vector<1x16xf32>,
        %get3A_243 = vector.shape_cast %get3A_242 : vector<1x16xf32> to vector<16xf32>
        %mul3A_244 = arith.constant 3 : i32
        %mul3A_245 = arith.muli %mul3A_244, %add3A_101 : i32
        %add3A_246 = arith.constant 2 : i32
        %add3A_247 = arith.addi %mul3A_245, %add3A_246 : i32
        %get3A_248 = arith.index_cast %add3A_247 : i32 to index
        %get3A_249 = arith.constant 48 : index
        %get3A_250 = tpu.vector_load %arg8[%get3A_248, %get3A_249] {strides = array<i32>} : memref<96x256xf32, #tpu.memory_space<vmem>>, vector<1x16xf32>,
        %get3A_251 = vector.shape_cast %get3A_250 : vector<1x16xf32> to vector<16xf32>
        %mul3A_252 = arith.mulf %get3A_235, %get3A_107 : vector<16xf32>
        %mul3A_253 = arith.mulf %get3A_243, %get3A_116 : vector<16xf32>
        %add3A_254 = arith.addf %mul3A_252, %mul3A_253 : vector<16xf32>
        %mul3A_255 = arith.mulf %get3A_251, %get3A_125 : vector<16xf32>
        %add3A_256 = arith.addf %add3A_254, %mul3A_255 : vector<16xf32>
        %mul3A_257 = arith.constant 256 : i32
        %mul3A_258 = arith.muli %add3A_101, %mul3A_257 : i32
        %add3A_259 = arith.constant 48 : i32
        %add3A_260 = arith.addi %mul3A_258, %add3A_259 : i32
        %swap3A_261 = arith.index_cast %add3A_260 : i32 to index
        %swap3A_262 = tpu.vector_load %arg11[%swap3A_261] {strides = array<i32>} : memref<8192xf32, #tpu.memory_space<vmem>>, vector<16xf32>,
        %swap3A_263 = vector.shape_cast %swap3A_262 : vector<16xf32> to vector<16xf32>
        %swap3A_264 = vector.shape_cast %add3A_256 : vector<16xf32> to vector<16xf32>
        tpu.vector_store %arg11[%swap3A_261], %swap3A_264 {strides = array<i32>} : memref<8192xf32, #tpu.memory_space<vmem>>, vector<16xf32>,
        %mul3A_265 = arith.constant 3 : i32
        %mul3A_266 = arith.muli %mul3A_265, %add3A_101 : i32
        %get3A_267 = arith.index_cast %mul3A_266 : i32 to index
        %get3A_268 = arith.constant 64 : index
        %get3A_269 = tpu.vector_load %arg8[%get3A_267, %get3A_268] {strides = array<i32>} : memref<96x256xf32, #tpu.memory_space<vmem>>, vector<1x16xf32>,
        %get3A_270 = vector.shape_cast %get3A_269 : vector<1x16xf32> to vector<16xf32>
        %mul3A_271 = arith.constant 3 : i32
        %mul3A_272 = arith.muli %mul3A_271, %add3A_101 : i32
        %add3A_273 = arith.constant 1 : i32
        %add3A_274 = arith.addi %mul3A_272, %add3A_273 : i32
        %get3A_275 = arith.index_cast %add3A_274 : i32 to index
        %get3A_276 = arith.constant 64 : index
        %get3A_277 = tpu.vector_load %arg8[%get3A_275, %get3A_276] {strides = array<i32>} : memref<96x256xf32, #tpu.memory_space<vmem>>, vector<1x16xf32>,
        %get3A_278 = vector.shape_cast %get3A_277 : vector<1x16xf32> to vector<16xf32>
        %mul3A_279 = arith.constant 3 : i32
        %mul3A_280 = arith.muli %mul3A_279, %add3A_101 : i32
        %add3A_281 = arith.constant 2 : i32
        %add3A_282 = arith.addi %mul3A_280, %add3A_281 : i32
        %get3A_283 = arith.index_cast %add3A_282 : i32 to index
        %get3A_284 = arith.constant 64 : index
        %get3A_285 = tpu.vector_load %arg8[%get3A_283, %get3A_284] {strides = array<i32>} : memref<96x256xf32, #tpu.memory_space<vmem>>, vector<1x16xf32>,
        %get3A_286 = vector.shape_cast %get3A_285 : vector<1x16xf32> to vector<16xf32>
        %mul3A_287 = arith.mulf %get3A_270, %get3A_107 : vector<16xf32>
        %mul3A_288 = arith.mulf %get3A_278, %get3A_116 : vector<16xf32>
        %add3A_289 = arith.addf %mul3A_287, %mul3A_288 : vector<16xf32>
        %mul3A_290 = arith.mulf %get3A_286, %get3A_125 : vector<16xf32>
        %add3A_291 = arith.addf %add3A_289, %mul3A_290 : vector<16xf32>
        %mul3A_292 = arith.constant 256 : i32
        %mul3A_293 = arith.muli %add3A_101, %mul3A_292 : i32
        %add3A_294 = arith.constant 64 : i32
        %add3A_295 = arith.addi %mul3A_293, %add3A_294 : i32
        %swap3A_296 = arith.index_cast %add3A_295 : i32 to index
        %swap3A_297 = tpu.vector_load %arg11[%swap3A_296] {strides = array<i32>} : memref<8192xf32, #tpu.memory_space<vmem>>, vector<16xf32>,
        %swap3A_298 = vector.shape_cast %swap3A_297 : vector<16xf32> to vector<16xf32>
        %swap3A_299 = vector.shape_cast %add3A_291 : vector<16xf32> to vector<16xf32>
        tpu.vector_store %arg11[%swap3A_296], %swap3A_299 {strides = array<i32>} : memref<8192xf32, #tpu.memory_space<vmem>>, vector<16xf32>,
        %mul3A_300 = arith.constant 3 : i32
        %mul3A_301 = arith.muli %mul3A_300, %add3A_101 : i32
        %get3A_302 = arith.index_cast %mul3A_301 : i32 to index
        %get3A_303 = arith.constant 80 : index
        %get3A_304 = tpu.vector_load %arg8[%get3A_302, %get3A_303] {strides = array<i32>} : memref<96x256xf32, #tpu.memory_space<vmem>>, vector<1x16xf32>,
        %get3A_305 = vector.shape_cast %get3A_304 : vector<1x16xf32> to vector<16xf32>
        %mul3A_306 = arith.constant 3 : i32
        %mul3A_307 = arith.muli %mul3A_306, %add3A_101 : i32
        %add3A_308 = arith.constant 1 : i32
        %add3A_309 = arith.addi %mul3A_307, %add3A_308 : i32
        %get3A_310 = arith.index_cast %add3A_309 : i32 to index
        %get3A_311 = arith.constant 80 : index
        %get3A_312 = tpu.vector_load %arg8[%get3A_310, %get3A_311] {strides = array<i32>} : memref<96x256xf32, #tpu.memory_space<vmem>>, vector<1x16xf32>,
        %get3A_313 = vector.shape_cast %get3A_312 : vector<1x16xf32> to vector<16xf32>
        %mul3A_314 = arith.constant 3 : i32
        %mul3A_315 = arith.muli %mul3A_314, %add3A_101 : i32
        %add3A_316 = arith.constant 2 : i32
        %add3A_317 = arith.addi %mul3A_315, %add3A_316 : i32
        %get3A_318 = arith.index_cast %add3A_317 : i32 to index
        %get3A_319 = arith.constant 80 : index
        %get3A_320 = tpu.vector_load %arg8[%get3A_318, %get3A_319] {strides = array<i32>} : memref<96x256xf32, #tpu.memory_space<vmem>>, vector<1x16xf32>,
        %get3A_321 = vector.shape_cast %get3A_320 : vector<1x16xf32> to vector<16xf32>
        %mul3A_322 = arith.mulf %get3A_305, %get3A_107 : vector<16xf32>
        %mul3A_323 = arith.mulf %get3A_313, %get3A_116 : vector<16xf32>
        %add3A_324 = arith.addf %mul3A_322, %mul3A_323 : vector<16xf32>
        %mul3A_325 = arith.mulf %get3A_321, %get3A_125 : vector<16xf32>
        %add3A_326 = arith.addf %add3A_324, %mul3A_325 : vector<16xf32>
        %mul3A_327 = arith.constant 256 : i32
        %mul3A_328 = arith.muli %add3A_101, %mul3A_327 : i32
        %add3A_329 = arith.constant 80 : i32
        %add3A_330 = arith.addi %mul3A_328, %add3A_329 : i32
        %swap3A_331 = arith.index_cast %add3A_330 : i32 to index
        %swap3A_332 = tpu.vector_load %arg11[%swap3A_331] {strides = array<i32>} : memref<8192xf32, #tpu.memory_space<vmem>>, vector<16xf32>,
        %swap3A_333 = vector.shape_cast %swap3A_332 : vector<16xf32> to vector<16xf32>
        %swap3A_334 = vector.shape_cast %add3A_326 : vector<16xf32> to vector<16xf32>
        tpu.vector_store %arg11[%swap3A_331], %swap3A_334 {strides = array<i32>} : memref<8192xf32, #tpu.memory_space<vmem>>, vector<16xf32>,
        %mul3A_335 = arith.constant 3 : i32
        %mul3A_336 = arith.muli %mul3A_335, %add3A_101 : i32
        %get3A_337 = arith.index_cast %mul3A_336 : i32 to index
        %get3A_338 = arith.constant 96 : index
        %get3A_339 = tpu.vector_load %arg8[%get3A_337, %get3A_338] {strides = array<i32>} : memref<96x256xf32, #tpu.memory_space<vmem>>, vector<1x16xf32>,
        %get3A_340 = vector.shape_cast %get3A_339 : vector<1x16xf32> to vector<16xf32>
        %mul3A_341 = arith.constant 3 : i32
        %mul3A_342 = arith.muli %mul3A_341, %add3A_101 : i32
        %add3A_343 = arith.constant 1 : i32
        %add3A_344 = arith.addi %mul3A_342, %add3A_343 : i32
        %get3A_345 = arith.index_cast %add3A_344 : i32 to index
        %get3A_346 = arith.constant 96 : index
        %get3A_347 = tpu.vector_load %arg8[%get3A_345, %get3A_346] {strides = array<i32>} : memref<96x256xf32, #tpu.memory_space<vmem>>, vector<1x16xf32>,
        %get3A_348 = vector.shape_cast %get3A_347 : vector<1x16xf32> to vector<16xf32>
        %mul3A_349 = arith.constant 3 : i32
        %mul3A_350 = arith.muli %mul3A_349, %add3A_101 : i32
        %add3A_351 = arith.constant 2 : i32
        %add3A_352 = arith.addi %mul3A_350, %add3A_351 : i32
        %get3A_353 = arith.index_cast %add3A_352 : i32 to index
        %get3A_354 = arith.constant 96 : index
        %get3A_355 = tpu.vector_load %arg8[%get3A_353, %get3A_354] {strides = array<i32>} : memref<96x256xf32, #tpu.memory_space<vmem>>, vector<1x16xf32>,
        %get3A_356 = vector.shape_cast %get3A_355 : vector<1x16xf32> to vector<16xf32>
        %mul3A_357 = arith.mulf %get3A_340, %get3A_107 : vector<16xf32>
        %mul3A_358 = arith.mulf %get3A_348, %get3A_116 : vector<16xf32>
        %add3A_359 = arith.addf %mul3A_357, %mul3A_358 : vector<16xf32>
        %mul3A_360 = arith.mulf %get3A_356, %get3A_125 : vector<16xf32>
        %add3A_361 = arith.addf %add3A_359, %mul3A_360 : vector<16xf32>
        %mul3A_362 = arith.constant 256 : i32
        %mul3A_363 = arith.muli %add3A_101, %mul3A_362 : i32
        %add3A_364 = arith.constant 96 : i32
        %add3A_365 = arith.addi %mul3A_363, %add3A_364 : i32
        %swap3A_366 = arith.index_cast %add3A_365 : i32 to index
        %swap3A_367 = tpu.vector_load %arg11[%swap3A_366] {strides = array<i32>} : memref<8192xf32, #tpu.memory_space<vmem>>, vector<16xf32>,
        %swap3A_368 = vector.shape_cast %swap3A_367 : vector<16xf32> to vector<16xf32>
        %swap3A_369 = vector.shape_cast %add3A_361 : vector<16xf32> to vector<16xf32>
        tpu.vector_store %arg11[%swap3A_366], %swap3A_369 {strides = array<i32>} : memref<8192xf32, #tpu.memory_space<vmem>>, vector<16xf32>,
        %mul3A_370 = arith.constant 3 : i32
        %mul3A_371 = arith.muli %mul3A_370, %add3A_101 : i32
        %get3A_372 = arith.index_cast %mul3A_371 : i32 to index
        %get3A_373 = arith.constant 112 : index
        %get3A_374 = tpu.vector_load %arg8[%get3A_372, %get3A_373] {strides = array<i32>} : memref<96x256xf32, #tpu.memory_space<vmem>>, vector<1x16xf32>,
        %get3A_375 = vector.shape_cast %get3A_374 : vector<1x16xf32> to vector<16xf32>
        %mul3A_376 = arith.constant 3 : i32
        %mul3A_377 = arith.muli %mul3A_376, %add3A_101 : i32
        %add3A_378 = arith.constant 1 : i32
        %add3A_379 = arith.addi %mul3A_377, %add3A_378 : i32
        %get3A_380 = arith.index_cast %add3A_379 : i32 to index
        %get3A_381 = arith.constant 112 : index
        %get3A_382 = tpu.vector_load %arg8[%get3A_380, %get3A_381] {strides = array<i32>} : memref<96x256xf32, #tpu.memory_space<vmem>>, vector<1x16xf32>,
        %get3A_383 = vector.shape_cast %get3A_382 : vector<1x16xf32> to vector<16xf32>
        %mul3A_384 = arith.constant 3 : i32
        %mul3A_385 = arith.muli %mul3A_384, %add3A_101 : i32
        %add3A_386 = arith.constant 2 : i32
        %add3A_387 = arith.addi %mul3A_385, %add3A_386 : i32
        %get3A_388 = arith.index_cast %add3A_387 : i32 to index
        %get3A_389 = arith.constant 112 : index
        %get3A_390 = tpu.vector_load %arg8[%get3A_388, %get3A_389] {strides = array<i32>} : memref<96x256xf32, #tpu.memory_space<vmem>>, vector<1x16xf32>,
        %get3A_391 = vector.shape_cast %get3A_390 : vector<1x16xf32> to vector<16xf32>
        %mul3A_392 = arith.mulf %get3A_375, %get3A_107 : vector<16xf32>
        %mul3A_393 = arith.mulf %get3A_383, %get3A_116 : vector<16xf32>
        %add3A_394 = arith.addf %mul3A_392, %mul3A_393 : vector<16xf32>
        %mul3A_395 = arith.mulf %get3A_391, %get3A_125 : vector<16xf32>
        %add3A_396 = arith.addf %add3A_394, %mul3A_395 : vector<16xf32>
        %mul3A_397 = arith.constant 256 : i32
        %mul3A_398 = arith.muli %add3A_101, %mul3A_397 : i32
        %add3A_399 = arith.constant 112 : i32
        %add3A_400 = arith.addi %mul3A_398, %add3A_399 : i32
        %swap3A_401 = arith.index_cast %add3A_400 : i32 to index
        %swap3A_402 = tpu.vector_load %arg11[%swap3A_401] {strides = array<i32>} : memref<8192xf32, #tpu.memory_space<vmem>>, vector<16xf32>,
        %swap3A_403 = vector.shape_cast %swap3A_402 : vector<16xf32> to vector<16xf32>
        %swap3A_404 = vector.shape_cast %add3A_396 : vector<16xf32> to vector<16xf32>
        tpu.vector_store %arg11[%swap3A_401], %swap3A_404 {strides = array<i32>} : memref<8192xf32, #tpu.memory_space<vmem>>, vector<16xf32>,
        %mul3A_405 = arith.constant 3 : i32
        %mul3A_406 = arith.muli %mul3A_405, %add3A_101 : i32
        %get3A_407 = arith.index_cast %mul3A_406 : i32 to index
        %get3A_408 = arith.constant 128 : index
        %get3A_409 = tpu.vector_load %arg8[%get3A_407, %get3A_408] {strides = array<i32>} : memref<96x256xf32, #tpu.memory_space<vmem>>, vector<1x16xf32>,
        %get3A_410 = vector.shape_cast %get3A_409 : vector<1x16xf32> to vector<16xf32>
        %mul3A_411 = arith.constant 3 : i32
        %mul3A_412 = arith.muli %mul3A_411, %add3A_101 : i32
        %add3A_413 = arith.constant 1 : i32
        %add3A_414 = arith.addi %mul3A_412, %add3A_413 : i32
        %get3A_415 = arith.index_cast %add3A_414 : i32 to index
        %get3A_416 = arith.constant 128 : index
        %get3A_417 = tpu.vector_load %arg8[%get3A_415, %get3A_416] {strides = array<i32>} : memref<96x256xf32, #tpu.memory_space<vmem>>, vector<1x16xf32>,
        %get3A_418 = vector.shape_cast %get3A_417 : vector<1x16xf32> to vector<16xf32>
        %mul3A_419 = arith.constant 3 : i32
        %mul3A_420 = arith.muli %mul3A_419, %add3A_101 : i32
        %add3A_421 = arith.constant 2 : i32
        %add3A_422 = arith.addi %mul3A_420, %add3A_421 : i32
        %get3A_423 = arith.index_cast %add3A_422 : i32 to index
        %get3A_424 = arith.constant 128 : index
        %get3A_425 = tpu.vector_load %arg8[%get3A_423, %get3A_424] {strides = array<i32>} : memref<96x256xf32, #tpu.memory_space<vmem>>, vector<1x16xf32>,
        %get3A_426 = vector.shape_cast %get3A_425 : vector<1x16xf32> to vector<16xf32>
        %mul3A_427 = arith.mulf %get3A_410, %get3A_107 : vector<16xf32>
        %mul3A_428 = arith.mulf %get3A_418, %get3A_116 : vector<16xf32>
        %add3A_429 = arith.addf %mul3A_427, %mul3A_428 : vector<16xf32>
        %mul3A_430 = arith.mulf %get3A_426, %get3A_125 : vector<16xf32>
        %add3A_431 = arith.addf %add3A_429, %mul3A_430 : vector<16xf32>
        %mul3A_432 = arith.constant 256 : i32
        %mul3A_433 = arith.muli %add3A_101, %mul3A_432 : i32
        %add3A_434 = arith.constant 128 : i32
        %add3A_435 = arith.addi %mul3A_433, %add3A_434 : i32
        %swap3A_436 = arith.index_cast %add3A_435 : i32 to index
        %swap3A_437 = tpu.vector_load %arg11[%swap3A_436] {strides = array<i32>} : memref<8192xf32, #tpu.memory_space<vmem>>, vector<16xf32>,
        %swap3A_438 = vector.shape_cast %swap3A_437 : vector<16xf32> to vector<16xf32>
        %swap3A_439 = vector.shape_cast %add3A_431 : vector<16xf32> to vector<16xf32>
        tpu.vector_store %arg11[%swap3A_436], %swap3A_439 {strides = array<i32>} : memref<8192xf32, #tpu.memory_space<vmem>>, vector<16xf32>,
        %mul3A_440 = arith.constant 3 : i32
        %mul3A_441 = arith.muli %mul3A_440, %add3A_101 : i32
        %get3A_442 = arith.index_cast %mul3A_441 : i32 to index
        %get3A_443 = arith.constant 144 : index
        %get3A_444 = tpu.vector_load %arg8[%get3A_442, %get3A_443] {strides = array<i32>} : memref<96x256xf32, #tpu.memory_space<vmem>>, vector<1x16xf32>,
        %get3A_445 = vector.shape_cast %get3A_444 : vector<1x16xf32> to vector<16xf32>
        %mul3A_446 = arith.constant 3 : i32
        %mul3A_447 = arith.muli %mul3A_446, %add3A_101 : i32
        %add3A_448 = arith.constant 1 : i32
        %add3A_449 = arith.addi %mul3A_447, %add3A_448 : i32
        %get3A_450 = arith.index_cast %add3A_449 : i32 to index
        %get3A_451 = arith.constant 144 : index
        %get3A_452 = tpu.vector_load %arg8[%get3A_450, %get3A_451] {strides = array<i32>} : memref<96x256xf32, #tpu.memory_space<vmem>>, vector<1x16xf32>,
        %get3A_453 = vector.shape_cast %get3A_452 : vector<1x16xf32> to vector<16xf32>
        %mul3A_454 = arith.constant 3 : i32
        %mul3A_455 = arith.muli %mul3A_454, %add3A_101 : i32
        %add3A_456 = arith.constant 2 : i32
        %add3A_457 = arith.addi %mul3A_455, %add3A_456 : i32
        %get3A_458 = arith.index_cast %add3A_457 : i32 to index
        %get3A_459 = arith.constant 144 : index
        %get3A_460 = tpu.vector_load %arg8[%get3A_458, %get3A_459] {strides = array<i32>} : memref<96x256xf32, #tpu.memory_space<vmem>>, vector<1x16xf32>,
        %get3A_461 = vector.shape_cast %get3A_460 : vector<1x16xf32> to vector<16xf32>
        %mul3A_462 = arith.mulf %get3A_445, %get3A_107 : vector<16xf32>
        %mul3A_463 = arith.mulf %get3A_453, %get3A_116 : vector<16xf32>
        %add3A_464 = arith.addf %mul3A_462, %mul3A_463 : vector<16xf32>
        %mul3A_465 = arith.mulf %get3A_461, %get3A_125 : vector<16xf32>
        %add3A_466 = arith.addf %add3A_464, %mul3A_465 : vector<16xf32>
        %mul3A_467 = arith.constant 256 : i32
        %mul3A_468 = arith.muli %add3A_101, %mul3A_467 : i32
        %add3A_469 = arith.constant 144 : i32
        %add3A_470 = arith.addi %mul3A_468, %add3A_469 : i32
        %swap3A_471 = arith.index_cast %add3A_470 : i32 to index
        %swap3A_472 = tpu.vector_load %arg11[%swap3A_471] {strides = array<i32>} : memref<8192xf32, #tpu.memory_space<vmem>>, vector<16xf32>,
        %swap3A_473 = vector.shape_cast %swap3A_472 : vector<16xf32> to vector<16xf32>
        %swap3A_474 = vector.shape_cast %add3A_466 : vector<16xf32> to vector<16xf32>
        tpu.vector_store %arg11[%swap3A_471], %swap3A_474 {strides = array<i32>} : memref<8192xf32, #tpu.memory_space<vmem>>, vector<16xf32>,
        %mul3A_475 = arith.constant 3 : i32
        %mul3A_476 = arith.muli %mul3A_475, %add3A_101 : i32
        %get3A_477 = arith.index_cast %mul3A_476 : i32 to index
        %get3A_478 = arith.constant 160 : index
        %get3A_479 = tpu.vector_load %arg8[%get3A_477, %get3A_478] {strides = array<i32>} : memref<96x256xf32, #tpu.memory_space<vmem>>, vector<1x16xf32>,
        %get3A_480 = vector.shape_cast %get3A_479 : vector<1x16xf32> to vector<16xf32>
        %mul3A_481 = arith.constant 3 : i32
        %mul3A_482 = arith.muli %mul3A_481, %add3A_101 : i32
        %add3A_483 = arith.constant 1 : i32
        %add3A_484 = arith.addi %mul3A_482, %add3A_483 : i32
        %get3A_485 = arith.index_cast %add3A_484 : i32 to index
        %get3A_486 = arith.constant 160 : index
        %get3A_487 = tpu.vector_load %arg8[%get3A_485, %get3A_486] {strides = array<i32>} : memref<96x256xf32, #tpu.memory_space<vmem>>, vector<1x16xf32>,
        %get3A_488 = vector.shape_cast %get3A_487 : vector<1x16xf32> to vector<16xf32>
        %mul3A_489 = arith.constant 3 : i32
        %mul3A_490 = arith.muli %mul3A_489, %add3A_101 : i32
        %add3A_491 = arith.constant 2 : i32
        %add3A_492 = arith.addi %mul3A_490, %add3A_491 : i32
        %get3A_493 = arith.index_cast %add3A_492 : i32 to index
        %get3A_494 = arith.constant 160 : index
        %get3A_495 = tpu.vector_load %arg8[%get3A_493, %get3A_494] {strides = array<i32>} : memref<96x256xf32, #tpu.memory_space<vmem>>, vector<1x16xf32>,
        %get3A_496 = vector.shape_cast %get3A_495 : vector<1x16xf32> to vector<16xf32>
        %mul3A_497 = arith.mulf %get3A_480, %get3A_107 : vector<16xf32>
        %mul3A_498 = arith.mulf %get3A_488, %get3A_116 : vector<16xf32>
        %add3A_499 = arith.addf %mul3A_497, %mul3A_498 : vector<16xf32>
        %mul3A_500 = arith.mulf %get3A_496, %get3A_125 : vector<16xf32>
        %add3A_501 = arith.addf %add3A_499, %mul3A_500 : vector<16xf32>
        %mul3A_502 = arith.constant 256 : i32
        %mul3A_503 = arith.muli %add3A_101, %mul3A_502 : i32
        %add3A_504 = arith.constant 160 : i32
        %add3A_505 = arith.addi %mul3A_503, %add3A_504 : i32
        %swap3A_506 = arith.index_cast %add3A_505 : i32 to index
        %swap3A_507 = tpu.vector_load %arg11[%swap3A_506] {strides = array<i32>} : memref<8192xf32, #tpu.memory_space<vmem>>, vector<16xf32>,
        %swap3A_508 = vector.shape_cast %swap3A_507 : vector<16xf32> to vector<16xf32>
        %swap3A_509 = vector.shape_cast %add3A_501 : vector<16xf32> to vector<16xf32>
        tpu.vector_store %arg11[%swap3A_506], %swap3A_509 {strides = array<i32>} : memref<8192xf32, #tpu.memory_space<vmem>>, vector<16xf32>,
        %mul3A_510 = arith.constant 3 : i32
        %mul3A_511 = arith.muli %mul3A_510, %add3A_101 : i32
        %get3A_512 = arith.index_cast %mul3A_511 : i32 to index
        %get3A_513 = arith.constant 176 : index
        %get3A_514 = tpu.vector_load %arg8[%get3A_512, %get3A_513] {strides = array<i32>} : memref<96x256xf32, #tpu.memory_space<vmem>>, vector<1x16xf32>,
        %get3A_515 = vector.shape_cast %get3A_514 : vector<1x16xf32> to vector<16xf32>
        %mul3A_516 = arith.constant 3 : i32
        %mul3A_517 = arith.muli %mul3A_516, %add3A_101 : i32
        %add3A_518 = arith.constant 1 : i32
        %add3A_519 = arith.addi %mul3A_517, %add3A_518 : i32
        %get3A_520 = arith.index_cast %add3A_519 : i32 to index
        %get3A_521 = arith.constant 176 : index
        %get3A_522 = tpu.vector_load %arg8[%get3A_520, %get3A_521] {strides = array<i32>} : memref<96x256xf32, #tpu.memory_space<vmem>>, vector<1x16xf32>,
        %get3A_523 = vector.shape_cast %get3A_522 : vector<1x16xf32> to vector<16xf32>
        %mul3A_524 = arith.constant 3 : i32
        %mul3A_525 = arith.muli %mul3A_524, %add3A_101 : i32
        %add3A_526 = arith.constant 2 : i32
        %add3A_527 = arith.addi %mul3A_525, %add3A_526 : i32
        %get3A_528 = arith.index_cast %add3A_527 : i32 to index
        %get3A_529 = arith.constant 176 : index
        %get3A_530 = tpu.vector_load %arg8[%get3A_528, %get3A_529] {strides = array<i32>} : memref<96x256xf32, #tpu.memory_space<vmem>>, vector<1x16xf32>,
        %get3A_531 = vector.shape_cast %get3A_530 : vector<1x16xf32> to vector<16xf32>
        %mul3A_532 = arith.mulf %get3A_515, %get3A_107 : vector<16xf32>
        %mul3A_533 = arith.mulf %get3A_523, %get3A_116 : vector<16xf32>
        %add3A_534 = arith.addf %mul3A_532, %mul3A_533 : vector<16xf32>
        %mul3A_535 = arith.mulf %get3A_531, %get3A_125 : vector<16xf32>
        %add3A_536 = arith.addf %add3A_534, %mul3A_535 : vector<16xf32>
        %mul3A_537 = arith.constant 256 : i32
        %mul3A_538 = arith.muli %add3A_101, %mul3A_537 : i32
        %add3A_539 = arith.constant 176 : i32
        %add3A_540 = arith.addi %mul3A_538, %add3A_539 : i32
        %swap3A_541 = arith.index_cast %add3A_540 : i32 to index
        %swap3A_542 = tpu.vector_load %arg11[%swap3A_541] {strides = array<i32>} : memref<8192xf32, #tpu.memory_space<vmem>>, vector<16xf32>,
        %swap3A_543 = vector.shape_cast %swap3A_542 : vector<16xf32> to vector<16xf32>
        %swap3A_544 = vector.shape_cast %add3A_536 : vector<16xf32> to vector<16xf32>
        tpu.vector_store %arg11[%swap3A_541], %swap3A_544 {strides = array<i32>} : memref<8192xf32, #tpu.memory_space<vmem>>, vector<16xf32>,
        %mul3A_545 = arith.constant 3 : i32
        %mul3A_546 = arith.muli %mul3A_545, %add3A_101 : i32
        %get3A_547 = arith.index_cast %mul3A_546 : i32 to index
        %get3A_548 = arith.constant 192 : index
        %get3A_549 = tpu.vector_load %arg8[%get3A_547, %get3A_548] {strides = array<i32>} : memref<96x256xf32, #tpu.memory_space<vmem>>, vector<1x16xf32>,
        %get3A_550 = vector.shape_cast %get3A_549 : vector<1x16xf32> to vector<16xf32>
        %mul3A_551 = arith.constant 3 : i32
        %mul3A_552 = arith.muli %mul3A_551, %add3A_101 : i32
        %add3A_553 = arith.constant 1 : i32
        %add3A_554 = arith.addi %mul3A_552, %add3A_553 : i32
        %get3A_555 = arith.index_cast %add3A_554 : i32 to index
        %get3A_556 = arith.constant 192 : index
        %get3A_557 = tpu.vector_load %arg8[%get3A_555, %get3A_556] {strides = array<i32>} : memref<96x256xf32, #tpu.memory_space<vmem>>, vector<1x16xf32>,
        %get3A_558 = vector.shape_cast %get3A_557 : vector<1x16xf32> to vector<16xf32>
        %mul3A_559 = arith.constant 3 : i32
        %mul3A_560 = arith.muli %mul3A_559, %add3A_101 : i32
        %add3A_561 = arith.constant 2 : i32
        %add3A_562 = arith.addi %mul3A_560, %add3A_561 : i32
        %get3A_563 = arith.index_cast %add3A_562 : i32 to index
        %get3A_564 = arith.constant 192 : index
        %get3A_565 = tpu.vector_load %arg8[%get3A_563, %get3A_564] {strides = array<i32>} : memref<96x256xf32, #tpu.memory_space<vmem>>, vector<1x16xf32>,
        %get3A_566 = vector.shape_cast %get3A_565 : vector<1x16xf32> to vector<16xf32>
        %mul3A_567 = arith.mulf %get3A_550, %get3A_107 : vector<16xf32>
        %mul3A_568 = arith.mulf %get3A_558, %get3A_116 : vector<16xf32>
        %add3A_569 = arith.addf %mul3A_567, %mul3A_568 : vector<16xf32>
        %mul3A_570 = arith.mulf %get3A_566, %get3A_125 : vector<16xf32>
        %add3A_571 = arith.addf %add3A_569, %mul3A_570 : vector<16xf32>
        %mul3A_572 = arith.constant 256 : i32
        %mul3A_573 = arith.muli %add3A_101, %mul3A_572 : i32
        %add3A_574 = arith.constant 192 : i32
        %add3A_575 = arith.addi %mul3A_573, %add3A_574 : i32
        %swap3A_576 = arith.index_cast %add3A_575 : i32 to index
        %swap3A_577 = tpu.vector_load %arg11[%swap3A_576] {strides = array<i32>} : memref<8192xf32, #tpu.memory_space<vmem>>, vector<16xf32>,
        %swap3A_578 = vector.shape_cast %swap3A_577 : vector<16xf32> to vector<16xf32>
        %swap3A_579 = vector.shape_cast %add3A_571 : vector<16xf32> to vector<16xf32>
        tpu.vector_store %arg11[%swap3A_576], %swap3A_579 {strides = array<i32>} : memref<8192xf32, #tpu.memory_space<vmem>>, vector<16xf32>,
        %mul3A_580 = arith.constant 3 : i32
        %mul3A_581 = arith.muli %mul3A_580, %add3A_101 : i32
        %get3A_582 = arith.index_cast %mul3A_581 : i32 to index
        %get3A_583 = arith.constant 208 : index
        %get3A_584 = tpu.vector_load %arg8[%get3A_582, %get3A_583] {strides = array<i32>} : memref<96x256xf32, #tpu.memory_space<vmem>>, vector<1x16xf32>,
        %get3A_585 = vector.shape_cast %get3A_584 : vector<1x16xf32> to vector<16xf32>
        %mul3A_586 = arith.constant 3 : i32
        %mul3A_587 = arith.muli %mul3A_586, %add3A_101 : i32
        %add3A_588 = arith.constant 1 : i32
        %add3A_589 = arith.addi %mul3A_587, %add3A_588 : i32
        %get3A_590 = arith.index_cast %add3A_589 : i32 to index
        %get3A_591 = arith.constant 208 : index
        %get3A_592 = tpu.vector_load %arg8[%get3A_590, %get3A_591] {strides = array<i32>} : memref<96x256xf32, #tpu.memory_space<vmem>>, vector<1x16xf32>,
        %get3A_593 = vector.shape_cast %get3A_592 : vector<1x16xf32> to vector<16xf32>
        %mul3A_594 = arith.constant 3 : i32
        %mul3A_595 = arith.muli %mul3A_594, %add3A_101 : i32
        %add3A_596 = arith.constant 2 : i32
        %add3A_597 = arith.addi %mul3A_595, %add3A_596 : i32
        %get3A_598 = arith.index_cast %add3A_597 : i32 to index
        %get3A_599 = arith.constant 208 : index
        %get3A_600 = tpu.vector_load %arg8[%get3A_598, %get3A_599] {strides = array<i32>} : memref<96x256xf32, #tpu.memory_space<vmem>>, vector<1x16xf32>,
        %get3A_601 = vector.shape_cast %get3A_600 : vector<1x16xf32> to vector<16xf32>
        %mul3A_602 = arith.mulf %get3A_585, %get3A_107 : vector<16xf32>
        %mul3A_603 = arith.mulf %get3A_593, %get3A_116 : vector<16xf32>
        %add3A_604 = arith.addf %mul3A_602, %mul3A_603 : vector<16xf32>
        %mul3A_605 = arith.mulf %get3A_601, %get3A_125 : vector<16xf32>
        %add3A_606 = arith.addf %add3A_604, %mul3A_605 : vector<16xf32>
        %mul3A_607 = arith.constant 256 : i32
        %mul3A_608 = arith.muli %add3A_101, %mul3A_607 : i32
        %add3A_609 = arith.constant 208 : i32
        %add3A_610 = arith.addi %mul3A_608, %add3A_609 : i32
        %swap3A_611 = arith.index_cast %add3A_610 : i32 to index
        %swap3A_612 = tpu.vector_load %arg11[%swap3A_611] {strides = array<i32>} : memref<8192xf32, #tpu.memory_space<vmem>>, vector<16xf32>,
        %swap3A_613 = vector.shape_cast %swap3A_612 : vector<16xf32> to vector<16xf32>
        %swap3A_614 = vector.shape_cast %add3A_606 : vector<16xf32> to vector<16xf32>
        tpu.vector_store %arg11[%swap3A_611], %swap3A_614 {strides = array<i32>} : memref<8192xf32, #tpu.memory_space<vmem>>, vector<16xf32>,
        %mul3A_615 = arith.constant 3 : i32
        %mul3A_616 = arith.muli %mul3A_615, %add3A_101 : i32
        %get3A_617 = arith.index_cast %mul3A_616 : i32 to index
        %get3A_618 = arith.constant 224 : index
        %get3A_619 = tpu.vector_load %arg8[%get3A_617, %get3A_618] {strides = array<i32>} : memref<96x256xf32, #tpu.memory_space<vmem>>, vector<1x16xf32>,
        %get3A_620 = vector.shape_cast %get3A_619 : vector<1x16xf32> to vector<16xf32>
        %mul3A_621 = arith.constant 3 : i32
        %mul3A_622 = arith.muli %mul3A_621, %add3A_101 : i32
        %add3A_623 = arith.constant 1 : i32
        %add3A_624 = arith.addi %mul3A_622, %add3A_623 : i32
        %get3A_625 = arith.index_cast %add3A_624 : i32 to index
        %get3A_626 = arith.constant 224 : index
        %get3A_627 = tpu.vector_load %arg8[%get3A_625, %get3A_626] {strides = array<i32>} : memref<96x256xf32, #tpu.memory_space<vmem>>, vector<1x16xf32>,
        %get3A_628 = vector.shape_cast %get3A_627 : vector<1x16xf32> to vector<16xf32>
        %mul3A_629 = arith.constant 3 : i32
        %mul3A_630 = arith.muli %mul3A_629, %add3A_101 : i32
        %add3A_631 = arith.constant 2 : i32
        %add3A_632 = arith.addi %mul3A_630, %add3A_631 : i32
        %get3A_633 = arith.index_cast %add3A_632 : i32 to index
        %get3A_634 = arith.constant 224 : index
        %get3A_635 = tpu.vector_load %arg8[%get3A_633, %get3A_634] {strides = array<i32>} : memref<96x256xf32, #tpu.memory_space<vmem>>, vector<1x16xf32>,
        %get3A_636 = vector.shape_cast %get3A_635 : vector<1x16xf32> to vector<16xf32>
        %mul3A_637 = arith.mulf %get3A_620, %get3A_107 : vector<16xf32>
        %mul3A_638 = arith.mulf %get3A_628, %get3A_116 : vector<16xf32>
        %add3A_639 = arith.addf %mul3A_637, %mul3A_638 : vector<16xf32>
        %mul3A_640 = arith.mulf %get3A_636, %get3A_125 : vector<16xf32>
        %add3A_641 = arith.addf %add3A_639, %mul3A_640 : vector<16xf32>
        %mul3A_642 = arith.constant 256 : i32
        %mul3A_643 = arith.muli %add3A_101, %mul3A_642 : i32
        %add3A_644 = arith.constant 224 : i32
        %add3A_645 = arith.addi %mul3A_643, %add3A_644 : i32
        %swap3A_646 = arith.index_cast %add3A_645 : i32 to index
        %swap3A_647 = tpu.vector_load %arg11[%swap3A_646] {strides = array<i32>} : memref<8192xf32, #tpu.memory_space<vmem>>, vector<16xf32>,
        %swap3A_648 = vector.shape_cast %swap3A_647 : vector<16xf32> to vector<16xf32>
        %swap3A_649 = vector.shape_cast %add3A_641 : vector<16xf32> to vector<16xf32>
        tpu.vector_store %arg11[%swap3A_646], %swap3A_649 {strides = array<i32>} : memref<8192xf32, #tpu.memory_space<vmem>>, vector<16xf32>,
        %mul3A_650 = arith.constant 3 : i32
        %mul3A_651 = arith.muli %mul3A_650, %add3A_101 : i32
        %get3A_652 = arith.index_cast %mul3A_651 : i32 to index
        %get3A_653 = arith.constant 240 : index
        %get3A_654 = tpu.vector_load %arg8[%get3A_652, %get3A_653] {strides = array<i32>} : memref<96x256xf32, #tpu.memory_space<vmem>>, vector<1x16xf32>,
        %get3A_655 = vector.shape_cast %get3A_654 : vector<1x16xf32> to vector<16xf32>
        %mul3A_656 = arith.constant 3 : i32
        %mul3A_657 = arith.muli %mul3A_656, %add3A_101 : i32
        %add3A_658 = arith.constant 1 : i32
        %add3A_659 = arith.addi %mul3A_657, %add3A_658 : i32
        %get3A_660 = arith.index_cast %add3A_659 : i32 to index
        %get3A_661 = arith.constant 240 : index
        %get3A_662 = tpu.vector_load %arg8[%get3A_660, %get3A_661] {strides = array<i32>} : memref<96x256xf32, #tpu.memory_space<vmem>>, vector<1x16xf32>,
        %get3A_663 = vector.shape_cast %get3A_662 : vector<1x16xf32> to vector<16xf32>
        %mul3A_664 = arith.constant 3 : i32
        %mul3A_665 = arith.muli %mul3A_664, %add3A_101 : i32
        %add3A_666 = arith.constant 2 : i32
        %add3A_667 = arith.addi %mul3A_665, %add3A_666 : i32
        %get3A_668 = arith.index_cast %add3A_667 : i32 to index
        %get3A_669 = arith.constant 240 : index
        %get3A_670 = tpu.vector_load %arg8[%get3A_668, %get3A_669] {strides = array<i32>} : memref<96x256xf32, #tpu.memory_space<vmem>>, vector<1x16xf32>,
        %get3A_671 = vector.shape_cast %get3A_670 : vector<1x16xf32> to vector<16xf32>
        %mul3A_672 = arith.mulf %get3A_655, %get3A_107 : vector<16xf32>
        %mul3A_673 = arith.mulf %get3A_663, %get3A_116 : vector<16xf32>
        %add3A_674 = arith.addf %mul3A_672, %mul3A_673 : vector<16xf32>
        %mul3A_675 = arith.mulf %get3A_671, %get3A_125 : vector<16xf32>
        %add3A_676 = arith.addf %add3A_674, %mul3A_675 : vector<16xf32>
        %mul3A_677 = arith.constant 256 : i32
        %mul3A_678 = arith.muli %add3A_101, %mul3A_677 : i32
        %add3A_679 = arith.constant 240 : i32
        %add3A_680 = arith.addi %mul3A_678, %add3A_679 : i32
        %swap3A_681 = arith.index_cast %add3A_680 : i32 to index
        %swap3A_682 = tpu.vector_load %arg11[%swap3A_681] {strides = array<i32>} : memref<8192xf32, #tpu.memory_space<vmem>>, vector<16xf32>,
        %swap3A_683 = vector.shape_cast %swap3A_682 : vector<16xf32> to vector<16xf32>
        %swap3A_684 = vector.shape_cast %add3A_676 : vector<16xf32> to vector<16xf32>
        tpu.vector_store %arg11[%swap3A_681], %swap3A_684 {strides = array<i32>} : memref<8192xf32, #tpu.memory_space<vmem>>, vector<16xf32>,
        %mul3A_685 = arith.constant 2 : i32
        %mul3A_686 = arith.muli %mul3A_685, %scan3A_96 : i32
        %add3A_687 = arith.constant 1 : i32
        %add3A_688 = arith.addi %mul3A_686, %add3A_687 : i32
        %mul3A_689 = arith.constant 3 : i32
        %mul3A_690 = arith.muli %mul3A_689, %add3A_688 : i32
        %mul3A_691 = arith.constant 16 : i32
        %mul3A_692 = arith.muli %mul3A_690, %mul3A_691 : i32
        %get3A_693 = arith.index_cast %mul3A_692 : i32 to index
        %get3A_694 = tpu.vector_load %arg10[%get3A_693] {strides = array<i32>} : memref<1536xf32, #tpu.memory_space<vmem>>, vector<16xf32>,
        %get3A_695 = vector.shape_cast %get3A_694 : vector<16xf32> to vector<16xf32>
        %mul3A_696 = arith.constant 3 : i32
        %mul3A_697 = arith.muli %mul3A_696, %add3A_688 : i32
        %add3A_698 = arith.constant 1 : i32
        %add3A_699 = arith.addi %mul3A_697, %add3A_698 : i32
        %mul3A_700 = arith.constant 16 : i32
        %mul3A_701 = arith.muli %add3A_699, %mul3A_700 : i32
        %get3A_702 = arith.index_cast %mul3A_701 : i32 to index
        %get3A_703 = tpu.vector_load %arg10[%get3A_702] {strides = array<i32>} : memref<1536xf32, #tpu.memory_space<vmem>>, vector<16xf32>,
        %get3A_704 = vector.shape_cast %get3A_703 : vector<16xf32> to vector<16xf32>
        %mul3A_705 = arith.constant 3 : i32
        %mul3A_706 = arith.muli %mul3A_705, %add3A_688 : i32
        %add3A_707 = arith.constant 2 : i32
        %add3A_708 = arith.addi %mul3A_706, %add3A_707 : i32
        %mul3A_709 = arith.constant 16 : i32
        %mul3A_710 = arith.muli %add3A_708, %mul3A_709 : i32
        %get3A_711 = arith.index_cast %mul3A_710 : i32 to index
        %get3A_712 = tpu.vector_load %arg10[%get3A_711] {strides = array<i32>} : memref<1536xf32, #tpu.memory_space<vmem>>, vector<16xf32>,
        %get3A_713 = vector.shape_cast %get3A_712 : vector<16xf32> to vector<16xf32>
        %mul3A_714 = arith.constant 3 : i32
        %mul3A_715 = arith.muli %mul3A_714, %add3A_688 : i32
        %get3A_716 = arith.index_cast %mul3A_715 : i32 to index
        %get3A_717 = arith.constant 0 : index
        %get3A_718 = tpu.vector_load %arg8[%get3A_716, %get3A_717] {strides = array<i32>} : memref<96x256xf32, #tpu.memory_space<vmem>>, vector<1x16xf32>,
        %get3A_719 = vector.shape_cast %get3A_718 : vector<1x16xf32> to vector<16xf32>
        %mul3A_720 = arith.constant 3 : i32
        %mul3A_721 = arith.muli %mul3A_720, %add3A_688 : i32
        %add3A_722 = arith.constant 1 : i32
        %add3A_723 = arith.addi %mul3A_721, %add3A_722 : i32
        %get3A_724 = arith.index_cast %add3A_723 : i32 to index
        %get3A_725 = arith.constant 0 : index
        %get3A_726 = tpu.vector_load %arg8[%get3A_724, %get3A_725] {strides = array<i32>} : memref<96x256xf32, #tpu.memory_space<vmem>>, vector<1x16xf32>,
        %get3A_727 = vector.shape_cast %get3A_726 : vector<1x16xf32> to vector<16xf32>
        %mul3A_728 = arith.constant 3 : i32
        %mul3A_729 = arith.muli %mul3A_728, %add3A_688 : i32
        %add3A_730 = arith.constant 2 : i32
        %add3A_731 = arith.addi %mul3A_729, %add3A_730 : i32
        %get3A_732 = arith.index_cast %add3A_731 : i32 to index
        %get3A_733 = arith.constant 0 : index
        %get3A_734 = tpu.vector_load %arg8[%get3A_732, %get3A_733] {strides = array<i32>} : memref<96x256xf32, #tpu.memory_space<vmem>>, vector<1x16xf32>,
        %get3A_735 = vector.shape_cast %get3A_734 : vector<1x16xf32> to vector<16xf32>
        %mul3A_736 = arith.mulf %get3A_719, %get3A_695 : vector<16xf32>
        %mul3A_737 = arith.mulf %get3A_727, %get3A_704 : vector<16xf32>
        %add3A_738 = arith.addf %mul3A_736, %mul3A_737 : vector<16xf32>
        %mul3A_739 = arith.mulf %get3A_735, %get3A_713 : vector<16xf32>
        %add3A_740 = arith.addf %add3A_738, %mul3A_739 : vector<16xf32>
        %mul3A_741 = arith.constant 256 : i32
        %mul3A_742 = arith.muli %add3A_688, %mul3A_741 : i32
        %add3A_743 = arith.constant 0 : i32
        %add3A_744 = arith.addi %mul3A_742, %add3A_743 : i32
        %swap3A_745 = arith.index_cast %add3A_744 : i32 to index
        %swap3A_746 = tpu.vector_load %arg11[%swap3A_745] {strides = array<i32>} : memref<8192xf32, #tpu.memory_space<vmem>>, vector<16xf32>,
        %swap3A_747 = vector.shape_cast %swap3A_746 : vector<16xf32> to vector<16xf32>
        %swap3A_748 = vector.shape_cast %add3A_740 : vector<16xf32> to vector<16xf32>
        tpu.vector_store %arg11[%swap3A_745], %swap3A_748 {strides = array<i32>} : memref<8192xf32, #tpu.memory_space<vmem>>, vector<16xf32>,
        %mul3A_749 = arith.constant 3 : i32
        %mul3A_750 = arith.muli %mul3A_749, %add3A_688 : i32
        %get3A_751 = arith.index_cast %mul3A_750 : i32 to index
        %get3A_752 = arith.constant 16 : index
        %get3A_753 = tpu.vector_load %arg8[%get3A_751, %get3A_752] {strides = array<i32>} : memref<96x256xf32, #tpu.memory_space<vmem>>, vector<1x16xf32>,
        %get3A_754 = vector.shape_cast %get3A_753 : vector<1x16xf32> to vector<16xf32>
        %mul3A_755 = arith.constant 3 : i32
        %mul3A_756 = arith.muli %mul3A_755, %add3A_688 : i32
        %add3A_757 = arith.constant 1 : i32
        %add3A_758 = arith.addi %mul3A_756, %add3A_757 : i32
        %get3A_759 = arith.index_cast %add3A_758 : i32 to index
        %get3A_760 = arith.constant 16 : index
        %get3A_761 = tpu.vector_load %arg8[%get3A_759, %get3A_760] {strides = array<i32>} : memref<96x256xf32, #tpu.memory_space<vmem>>, vector<1x16xf32>,
        %get3A_762 = vector.shape_cast %get3A_761 : vector<1x16xf32> to vector<16xf32>
        %mul3A_763 = arith.constant 3 : i32
        %mul3A_764 = arith.muli %mul3A_763, %add3A_688 : i32
        %add3A_765 = arith.constant 2 : i32
        %add3A_766 = arith.addi %mul3A_764, %add3A_765 : i32
        %get3A_767 = arith.index_cast %add3A_766 : i32 to index
        %get3A_768 = arith.constant 16 : index
        %get3A_769 = tpu.vector_load %arg8[%get3A_767, %get3A_768] {strides = array<i32>} : memref<96x256xf32, #tpu.memory_space<vmem>>, vector<1x16xf32>,
        %get3A_770 = vector.shape_cast %get3A_769 : vector<1x16xf32> to vector<16xf32>
        %mul3A_771 = arith.mulf %get3A_754, %get3A_695 : vector<16xf32>
        %mul3A_772 = arith.mulf %get3A_762, %get3A_704 : vector<16xf32>
        %add3A_773 = arith.addf %mul3A_771, %mul3A_772 : vector<16xf32>
        %mul3A_774 = arith.mulf %get3A_770, %get3A_713 : vector<16xf32>
        %add3A_775 = arith.addf %add3A_773, %mul3A_774 : vector<16xf32>
        %mul3A_776 = arith.constant 256 : i32
        %mul3A_777 = arith.muli %add3A_688, %mul3A_776 : i32
        %add3A_778 = arith.constant 16 : i32
        %add3A_779 = arith.addi %mul3A_777, %add3A_778 : i32
        %swap3A_780 = arith.index_cast %add3A_779 : i32 to index
        %swap3A_781 = tpu.vector_load %arg11[%swap3A_780] {strides = array<i32>} : memref<8192xf32, #tpu.memory_space<vmem>>, vector<16xf32>,
        %swap3A_782 = vector.shape_cast %swap3A_781 : vector<16xf32> to vector<16xf32>
        %swap3A_783 = vector.shape_cast %add3A_775 : vector<16xf32> to vector<16xf32>
        tpu.vector_store %arg11[%swap3A_780], %swap3A_783 {strides = array<i32>} : memref<8192xf32, #tpu.memory_space<vmem>>, vector<16xf32>,
        %mul3A_784 = arith.constant 3 : i32
        %mul3A_785 = arith.muli %mul3A_784, %add3A_688 : i32
        %get3A_786 = arith.index_cast %mul3A_785 : i32 to index
        %get3A_787 = arith.constant 32 : index
        %get3A_788 = tpu.vector_load %arg8[%get3A_786, %get3A_787] {strides = array<i32>} : memref<96x256xf32, #tpu.memory_space<vmem>>, vector<1x16xf32>,
        %get3A_789 = vector.shape_cast %get3A_788 : vector<1x16xf32> to vector<16xf32>
        %mul3A_790 = arith.constant 3 : i32
        %mul3A_791 = arith.muli %mul3A_790, %add3A_688 : i32
        %add3A_792 = arith.constant 1 : i32
        %add3A_793 = arith.addi %mul3A_791, %add3A_792 : i32
        %get3A_794 = arith.index_cast %add3A_793 : i32 to index
        %get3A_795 = arith.constant 32 : index
        %get3A_796 = tpu.vector_load %arg8[%get3A_794, %get3A_795] {strides = array<i32>} : memref<96x256xf32, #tpu.memory_space<vmem>>, vector<1x16xf32>,
        %get3A_797 = vector.shape_cast %get3A_796 : vector<1x16xf32> to vector<16xf32>
        %mul3A_798 = arith.constant 3 : i32
        %mul3A_799 = arith.muli %mul3A_798, %add3A_688 : i32
        %add3A_800 = arith.constant 2 : i32
        %add3A_801 = arith.addi %mul3A_799, %add3A_800 : i32
        %get3A_802 = arith.index_cast %add3A_801 : i32 to index
        %get3A_803 = arith.constant 32 : index
        %get3A_804 = tpu.vector_load %arg8[%get3A_802, %get3A_803] {strides = array<i32>} : memref<96x256xf32, #tpu.memory_space<vmem>>, vector<1x16xf32>,
        %get3A_805 = vector.shape_cast %get3A_804 : vector<1x16xf32> to vector<16xf32>
        %mul3A_806 = arith.mulf %get3A_789, %get3A_695 : vector<16xf32>
        %mul3A_807 = arith.mulf %get3A_797, %get3A_704 : vector<16xf32>
        %add3A_808 = arith.addf %mul3A_806, %mul3A_807 : vector<16xf32>
        %mul3A_809 = arith.mulf %get3A_805, %get3A_713 : vector<16xf32>
        %add3A_810 = arith.addf %add3A_808, %mul3A_809 : vector<16xf32>
        %mul3A_811 = arith.constant 256 : i32
        %mul3A_812 = arith.muli %add3A_688, %mul3A_811 : i32
        %add3A_813 = arith.constant 32 : i32
        %add3A_814 = arith.addi %mul3A_812, %add3A_813 : i32
        %swap3A_815 = arith.index_cast %add3A_814 : i32 to index
        %swap3A_816 = tpu.vector_load %arg11[%swap3A_815] {strides = array<i32>} : memref<8192xf32, #tpu.memory_space<vmem>>, vector<16xf32>,
        %swap3A_817 = vector.shape_cast %swap3A_816 : vector<16xf32> to vector<16xf32>
        %swap3A_818 = vector.shape_cast %add3A_810 : vector<16xf32> to vector<16xf32>
        tpu.vector_store %arg11[%swap3A_815], %swap3A_818 {strides = array<i32>} : memref<8192xf32, #tpu.memory_space<vmem>>, vector<16xf32>,
        %mul3A_819 = arith.constant 3 : i32
        %mul3A_820 = arith.muli %mul3A_819, %add3A_688 : i32
        %get3A_821 = arith.index_cast %mul3A_820 : i32 to index
        %get3A_822 = arith.constant 48 : index
        %get3A_823 = tpu.vector_load %arg8[%get3A_821, %get3A_822] {strides = array<i32>} : memref<96x256xf32, #tpu.memory_space<vmem>>, vector<1x16xf32>,
        %get3A_824 = vector.shape_cast %get3A_823 : vector<1x16xf32> to vector<16xf32>
        %mul3A_825 = arith.constant 3 : i32
        %mul3A_826 = arith.muli %mul3A_825, %add3A_688 : i32
        %add3A_827 = arith.constant 1 : i32
        %add3A_828 = arith.addi %mul3A_826, %add3A_827 : i32
        %get3A_829 = arith.index_cast %add3A_828 : i32 to index
        %get3A_830 = arith.constant 48 : index
        %get3A_831 = tpu.vector_load %arg8[%get3A_829, %get3A_830] {strides = array<i32>} : memref<96x256xf32, #tpu.memory_space<vmem>>, vector<1x16xf32>,
        %get3A_832 = vector.shape_cast %get3A_831 : vector<1x16xf32> to vector<16xf32>
        %mul3A_833 = arith.constant 3 : i32
        %mul3A_834 = arith.muli %mul3A_833, %add3A_688 : i32
        %add3A_835 = arith.constant 2 : i32
        %add3A_836 = arith.addi %mul3A_834, %add3A_835 : i32
        %get3A_837 = arith.index_cast %add3A_836 : i32 to index
        %get3A_838 = arith.constant 48 : index
        %get3A_839 = tpu.vector_load %arg8[%get3A_837, %get3A_838] {strides = array<i32>} : memref<96x256xf32, #tpu.memory_space<vmem>>, vector<1x16xf32>,
        %get3A_840 = vector.shape_cast %get3A_839 : vector<1x16xf32> to vector<16xf32>
        %mul3A_841 = arith.mulf %get3A_824, %get3A_695 : vector<16xf32>
        %mul3A_842 = arith.mulf %get3A_832, %get3A_704 : vector<16xf32>
        %add3A_843 = arith.addf %mul3A_841, %mul3A_842 : vector<16xf32>
        %mul3A_844 = arith.mulf %get3A_840, %get3A_713 : vector<16xf32>
        %add3A_845 = arith.addf %add3A_843, %mul3A_844 : vector<16xf32>
        %mul3A_846 = arith.constant 256 : i32
        %mul3A_847 = arith.muli %add3A_688, %mul3A_846 : i32
        %add3A_848 = arith.constant 48 : i32
        %add3A_849 = arith.addi %mul3A_847, %add3A_848 : i32
        %swap3A_850 = arith.index_cast %add3A_849 : i32 to index
        %swap3A_851 = tpu.vector_load %arg11[%swap3A_850] {strides = array<i32>} : memref<8192xf32, #tpu.memory_space<vmem>>, vector<16xf32>,
        %swap3A_852 = vector.shape_cast %swap3A_851 : vector<16xf32> to vector<16xf32>
        %swap3A_853 = vector.shape_cast %add3A_845 : vector<16xf32> to vector<16xf32>
        tpu.vector_store %arg11[%swap3A_850], %swap3A_853 {strides = array<i32>} : memref<8192xf32, #tpu.memory_space<vmem>>, vector<16xf32>,
        %mul3A_854 = arith.constant 3 : i32
        %mul3A_855 = arith.muli %mul3A_854, %add3A_688 : i32
        %get3A_856 = arith.index_cast %mul3A_855 : i32 to index
        %get3A_857 = arith.constant 64 : index
        %get3A_858 = tpu.vector_load %arg8[%get3A_856, %get3A_857] {strides = array<i32>} : memref<96x256xf32, #tpu.memory_space<vmem>>, vector<1x16xf32>,
        %get3A_859 = vector.shape_cast %get3A_858 : vector<1x16xf32> to vector<16xf32>
        %mul3A_860 = arith.constant 3 : i32
        %mul3A_861 = arith.muli %mul3A_860, %add3A_688 : i32
        %add3A_862 = arith.constant 1 : i32
        %add3A_863 = arith.addi %mul3A_861, %add3A_862 : i32
        %get3A_864 = arith.index_cast %add3A_863 : i32 to index
        %get3A_865 = arith.constant 64 : index
        %get3A_866 = tpu.vector_load %arg8[%get3A_864, %get3A_865] {strides = array<i32>} : memref<96x256xf32, #tpu.memory_space<vmem>>, vector<1x16xf32>,
        %get3A_867 = vector.shape_cast %get3A_866 : vector<1x16xf32> to vector<16xf32>
        %mul3A_868 = arith.constant 3 : i32
        %mul3A_869 = arith.muli %mul3A_868, %add3A_688 : i32
        %add3A_870 = arith.constant 2 : i32
        %add3A_871 = arith.addi %mul3A_869, %add3A_870 : i32
        %get3A_872 = arith.index_cast %add3A_871 : i32 to index
        %get3A_873 = arith.constant 64 : index
        %get3A_874 = tpu.vector_load %arg8[%get3A_872, %get3A_873] {strides = array<i32>} : memref<96x256xf32, #tpu.memory_space<vmem>>, vector<1x16xf32>,
        %get3A_875 = vector.shape_cast %get3A_874 : vector<1x16xf32> to vector<16xf32>
        %mul3A_876 = arith.mulf %get3A_859, %get3A_695 : vector<16xf32>
        %mul3A_877 = arith.mulf %get3A_867, %get3A_704 : vector<16xf32>
        %add3A_878 = arith.addf %mul3A_876, %mul3A_877 : vector<16xf32>
        %mul3A_879 = arith.mulf %get3A_875, %get3A_713 : vector<16xf32>
        %add3A_880 = arith.addf %add3A_878, %mul3A_879 : vector<16xf32>
        %mul3A_881 = arith.constant 256 : i32
        %mul3A_882 = arith.muli %add3A_688, %mul3A_881 : i32
        %add3A_883 = arith.constant 64 : i32
        %add3A_884 = arith.addi %mul3A_882, %add3A_883 : i32
        %swap3A_885 = arith.index_cast %add3A_884 : i32 to index
        %swap3A_886 = tpu.vector_load %arg11[%swap3A_885] {strides = array<i32>} : memref<8192xf32, #tpu.memory_space<vmem>>, vector<16xf32>,
        %swap3A_887 = vector.shape_cast %swap3A_886 : vector<16xf32> to vector<16xf32>
        %swap3A_888 = vector.shape_cast %add3A_880 : vector<16xf32> to vector<16xf32>
        tpu.vector_store %arg11[%swap3A_885], %swap3A_888 {strides = array<i32>} : memref<8192xf32, #tpu.memory_space<vmem>>, vector<16xf32>,
        %mul3A_889 = arith.constant 3 : i32
        %mul3A_890 = arith.muli %mul3A_889, %add3A_688 : i32
        %get3A_891 = arith.index_cast %mul3A_890 : i32 to index
        %get3A_892 = arith.constant 80 : index
        %get3A_893 = tpu.vector_load %arg8[%get3A_891, %get3A_892] {strides = array<i32>} : memref<96x256xf32, #tpu.memory_space<vmem>>, vector<1x16xf32>,
        %get3A_894 = vector.shape_cast %get3A_893 : vector<1x16xf32> to vector<16xf32>
        %mul3A_895 = arith.constant 3 : i32
        %mul3A_896 = arith.muli %mul3A_895, %add3A_688 : i32
        %add3A_897 = arith.constant 1 : i32
        %add3A_898 = arith.addi %mul3A_896, %add3A_897 : i32
        %get3A_899 = arith.index_cast %add3A_898 : i32 to index
        %get3A_900 = arith.constant 80 : index
        %get3A_901 = tpu.vector_load %arg8[%get3A_899, %get3A_900] {strides = array<i32>} : memref<96x256xf32, #tpu.memory_space<vmem>>, vector<1x16xf32>,
        %get3A_902 = vector.shape_cast %get3A_901 : vector<1x16xf32> to vector<16xf32>
        %mul3A_903 = arith.constant 3 : i32
        %mul3A_904 = arith.muli %mul3A_903, %add3A_688 : i32
        %add3A_905 = arith.constant 2 : i32
        %add3A_906 = arith.addi %mul3A_904, %add3A_905 : i32
        %get3A_907 = arith.index_cast %add3A_906 : i32 to index
        %get3A_908 = arith.constant 80 : index
        %get3A_909 = tpu.vector_load %arg8[%get3A_907, %get3A_908] {strides = array<i32>} : memref<96x256xf32, #tpu.memory_space<vmem>>, vector<1x16xf32>,
        %get3A_910 = vector.shape_cast %get3A_909 : vector<1x16xf32> to vector<16xf32>
        %mul3A_911 = arith.mulf %get3A_894, %get3A_695 : vector<16xf32>
        %mul3A_912 = arith.mulf %get3A_902, %get3A_704 : vector<16xf32>
        %add3A_913 = arith.addf %mul3A_911, %mul3A_912 : vector<16xf32>
        %mul3A_914 = arith.mulf %get3A_910, %get3A_713 : vector<16xf32>
        %add3A_915 = arith.addf %add3A_913, %mul3A_914 : vector<16xf32>
        %mul3A_916 = arith.constant 256 : i32
        %mul3A_917 = arith.muli %add3A_688, %mul3A_916 : i32
        %add3A_918 = arith.constant 80 : i32
        %add3A_919 = arith.addi %mul3A_917, %add3A_918 : i32
        %swap3A_920 = arith.index_cast %add3A_919 : i32 to index
        %swap3A_921 = tpu.vector_load %arg11[%swap3A_920] {strides = array<i32>} : memref<8192xf32, #tpu.memory_space<vmem>>, vector<16xf32>,
        %swap3A_922 = vector.shape_cast %swap3A_921 : vector<16xf32> to vector<16xf32>
        %swap3A_923 = vector.shape_cast %add3A_915 : vector<16xf32> to vector<16xf32>
        tpu.vector_store %arg11[%swap3A_920], %swap3A_923 {strides = array<i32>} : memref<8192xf32, #tpu.memory_space<vmem>>, vector<16xf32>,
        %mul3A_924 = arith.constant 3 : i32
        %mul3A_925 = arith.muli %mul3A_924, %add3A_688 : i32
        %get3A_926 = arith.index_cast %mul3A_925 : i32 to index
        %get3A_927 = arith.constant 96 : index
        %get3A_928 = tpu.vector_load %arg8[%get3A_926, %get3A_927] {strides = array<i32>} : memref<96x256xf32, #tpu.memory_space<vmem>>, vector<1x16xf32>,
        %get3A_929 = vector.shape_cast %get3A_928 : vector<1x16xf32> to vector<16xf32>
        %mul3A_930 = arith.constant 3 : i32
        %mul3A_931 = arith.muli %mul3A_930, %add3A_688 : i32
        %add3A_932 = arith.constant 1 : i32
        %add3A_933 = arith.addi %mul3A_931, %add3A_932 : i32
        %get3A_934 = arith.index_cast %add3A_933 : i32 to index
        %get3A_935 = arith.constant 96 : index
        %get3A_936 = tpu.vector_load %arg8[%get3A_934, %get3A_935] {strides = array<i32>} : memref<96x256xf32, #tpu.memory_space<vmem>>, vector<1x16xf32>,
        %get3A_937 = vector.shape_cast %get3A_936 : vector<1x16xf32> to vector<16xf32>
        %mul3A_938 = arith.constant 3 : i32
        %mul3A_939 = arith.muli %mul3A_938, %add3A_688 : i32
        %add3A_940 = arith.constant 2 : i32
        %add3A_941 = arith.addi %mul3A_939, %add3A_940 : i32
        %get3A_942 = arith.index_cast %add3A_941 : i32 to index
        %get3A_943 = arith.constant 96 : index
        %get3A_944 = tpu.vector_load %arg8[%get3A_942, %get3A_943] {strides = array<i32>} : memref<96x256xf32, #tpu.memory_space<vmem>>, vector<1x16xf32>,
        %get3A_945 = vector.shape_cast %get3A_944 : vector<1x16xf32> to vector<16xf32>
        %mul3A_946 = arith.mulf %get3A_929, %get3A_695 : vector<16xf32>
        %mul3A_947 = arith.mulf %get3A_937, %get3A_704 : vector<16xf32>
        %add3A_948 = arith.addf %mul3A_946, %mul3A_947 : vector<16xf32>
        %mul3A_949 = arith.mulf %get3A_945, %get3A_713 : vector<16xf32>
        %add3A_950 = arith.addf %add3A_948, %mul3A_949 : vector<16xf32>
        %mul3A_951 = arith.constant 256 : i32
        %mul3A_952 = arith.muli %add3A_688, %mul3A_951 : i32
        %add3A_953 = arith.constant 96 : i32
        %add3A_954 = arith.addi %mul3A_952, %add3A_953 : i32
        %swap3A_955 = arith.index_cast %add3A_954 : i32 to index
        %swap3A_956 = tpu.vector_load %arg11[%swap3A_955] {strides = array<i32>} : memref<8192xf32, #tpu.memory_space<vmem>>, vector<16xf32>,
        %swap3A_957 = vector.shape_cast %swap3A_956 : vector<16xf32> to vector<16xf32>
        %swap3A_958 = vector.shape_cast %add3A_950 : vector<16xf32> to vector<16xf32>
        tpu.vector_store %arg11[%swap3A_955], %swap3A_958 {strides = array<i32>} : memref<8192xf32, #tpu.memory_space<vmem>>, vector<16xf32>,
        %mul3A_959 = arith.constant 3 : i32
        %mul3A_960 = arith.muli %mul3A_959, %add3A_688 : i32
        %get3A_961 = arith.index_cast %mul3A_960 : i32 to index
        %get3A_962 = arith.constant 112 : index
        %get3A_963 = tpu.vector_load %arg8[%get3A_961, %get3A_962] {strides = array<i32>} : memref<96x256xf32, #tpu.memory_space<vmem>>, vector<1x16xf32>,
        %get3A_964 = vector.shape_cast %get3A_963 : vector<1x16xf32> to vector<16xf32>
        %mul3A_965 = arith.constant 3 : i32
        %mul3A_966 = arith.muli %mul3A_965, %add3A_688 : i32
        %add3A_967 = arith.constant 1 : i32
        %add3A_968 = arith.addi %mul3A_966, %add3A_967 : i32
        %get3A_969 = arith.index_cast %add3A_968 : i32 to index
        %get3A_970 = arith.constant 112 : index
        %get3A_971 = tpu.vector_load %arg8[%get3A_969, %get3A_970] {strides = array<i32>} : memref<96x256xf32, #tpu.memory_space<vmem>>, vector<1x16xf32>,
        %get3A_972 = vector.shape_cast %get3A_971 : vector<1x16xf32> to vector<16xf32>
        %mul3A_973 = arith.constant 3 : i32
        %mul3A_974 = arith.muli %mul3A_973, %add3A_688 : i32
        %add3A_975 = arith.constant 2 : i32
        %add3A_976 = arith.addi %mul3A_974, %add3A_975 : i32
        %get3A_977 = arith.index_cast %add3A_976 : i32 to index
        %get3A_978 = arith.constant 112 : index
        %get3A_979 = tpu.vector_load %arg8[%get3A_977, %get3A_978] {strides = array<i32>} : memref<96x256xf32, #tpu.memory_space<vmem>>, vector<1x16xf32>,
        %get3A_980 = vector.shape_cast %get3A_979 : vector<1x16xf32> to vector<16xf32>
        %mul3A_981 = arith.mulf %get3A_964, %get3A_695 : vector<16xf32>
        %mul3A_982 = arith.mulf %get3A_972, %get3A_704 : vector<16xf32>
        %add3A_983 = arith.addf %mul3A_981, %mul3A_982 : vector<16xf32>
        %mul3A_984 = arith.mulf %get3A_980, %get3A_713 : vector<16xf32>
        %add3A_985 = arith.addf %add3A_983, %mul3A_984 : vector<16xf32>
        %mul3A_986 = arith.constant 256 : i32
        %mul3A_987 = arith.muli %add3A_688, %mul3A_986 : i32
        %add3A_988 = arith.constant 112 : i32
        %add3A_989 = arith.addi %mul3A_987, %add3A_988 : i32
        %swap3A_990 = arith.index_cast %add3A_989 : i32 to index
        %swap3A_991 = tpu.vector_load %arg11[%swap3A_990] {strides = array<i32>} : memref<8192xf32, #tpu.memory_space<vmem>>, vector<16xf32>,
        %swap3A_992 = vector.shape_cast %swap3A_991 : vector<16xf32> to vector<16xf32>
        %swap3A_993 = vector.shape_cast %add3A_985 : vector<16xf32> to vector<16xf32>
        tpu.vector_store %arg11[%swap3A_990], %swap3A_993 {strides = array<i32>} : memref<8192xf32, #tpu.memory_space<vmem>>, vector<16xf32>,
        %mul3A_994 = arith.constant 3 : i32
        %mul3A_995 = arith.muli %mul3A_994, %add3A_688 : i32
        %get3A_996 = arith.index_cast %mul3A_995 : i32 to index
        %get3A_997 = arith.constant 128 : index
        %get3A_998 = tpu.vector_load %arg8[%get3A_996, %get3A_997] {strides = array<i32>} : memref<96x256xf32, #tpu.memory_space<vmem>>, vector<1x16xf32>,
        %get3A_999 = vector.shape_cast %get3A_998 : vector<1x16xf32> to vector<16xf32>
        %mul3A_1000 = arith.constant 3 : i32
        %mul3A_1001 = arith.muli %mul3A_1000, %add3A_688 : i32
        %add3A_1002 = arith.constant 1 : i32
        %add3A_1003 = arith.addi %mul3A_1001, %add3A_1002 : i32
        %get3A_1004 = arith.index_cast %add3A_1003 : i32 to index
        %get3A_1005 = arith.constant 128 : index
        %get3A_1006 = tpu.vector_load %arg8[%get3A_1004, %get3A_1005] {strides = array<i32>} : memref<96x256xf32, #tpu.memory_space<vmem>>, vector<1x16xf32>,
        %get3A_1007 = vector.shape_cast %get3A_1006 : vector<1x16xf32> to vector<16xf32>
        %mul3A_1008 = arith.constant 3 : i32
        %mul3A_1009 = arith.muli %mul3A_1008, %add3A_688 : i32
        %add3A_1010 = arith.constant 2 : i32
        %add3A_1011 = arith.addi %mul3A_1009, %add3A_1010 : i32
        %get3A_1012 = arith.index_cast %add3A_1011 : i32 to index
        %get3A_1013 = arith.constant 128 : index
        %get3A_1014 = tpu.vector_load %arg8[%get3A_1012, %get3A_1013] {strides = array<i32>} : memref<96x256xf32, #tpu.memory_space<vmem>>, vector<1x16xf32>,
        %get3A_1015 = vector.shape_cast %get3A_1014 : vector<1x16xf32> to vector<16xf32>
        %mul3A_1016 = arith.mulf %get3A_999, %get3A_695 : vector<16xf32>
        %mul3A_1017 = arith.mulf %get3A_1007, %get3A_704 : vector<16xf32>
        %add3A_1018 = arith.addf %mul3A_1016, %mul3A_1017 : vector<16xf32>
        %mul3A_1019 = arith.mulf %get3A_1015, %get3A_713 : vector<16xf32>
        %add3A_1020 = arith.addf %add3A_1018, %mul3A_1019 : vector<16xf32>
        %mul3A_1021 = arith.constant 256 : i32
        %mul3A_1022 = arith.muli %add3A_688, %mul3A_1021 : i32
        %add3A_1023 = arith.constant 128 : i32
        %add3A_1024 = arith.addi %mul3A_1022, %add3A_1023 : i32
        %swap3A_1025 = arith.index_cast %add3A_1024 : i32 to index
        %swap3A_1026 = tpu.vector_load %arg11[%swap3A_1025] {strides = array<i32>} : memref<8192xf32, #tpu.memory_space<vmem>>, vector<16xf32>,
        %swap3A_1027 = vector.shape_cast %swap3A_1026 : vector<16xf32> to vector<16xf32>
        %swap3A_1028 = vector.shape_cast %add3A_1020 : vector<16xf32> to vector<16xf32>
        tpu.vector_store %arg11[%swap3A_1025], %swap3A_1028 {strides = array<i32>} : memref<8192xf32, #tpu.memory_space<vmem>>, vector<16xf32>,
        %mul3A_1029 = arith.constant 3 : i32
        %mul3A_1030 = arith.muli %mul3A_1029, %add3A_688 : i32
        %get3A_1031 = arith.index_cast %mul3A_1030 : i32 to index
        %get3A_1032 = arith.constant 144 : index
        %get3A_1033 = tpu.vector_load %arg8[%get3A_1031, %get3A_1032] {strides = array<i32>} : memref<96x256xf32, #tpu.memory_space<vmem>>, vector<1x16xf32>,
        %get3A_1034 = vector.shape_cast %get3A_1033 : vector<1x16xf32> to vector<16xf32>
        %mul3A_1035 = arith.constant 3 : i32
        %mul3A_1036 = arith.muli %mul3A_1035, %add3A_688 : i32
        %add3A_1037 = arith.constant 1 : i32
        %add3A_1038 = arith.addi %mul3A_1036, %add3A_1037 : i32
        %get3A_1039 = arith.index_cast %add3A_1038 : i32 to index
        %get3A_1040 = arith.constant 144 : index
        %get3A_1041 = tpu.vector_load %arg8[%get3A_1039, %get3A_1040] {strides = array<i32>} : memref<96x256xf32, #tpu.memory_space<vmem>>, vector<1x16xf32>,
        %get3A_1042 = vector.shape_cast %get3A_1041 : vector<1x16xf32> to vector<16xf32>
        %mul3A_1043 = arith.constant 3 : i32
        %mul3A_1044 = arith.muli %mul3A_1043, %add3A_688 : i32
        %add3A_1045 = arith.constant 2 : i32
        %add3A_1046 = arith.addi %mul3A_1044, %add3A_1045 : i32
        %get3A_1047 = arith.index_cast %add3A_1046 : i32 to index
        %get3A_1048 = arith.constant 144 : index
        %get3A_1049 = tpu.vector_load %arg8[%get3A_1047, %get3A_1048] {strides = array<i32>} : memref<96x256xf32, #tpu.memory_space<vmem>>, vector<1x16xf32>,
        %get3A_1050 = vector.shape_cast %get3A_1049 : vector<1x16xf32> to vector<16xf32>
        %mul3A_1051 = arith.mulf %get3A_1034, %get3A_695 : vector<16xf32>
        %mul3A_1052 = arith.mulf %get3A_1042, %get3A_704 : vector<16xf32>
        %add3A_1053 = arith.addf %mul3A_1051, %mul3A_1052 : vector<16xf32>
        %mul3A_1054 = arith.mulf %get3A_1050, %get3A_713 : vector<16xf32>
        %add3A_1055 = arith.addf %add3A_1053, %mul3A_1054 : vector<16xf32>
        %mul3A_1056 = arith.constant 256 : i32
        %mul3A_1057 = arith.muli %add3A_688, %mul3A_1056 : i32
        %add3A_1058 = arith.constant 144 : i32
        %add3A_1059 = arith.addi %mul3A_1057, %add3A_1058 : i32
        %swap3A_1060 = arith.index_cast %add3A_1059 : i32 to index
        %swap3A_1061 = tpu.vector_load %arg11[%swap3A_1060] {strides = array<i32>} : memref<8192xf32, #tpu.memory_space<vmem>>, vector<16xf32>,
        %swap3A_1062 = vector.shape_cast %swap3A_1061 : vector<16xf32> to vector<16xf32>
        %swap3A_1063 = vector.shape_cast %add3A_1055 : vector<16xf32> to vector<16xf32>
        tpu.vector_store %arg11[%swap3A_1060], %swap3A_1063 {strides = array<i32>} : memref<8192xf32, #tpu.memory_space<vmem>>, vector<16xf32>,
        %mul3A_1064 = arith.constant 3 : i32
        %mul3A_1065 = arith.muli %mul3A_1064, %add3A_688 : i32
        %get3A_1066 = arith.index_cast %mul3A_1065 : i32 to index
        %get3A_1067 = arith.constant 160 : index
        %get3A_1068 = tpu.vector_load %arg8[%get3A_1066, %get3A_1067] {strides = array<i32>} : memref<96x256xf32, #tpu.memory_space<vmem>>, vector<1x16xf32>,
        %get3A_1069 = vector.shape_cast %get3A_1068 : vector<1x16xf32> to vector<16xf32>
        %mul3A_1070 = arith.constant 3 : i32
        %mul3A_1071 = arith.muli %mul3A_1070, %add3A_688 : i32
        %add3A_1072 = arith.constant 1 : i32
        %add3A_1073 = arith.addi %mul3A_1071, %add3A_1072 : i32
        %get3A_1074 = arith.index_cast %add3A_1073 : i32 to index
        %get3A_1075 = arith.constant 160 : index
        %get3A_1076 = tpu.vector_load %arg8[%get3A_1074, %get3A_1075] {strides = array<i32>} : memref<96x256xf32, #tpu.memory_space<vmem>>, vector<1x16xf32>,
        %get3A_1077 = vector.shape_cast %get3A_1076 : vector<1x16xf32> to vector<16xf32>
        %mul3A_1078 = arith.constant 3 : i32
        %mul3A_1079 = arith.muli %mul3A_1078, %add3A_688 : i32
        %add3A_1080 = arith.constant 2 : i32
        %add3A_1081 = arith.addi %mul3A_1079, %add3A_1080 : i32
        %get3A_1082 = arith.index_cast %add3A_1081 : i32 to index
        %get3A_1083 = arith.constant 160 : index
        %get3A_1084 = tpu.vector_load %arg8[%get3A_1082, %get3A_1083] {strides = array<i32>} : memref<96x256xf32, #tpu.memory_space<vmem>>, vector<1x16xf32>,
        %get3A_1085 = vector.shape_cast %get3A_1084 : vector<1x16xf32> to vector<16xf32>
        %mul3A_1086 = arith.mulf %get3A_1069, %get3A_695 : vector<16xf32>
        %mul3A_1087 = arith.mulf %get3A_1077, %get3A_704 : vector<16xf32>
        %add3A_1088 = arith.addf %mul3A_1086, %mul3A_1087 : vector<16xf32>
        %mul3A_1089 = arith.mulf %get3A_1085, %get3A_713 : vector<16xf32>
        %add3A_1090 = arith.addf %add3A_1088, %mul3A_1089 : vector<16xf32>
        %mul3A_1091 = arith.constant 256 : i32
        %mul3A_1092 = arith.muli %add3A_688, %mul3A_1091 : i32
        %add3A_1093 = arith.constant 160 : i32
        %add3A_1094 = arith.addi %mul3A_1092, %add3A_1093 : i32
        %swap3A_1095 = arith.index_cast %add3A_1094 : i32 to index
        %swap3A_1096 = tpu.vector_load %arg11[%swap3A_1095] {strides = array<i32>} : memref<8192xf32, #tpu.memory_space<vmem>>, vector<16xf32>,
        %swap3A_1097 = vector.shape_cast %swap3A_1096 : vector<16xf32> to vector<16xf32>
        %swap3A_1098 = vector.shape_cast %add3A_1090 : vector<16xf32> to vector<16xf32>
        tpu.vector_store %arg11[%swap3A_1095], %swap3A_1098 {strides = array<i32>} : memref<8192xf32, #tpu.memory_space<vmem>>, vector<16xf32>,
        %mul3A_1099 = arith.constant 3 : i32
        %mul3A_1100 = arith.muli %mul3A_1099, %add3A_688 : i32
        %get3A_1101 = arith.index_cast %mul3A_1100 : i32 to index
        %get3A_1102 = arith.constant 176 : index
        %get3A_1103 = tpu.vector_load %arg8[%get3A_1101, %get3A_1102] {strides = array<i32>} : memref<96x256xf32, #tpu.memory_space<vmem>>, vector<1x16xf32>,
        %get3A_1104 = vector.shape_cast %get3A_1103 : vector<1x16xf32> to vector<16xf32>
        %mul3A_1105 = arith.constant 3 : i32
        %mul3A_1106 = arith.muli %mul3A_1105, %add3A_688 : i32
        %add3A_1107 = arith.constant 1 : i32
        %add3A_1108 = arith.addi %mul3A_1106, %add3A_1107 : i32
        %get3A_1109 = arith.index_cast %add3A_1108 : i32 to index
        %get3A_1110 = arith.constant 176 : index
        %get3A_1111 = tpu.vector_load %arg8[%get3A_1109, %get3A_1110] {strides = array<i32>} : memref<96x256xf32, #tpu.memory_space<vmem>>, vector<1x16xf32>,
        %get3A_1112 = vector.shape_cast %get3A_1111 : vector<1x16xf32> to vector<16xf32>
        %mul3A_1113 = arith.constant 3 : i32
        %mul3A_1114 = arith.muli %mul3A_1113, %add3A_688 : i32
        %add3A_1115 = arith.constant 2 : i32
        %add3A_1116 = arith.addi %mul3A_1114, %add3A_1115 : i32
        %get3A_1117 = arith.index_cast %add3A_1116 : i32 to index
        %get3A_1118 = arith.constant 176 : index
        %get3A_1119 = tpu.vector_load %arg8[%get3A_1117, %get3A_1118] {strides = array<i32>} : memref<96x256xf32, #tpu.memory_space<vmem>>, vector<1x16xf32>,
        %get3A_1120 = vector.shape_cast %get3A_1119 : vector<1x16xf32> to vector<16xf32>
        %mul3A_1121 = arith.mulf %get3A_1104, %get3A_695 : vector<16xf32>
        %mul3A_1122 = arith.mulf %get3A_1112, %get3A_704 : vector<16xf32>
        %add3A_1123 = arith.addf %mul3A_1121, %mul3A_1122 : vector<16xf32>
        %mul3A_1124 = arith.mulf %get3A_1120, %get3A_713 : vector<16xf32>
        %add3A_1125 = arith.addf %add3A_1123, %mul3A_1124 : vector<16xf32>
        %mul3A_1126 = arith.constant 256 : i32
        %mul3A_1127 = arith.muli %add3A_688, %mul3A_1126 : i32
        %add3A_1128 = arith.constant 176 : i32
        %add3A_1129 = arith.addi %mul3A_1127, %add3A_1128 : i32
        %swap3A_1130 = arith.index_cast %add3A_1129 : i32 to index
        %swap3A_1131 = tpu.vector_load %arg11[%swap3A_1130] {strides = array<i32>} : memref<8192xf32, #tpu.memory_space<vmem>>, vector<16xf32>,
        %swap3A_1132 = vector.shape_cast %swap3A_1131 : vector<16xf32> to vector<16xf32>
        %swap3A_1133 = vector.shape_cast %add3A_1125 : vector<16xf32> to vector<16xf32>
        tpu.vector_store %arg11[%swap3A_1130], %swap3A_1133 {strides = array<i32>} : memref<8192xf32, #tpu.memory_space<vmem>>, vector<16xf32>,
        %mul3A_1134 = arith.constant 3 : i32
        %mul3A_1135 = arith.muli %mul3A_1134, %add3A_688 : i32
        %get3A_1136 = arith.index_cast %mul3A_1135 : i32 to index
        %get3A_1137 = arith.constant 192 : index
        %get3A_1138 = tpu.vector_load %arg8[%get3A_1136, %get3A_1137] {strides = array<i32>} : memref<96x256xf32, #tpu.memory_space<vmem>>, vector<1x16xf32>,
        %get3A_1139 = vector.shape_cast %get3A_1138 : vector<1x16xf32> to vector<16xf32>
        %mul3A_1140 = arith.constant 3 : i32
        %mul3A_1141 = arith.muli %mul3A_1140, %add3A_688 : i32
        %add3A_1142 = arith.constant 1 : i32
        %add3A_1143 = arith.addi %mul3A_1141, %add3A_1142 : i32
        %get3A_1144 = arith.index_cast %add3A_1143 : i32 to index
        %get3A_1145 = arith.constant 192 : index
        %get3A_1146 = tpu.vector_load %arg8[%get3A_1144, %get3A_1145] {strides = array<i32>} : memref<96x256xf32, #tpu.memory_space<vmem>>, vector<1x16xf32>,
        %get3A_1147 = vector.shape_cast %get3A_1146 : vector<1x16xf32> to vector<16xf32>
        %mul3A_1148 = arith.constant 3 : i32
        %mul3A_1149 = arith.muli %mul3A_1148, %add3A_688 : i32
        %add3A_1150 = arith.constant 2 : i32
        %add3A_1151 = arith.addi %mul3A_1149, %add3A_1150 : i32
        %get3A_1152 = arith.index_cast %add3A_1151 : i32 to index
        %get3A_1153 = arith.constant 192 : index
        %get3A_1154 = tpu.vector_load %arg8[%get3A_1152, %get3A_1153] {strides = array<i32>} : memref<96x256xf32, #tpu.memory_space<vmem>>, vector<1x16xf32>,
        %get3A_1155 = vector.shape_cast %get3A_1154 : vector<1x16xf32> to vector<16xf32>
        %mul3A_1156 = arith.mulf %get3A_1139, %get3A_695 : vector<16xf32>
        %mul3A_1157 = arith.mulf %get3A_1147, %get3A_704 : vector<16xf32>
        %add3A_1158 = arith.addf %mul3A_1156, %mul3A_1157 : vector<16xf32>
        %mul3A_1159 = arith.mulf %get3A_1155, %get3A_713 : vector<16xf32>
        %add3A_1160 = arith.addf %add3A_1158, %mul3A_1159 : vector<16xf32>
        %mul3A_1161 = arith.constant 256 : i32
        %mul3A_1162 = arith.muli %add3A_688, %mul3A_1161 : i32
        %add3A_1163 = arith.constant 192 : i32
        %add3A_1164 = arith.addi %mul3A_1162, %add3A_1163 : i32
        %swap3A_1165 = arith.index_cast %add3A_1164 : i32 to index
        %swap3A_1166 = tpu.vector_load %arg11[%swap3A_1165] {strides = array<i32>} : memref<8192xf32, #tpu.memory_space<vmem>>, vector<16xf32>,
        %swap3A_1167 = vector.shape_cast %swap3A_1166 : vector<16xf32> to vector<16xf32>
        %swap3A_1168 = vector.shape_cast %add3A_1160 : vector<16xf32> to vector<16xf32>
        tpu.vector_store %arg11[%swap3A_1165], %swap3A_1168 {strides = array<i32>} : memref<8192xf32, #tpu.memory_space<vmem>>, vector<16xf32>,
        %mul3A_1169 = arith.constant 3 : i32
        %mul3A_1170 = arith.muli %mul3A_1169, %add3A_688 : i32
        %get3A_1171 = arith.index_cast %mul3A_1170 : i32 to index
        %get3A_1172 = arith.constant 208 : index
        %get3A_1173 = tpu.vector_load %arg8[%get3A_1171, %get3A_1172] {strides = array<i32>} : memref<96x256xf32, #tpu.memory_space<vmem>>, vector<1x16xf32>,
        %get3A_1174 = vector.shape_cast %get3A_1173 : vector<1x16xf32> to vector<16xf32>
        %mul3A_1175 = arith.constant 3 : i32
        %mul3A_1176 = arith.muli %mul3A_1175, %add3A_688 : i32
        %add3A_1177 = arith.constant 1 : i32
        %add3A_1178 = arith.addi %mul3A_1176, %add3A_1177 : i32
        %get3A_1179 = arith.index_cast %add3A_1178 : i32 to index
        %get3A_1180 = arith.constant 208 : index
        %get3A_1181 = tpu.vector_load %arg8[%get3A_1179, %get3A_1180] {strides = array<i32>} : memref<96x256xf32, #tpu.memory_space<vmem>>, vector<1x16xf32>,
        %get3A_1182 = vector.shape_cast %get3A_1181 : vector<1x16xf32> to vector<16xf32>
        %mul3A_1183 = arith.constant 3 : i32
        %mul3A_1184 = arith.muli %mul3A_1183, %add3A_688 : i32
        %add3A_1185 = arith.constant 2 : i32
        %add3A_1186 = arith.addi %mul3A_1184, %add3A_1185 : i32
        %get3A_1187 = arith.index_cast %add3A_1186 : i32 to index
        %get3A_1188 = arith.constant 208 : index
        %get3A_1189 = tpu.vector_load %arg8[%get3A_1187, %get3A_1188] {strides = array<i32>} : memref<96x256xf32, #tpu.memory_space<vmem>>, vector<1x16xf32>,
        %get3A_1190 = vector.shape_cast %get3A_1189 : vector<1x16xf32> to vector<16xf32>
        %mul3A_1191 = arith.mulf %get3A_1174, %get3A_695 : vector<16xf32>
        %mul3A_1192 = arith.mulf %get3A_1182, %get3A_704 : vector<16xf32>
        %add3A_1193 = arith.addf %mul3A_1191, %mul3A_1192 : vector<16xf32>
        %mul3A_1194 = arith.mulf %get3A_1190, %get3A_713 : vector<16xf32>
        %add3A_1195 = arith.addf %add3A_1193, %mul3A_1194 : vector<16xf32>
        %mul3A_1196 = arith.constant 256 : i32
        %mul3A_1197 = arith.muli %add3A_688, %mul3A_1196 : i32
        %add3A_1198 = arith.constant 208 : i32
        %add3A_1199 = arith.addi %mul3A_1197, %add3A_1198 : i32
        %swap3A_1200 = arith.index_cast %add3A_1199 : i32 to index
        %swap3A_1201 = tpu.vector_load %arg11[%swap3A_1200] {strides = array<i32>} : memref<8192xf32, #tpu.memory_space<vmem>>, vector<16xf32>,
        %swap3A_1202 = vector.shape_cast %swap3A_1201 : vector<16xf32> to vector<16xf32>
        %swap3A_1203 = vector.shape_cast %add3A_1195 : vector<16xf32> to vector<16xf32>
        tpu.vector_store %arg11[%swap3A_1200], %swap3A_1203 {strides = array<i32>} : memref<8192xf32, #tpu.memory_space<vmem>>, vector<16xf32>,
        %mul3A_1204 = arith.constant 3 : i32
        %mul3A_1205 = arith.muli %mul3A_1204, %add3A_688 : i32
        %get3A_1206 = arith.index_cast %mul3A_1205 : i32 to index
        %get3A_1207 = arith.constant 224 : index
        %get3A_1208 = tpu.vector_load %arg8[%get3A_1206, %get3A_1207] {strides = array<i32>} : memref<96x256xf32, #tpu.memory_space<vmem>>, vector<1x16xf32>,
        %get3A_1209 = vector.shape_cast %get3A_1208 : vector<1x16xf32> to vector<16xf32>
        %mul3A_1210 = arith.constant 3 : i32
        %mul3A_1211 = arith.muli %mul3A_1210, %add3A_688 : i32
        %add3A_1212 = arith.constant 1 : i32
        %add3A_1213 = arith.addi %mul3A_1211, %add3A_1212 : i32
        %get3A_1214 = arith.index_cast %add3A_1213 : i32 to index
        %get3A_1215 = arith.constant 224 : index
        %get3A_1216 = tpu.vector_load %arg8[%get3A_1214, %get3A_1215] {strides = array<i32>} : memref<96x256xf32, #tpu.memory_space<vmem>>, vector<1x16xf32>,
        %get3A_1217 = vector.shape_cast %get3A_1216 : vector<1x16xf32> to vector<16xf32>
        %mul3A_1218 = arith.constant 3 : i32
        %mul3A_1219 = arith.muli %mul3A_1218, %add3A_688 : i32
        %add3A_1220 = arith.constant 2 : i32
        %add3A_1221 = arith.addi %mul3A_1219, %add3A_1220 : i32
        %get3A_1222 = arith.index_cast %add3A_1221 : i32 to index
        %get3A_1223 = arith.constant 224 : index
        %get3A_1224 = tpu.vector_load %arg8[%get3A_1222, %get3A_1223] {strides = array<i32>} : memref<96x256xf32, #tpu.memory_space<vmem>>, vector<1x16xf32>,
        %get3A_1225 = vector.shape_cast %get3A_1224 : vector<1x16xf32> to vector<16xf32>
        %mul3A_1226 = arith.mulf %get3A_1209, %get3A_695 : vector<16xf32>
        %mul3A_1227 = arith.mulf %get3A_1217, %get3A_704 : vector<16xf32>
        %add3A_1228 = arith.addf %mul3A_1226, %mul3A_1227 : vector<16xf32>
        %mul3A_1229 = arith.mulf %get3A_1225, %get3A_713 : vector<16xf32>
        %add3A_1230 = arith.addf %add3A_1228, %mul3A_1229 : vector<16xf32>
        %mul3A_1231 = arith.constant 256 : i32
        %mul3A_1232 = arith.muli %add3A_688, %mul3A_1231 : i32
        %add3A_1233 = arith.constant 224 : i32
        %add3A_1234 = arith.addi %mul3A_1232, %add3A_1233 : i32
        %swap3A_1235 = arith.index_cast %add3A_1234 : i32 to index
        %swap3A_1236 = tpu.vector_load %arg11[%swap3A_1235] {strides = array<i32>} : memref<8192xf32, #tpu.memory_space<vmem>>, vector<16xf32>,
        %swap3A_1237 = vector.shape_cast %swap3A_1236 : vector<16xf32> to vector<16xf32>
        %swap3A_1238 = vector.shape_cast %add3A_1230 : vector<16xf32> to vector<16xf32>
        tpu.vector_store %arg11[%swap3A_1235], %swap3A_1238 {strides = array<i32>} : memref<8192xf32, #tpu.memory_space<vmem>>, vector<16xf32>,
        %mul3A_1239 = arith.constant 3 : i32
        %mul3A_1240 = arith.muli %mul3A_1239, %add3A_688 : i32
        %get3A_1241 = arith.index_cast %mul3A_1240 : i32 to index
        %get3A_1242 = arith.constant 240 : index
        %get3A_1243 = tpu.vector_load %arg8[%get3A_1241, %get3A_1242] {strides = array<i32>} : memref<96x256xf32, #tpu.memory_space<vmem>>, vector<1x16xf32>,
        %get3A_1244 = vector.shape_cast %get3A_1243 : vector<1x16xf32> to vector<16xf32>
        %mul3A_1245 = arith.constant 3 : i32
        %mul3A_1246 = arith.muli %mul3A_1245, %add3A_688 : i32
        %add3A_1247 = arith.constant 1 : i32
        %add3A_1248 = arith.addi %mul3A_1246, %add3A_1247 : i32
        %get3A_1249 = arith.index_cast %add3A_1248 : i32 to index
        %get3A_1250 = arith.constant 240 : index
        %get3A_1251 = tpu.vector_load %arg8[%get3A_1249, %get3A_1250] {strides = array<i32>} : memref<96x256xf32, #tpu.memory_space<vmem>>, vector<1x16xf32>,
        %get3A_1252 = vector.shape_cast %get3A_1251 : vector<1x16xf32> to vector<16xf32>
        %mul3A_1253 = arith.constant 3 : i32
        %mul3A_1254 = arith.muli %mul3A_1253, %add3A_688 : i32
        %add3A_1255 = arith.constant 2 : i32
        %add3A_1256 = arith.addi %mul3A_1254, %add3A_1255 : i32
        %get3A_1257 = arith.index_cast %add3A_1256 : i32 to index
        %get3A_1258 = arith.constant 240 : index
        %get3A_1259 = tpu.vector_load %arg8[%get3A_1257, %get3A_1258] {strides = array<i32>} : memref<96x256xf32, #tpu.memory_space<vmem>>, vector<1x16xf32>,
        %get3A_1260 = vector.shape_cast %get3A_1259 : vector<1x16xf32> to vector<16xf32>
        %mul3A_1261 = arith.mulf %get3A_1244, %get3A_695 : vector<16xf32>
        %mul3A_1262 = arith.mulf %get3A_1252, %get3A_704 : vector<16xf32>
        %add3A_1263 = arith.addf %mul3A_1261, %mul3A_1262 : vector<16xf32>
        %mul3A_1264 = arith.mulf %get3A_1260, %get3A_713 : vector<16xf32>
        %add3A_1265 = arith.addf %add3A_1263, %mul3A_1264 : vector<16xf32>
        %mul3A_1266 = arith.constant 256 : i32
        %mul3A_1267 = arith.muli %add3A_688, %mul3A_1266 : i32
        %add3A_1268 = arith.constant 240 : i32
        %add3A_1269 = arith.addi %mul3A_1267, %add3A_1268 : i32
        %swap3A_1270 = arith.index_cast %add3A_1269 : i32 to index
        %swap3A_1271 = tpu.vector_load %arg11[%swap3A_1270] {strides = array<i32>} : memref<8192xf32, #tpu.memory_space<vmem>>, vector<16xf32>,
        %swap3A_1272 = vector.shape_cast %swap3A_1271 : vector<16xf32> to vector<16xf32>
        %swap3A_1273 = vector.shape_cast %add3A_1265 : vector<16xf32> to vector<16xf32>
        tpu.vector_store %arg11[%swap3A_1270], %swap3A_1273 {strides = array<i32>} : memref<8192xf32, #tpu.memory_space<vmem>>, vector<16xf32>,
        %scan3A_1274 = arith.constant 0 : i32
        scf.yield %scan3A_1274 : i32
      }
      %scan3A_87 = arith.constant 16 : i32
      %mul3A_88 = arith.constant 1024 : i32
      %mul3A_89 = arith.muli %add3A, %mul3A_88 : i32
      %mul3A_90 = arith.constant 32 : i32
      %mul3A_91 = arith.muli %add3A_24, %mul3A_90 : i32
      %add3A_92 = arith.addi %mul3A_89, %mul3A_91 : i32
      %mul3A_93 = arith.constant 256 : i32
      %mul3A_94 = arith.muli %add3A_92, %mul3A_93 : i32
      "tpu.region"() ({
        %run_scoped3A = tpu.sem_alloc : memref<!tpu.dma_semaphore, #tpu.memory_space<semaphore_mem>>
        %dma_start3A_96 = tpu.memref_slice %arg5[%mul3A_94] : memref<8388608xf32, #tpu.memory_space<hbm>> -> memref<8192xf32, #tpu.memory_space<hbm>>
        %dma_start3A_97 = tpu.memref_slice %arg5[%mul3A_94] : memref<8388608xf32, #tpu.memory_space<hbm>> -> memref<8192xf32, #tpu.memory_space<hbm>>
        tpu.enqueue_dma source(%arg11 : memref<8192xf32, #tpu.memory_space<vmem>>) target(%dma_start3A_97 : memref<8192xf32, #tpu.memory_space<hbm>>) target_semaphore(%run_scoped3A : memref<!tpu.dma_semaphore, #tpu.memory_space<semaphore_mem>>)
        %dma_wait3A_98 = tpu.memref_slice %arg5[%mul3A_94] : memref<8388608xf32, #tpu.memory_space<hbm>> -> memref<8192xf32, #tpu.memory_space<hbm>>
        %dma_wait3A_99 = tpu.memref_slice %arg5[%mul3A_94] : memref<8388608xf32, #tpu.memory_space<hbm>> -> memref<8192xf32, #tpu.memory_space<hbm>>
        tpu.wait_dma2 semaphore(%run_scoped3A : memref<!tpu.dma_semaphore, #tpu.memory_space<semaphore_mem>>) src(%arg11 : memref<8192xf32, #tpu.memory_space<vmem>>) dst(%dma_wait3A_99 : memref<8192xf32, #tpu.memory_space<hbm>>)
        tpu.yield
      }) : () -> ()
      %scan3A_95 = arith.constant 0 : i32
      scf.yield %scan3A_95 : i32
    }
    %scan3A_18 = arith.constant 16 : i32
    return
  }
}

module attributes {stable_mosaic.version = 14 : i64} {
  func.func @_k1_body(%arg0: i32, %arg1: i32, %arg2: memref<1x512x3xf32, #tpu.memory_space<vmem>>, %arg3: memref<1x3x1024xf32, #tpu.memory_space<vmem>>, %arg4: memref<1x512x3xi32, #tpu.memory_space<vmem>>, %arg5: memref<1x512x48xf32, #tpu.memory_space<vmem>>) attributes {dimension_semantics = [#tpu.dimension_semantics<arbitrary>, #tpu.dimension_semantics<arbitrary>], iteration_bounds = array<i64: 8, 8>, scalar_prefetch = 0 : i64, scratch_operands = 0 : i64, tpu.core_type = #tpu.core_type<tc>, window_params = [{transform_indices = @transform_0, window_bounds = array<i64: 1, 512, 3>}, {transform_indices = @transform_1, window_bounds = array<i64: 1, 3, 1024>}, {transform_indices = @transform_2, window_bounds = array<i64: 1, 512, 3>}, {transform_indices = @transform_3, window_bounds = array<i64: 1, 512, 48>}]} {
    %get3A = arith.constant 0 : index
    %get3A_0 = arith.constant 0 : index
    %get3A_1 = arith.constant 0 : index
    %get3A_2 = vector.load %arg2[%get3A, %get3A_0, %get3A_1] : memref<1x512x3xf32, #tpu.memory_space<vmem>>, vector<1x512x3xf32>
    %get3A_3 = vector.shape_cast %get3A_2 : vector<1x512x3xf32> to vector<512x3xf32>
    %get3A_4 = arith.constant 0 : index
    %get3A_5 = arith.constant 0 : index
    %get3A_6 = arith.constant 0 : index
    %get3A_7 = vector.load %arg3[%get3A_4, %get3A_5, %get3A_6] : memref<1x3x1024xf32, #tpu.memory_space<vmem>>, vector<1x3x1024xf32>
    %get3A_8 = vector.shape_cast %get3A_7 : vector<1x3x1024xf32> to vector<3x1024xf32>
    %dot_general3A = arith.constant dense<0.000000e+00> : vector<512x1024xf32>
    %dot_general3A_9 = tpu.matmul %get3A_3, %get3A_8, %dot_general3A {dimension_numbers = #tpu.dot_dimension_numbers<[1], [0], [0], [1], [0, 0, 1, 1], [], []>, transpose_lhs_hint = false} : vector<512x3xf32>, vector<3x1024xf32>, vector<512x1024xf32> -> vector<512x1024xf32>
    %slice3A = vector.extract_strided_slice %get3A_3 {offsets = [0, 0], sizes = [512, 1], strides = [1, 1]} : vector<512x3xf32> to vector<512x1xf32>
    %slice3A_10 = vector.extract_strided_slice %get3A_3 {offsets = [0, 0], sizes = [512, 1], strides = [1, 1]} : vector<512x3xf32> to vector<512x1xf32>
    %mul3A = arith.mulf %slice3A, %slice3A_10 : vector<512x1xf32>
    %slice3A_11 = vector.extract_strided_slice %get3A_3 {offsets = [0, 1], sizes = [512, 1], strides = [1, 1]} : vector<512x3xf32> to vector<512x1xf32>
    %slice3A_12 = vector.extract_strided_slice %get3A_3 {offsets = [0, 1], sizes = [512, 1], strides = [1, 1]} : vector<512x3xf32> to vector<512x1xf32>
    %mul3A_13 = arith.mulf %slice3A_11, %slice3A_12 : vector<512x1xf32>
    %add3A = arith.addf %mul3A, %mul3A_13 : vector<512x1xf32>
    %slice3A_14 = vector.extract_strided_slice %get3A_3 {offsets = [0, 2], sizes = [512, 1], strides = [1, 1]} : vector<512x3xf32> to vector<512x1xf32>
    %slice3A_15 = vector.extract_strided_slice %get3A_3 {offsets = [0, 2], sizes = [512, 1], strides = [1, 1]} : vector<512x3xf32> to vector<512x1xf32>
    %mul3A_16 = arith.mulf %slice3A_14, %slice3A_15 : vector<512x1xf32>
    %add3A_17 = arith.addf %add3A, %mul3A_16 : vector<512x1xf32>
    %slice3A_18 = vector.extract_strided_slice %get3A_8 {offsets = [0, 0], sizes = [1, 1024], strides = [1, 1]} : vector<3x1024xf32> to vector<1x1024xf32>
    %slice3A_19 = vector.extract_strided_slice %get3A_8 {offsets = [0, 0], sizes = [1, 1024], strides = [1, 1]} : vector<3x1024xf32> to vector<1x1024xf32>
    %mul3A_20 = arith.mulf %slice3A_18, %slice3A_19 : vector<1x1024xf32>
    %slice3A_21 = vector.extract_strided_slice %get3A_8 {offsets = [1, 0], sizes = [1, 1024], strides = [1, 1]} : vector<3x1024xf32> to vector<1x1024xf32>
    %slice3A_22 = vector.extract_strided_slice %get3A_8 {offsets = [1, 0], sizes = [1, 1024], strides = [1, 1]} : vector<3x1024xf32> to vector<1x1024xf32>
    %mul3A_23 = arith.mulf %slice3A_21, %slice3A_22 : vector<1x1024xf32>
    %add3A_24 = arith.addf %mul3A_20, %mul3A_23 : vector<1x1024xf32>
    %slice3A_25 = vector.extract_strided_slice %get3A_8 {offsets = [2, 0], sizes = [1, 1024], strides = [1, 1]} : vector<3x1024xf32> to vector<1x1024xf32>
    %slice3A_26 = vector.extract_strided_slice %get3A_8 {offsets = [2, 0], sizes = [1, 1024], strides = [1, 1]} : vector<3x1024xf32> to vector<1x1024xf32>
    %mul3A_27 = arith.mulf %slice3A_25, %slice3A_26 : vector<1x1024xf32>
    %add3A_28 = arith.addf %add3A_24, %mul3A_27 : vector<1x1024xf32>
    %mul3A_29 = arith.constant -2.000000e+00 : f32
    %mul3A_30 = vector.broadcast %mul3A_29 : f32 to vector<512x1024xf32>
    %mul3A_31 = arith.mulf %mul3A_30, %dot_general3A_9 : vector<512x1024xf32>
    %add3A_32 = vector.broadcast %add3A_17 : vector<512x1xf32> to vector<512x1024xf32>
    %add3A_33 = arith.addf %mul3A_31, %add3A_32 : vector<512x1024xf32>
    %add3A_34 = vector.broadcast %add3A_28 : vector<1x1024xf32> to vector<512x1024xf32>
    %add3A_35 = arith.addf %add3A_33, %add3A_34 : vector<512x1024xf32>
    %iota3A = tpu.iota {dimensions = array<i32: 1>} : vector<512x1024xi32>
    %convert_element_type3A = arith.sitofp %iota3A : vector<512x1024xi32> to vector<512x1024xf32>
    %reduce_min3A = arith.constant dense<0x7F800000> : vector<512xf32>
    %reduce_min3A_36 = vector.multi_reduction <minimumf>, %add3A_35, %reduce_min3A [1] : vector<512x1024xf32> to vector<512xf32>
    %broadcast_in_dim3A = vector.shape_cast %reduce_min3A_36 : vector<512xf32> to vector<512x1xf32>
    %eq3A = vector.broadcast %broadcast_in_dim3A : vector<512x1xf32> to vector<512x1024xf32>
    %eq3A_37 = arith.cmpf oeq, %add3A_35, %eq3A : vector<512x1024xf32>
    %jit3A = arith.constant 1.024000e+03 : f32
    %broadcast_in_dim3A_38 = vector.broadcast %jit3A : f32 to vector<512x1024xf32>
    %select_n3A = arith.select %eq3A_37, %convert_element_type3A, %broadcast_in_dim3A_38 : vector<512x1024xi1>, vector<512x1024xf32>
    %reduce_min3A_39 = arith.constant dense<0x7F800000> : vector<512xf32>
    %reduce_min3A_40 = vector.multi_reduction <minimumf>, %select_n3A, %reduce_min3A_39 [1] : vector<512x1024xf32> to vector<512xf32>
    %broadcast_in_dim3A_41 = vector.shape_cast %reduce_min3A_40 : vector<512xf32> to vector<512x1xf32>
    %eq3A_42 = vector.broadcast %broadcast_in_dim3A_41 : vector<512x1xf32> to vector<512x1024xf32>
    %eq3A_43 = arith.cmpf oeq, %convert_element_type3A, %eq3A_42 : vector<512x1024xf32>
    %jit3A_44 = arith.constant 0x7F800000 : f32
    %broadcast_in_dim3A_45 = vector.broadcast %jit3A_44 : f32 to vector<512x1024xf32>
    %select_n3A_46 = arith.select %eq3A_43, %broadcast_in_dim3A_45, %add3A_35 : vector<512x1024xi1>, vector<512x1024xf32>
    %add3A_47 = arith.constant 9.99999993E-9 : f32
    %add3A_48 = vector.broadcast %add3A_47 : f32 to vector<512x1xf32>
    %add3A_49 = arith.addf %broadcast_in_dim3A, %add3A_48 : vector<512x1xf32>
    %div3A = arith.constant 1.000000e+00 : f32
    %div3A_50 = vector.broadcast %div3A : f32 to vector<512x1xf32>
    %div3A_51 = arith.divf %div3A_50, %add3A_49 : vector<512x1xf32>
    %convert_element_type3A_52 = arith.fptosi %broadcast_in_dim3A_41 : vector<512x1xf32> to vector<512x1xi32>
    %mul3A_53 = arith.constant 1024 : i32
    %mul3A_54 = arith.muli %arg0, %mul3A_53 : i32
    %add3A_55 = vector.broadcast %mul3A_54 : i32 to vector<512x1xi32>
    %add3A_56 = arith.addi %convert_element_type3A_52, %add3A_55 : vector<512x1xi32>
    %reduce_min3A_57 = arith.constant dense<0x7F800000> : vector<512xf32>
    %reduce_min3A_58 = vector.multi_reduction <minimumf>, %select_n3A_46, %reduce_min3A_57 [1] : vector<512x1024xf32> to vector<512xf32>
    %broadcast_in_dim3A_59 = vector.shape_cast %reduce_min3A_58 : vector<512xf32> to vector<512x1xf32>
    %eq3A_60 = vector.broadcast %broadcast_in_dim3A_59 : vector<512x1xf32> to vector<512x1024xf32>
    %eq3A_61 = arith.cmpf oeq, %select_n3A_46, %eq3A_60 : vector<512x1024xf32>
    %jit3A_62 = arith.constant 1.024000e+03 : f32
    %broadcast_in_dim3A_63 = vector.broadcast %jit3A_62 : f32 to vector<512x1024xf32>
    %select_n3A_64 = arith.select %eq3A_61, %convert_element_type3A, %broadcast_in_dim3A_63 : vector<512x1024xi1>, vector<512x1024xf32>
    %reduce_min3A_65 = arith.constant dense<0x7F800000> : vector<512xf32>
    %reduce_min3A_66 = vector.multi_reduction <minimumf>, %select_n3A_64, %reduce_min3A_65 [1] : vector<512x1024xf32> to vector<512xf32>
    %broadcast_in_dim3A_67 = vector.shape_cast %reduce_min3A_66 : vector<512xf32> to vector<512x1xf32>
    %eq3A_68 = vector.broadcast %broadcast_in_dim3A_67 : vector<512x1xf32> to vector<512x1024xf32>
    %eq3A_69 = arith.cmpf oeq, %convert_element_type3A, %eq3A_68 : vector<512x1024xf32>
    %jit3A_70 = arith.constant 0x7F800000 : f32
    %broadcast_in_dim3A_71 = vector.broadcast %jit3A_70 : f32 to vector<512x1024xf32>
    %select_n3A_72 = arith.select %eq3A_69, %broadcast_in_dim3A_71, %select_n3A_46 : vector<512x1024xi1>, vector<512x1024xf32>
    %add3A_73 = arith.constant 9.99999993E-9 : f32
    %add3A_74 = vector.broadcast %add3A_73 : f32 to vector<512x1xf32>
    %add3A_75 = arith.addf %broadcast_in_dim3A_59, %add3A_74 : vector<512x1xf32>
    %div3A_76 = arith.constant 1.000000e+00 : f32
    %div3A_77 = vector.broadcast %div3A_76 : f32 to vector<512x1xf32>
    %div3A_78 = arith.divf %div3A_77, %add3A_75 : vector<512x1xf32>
    %convert_element_type3A_79 = arith.fptosi %broadcast_in_dim3A_67 : vector<512x1xf32> to vector<512x1xi32>
    %mul3A_80 = arith.constant 1024 : i32
    %mul3A_81 = arith.muli %arg0, %mul3A_80 : i32
    %add3A_82 = vector.broadcast %mul3A_81 : i32 to vector<512x1xi32>
    %add3A_83 = arith.addi %convert_element_type3A_79, %add3A_82 : vector<512x1xi32>
    %reduce_min3A_84 = arith.constant dense<0x7F800000> : vector<512xf32>
    %reduce_min3A_85 = vector.multi_reduction <minimumf>, %select_n3A_72, %reduce_min3A_84 [1] : vector<512x1024xf32> to vector<512xf32>
    %broadcast_in_dim3A_86 = vector.shape_cast %reduce_min3A_85 : vector<512xf32> to vector<512x1xf32>
    %eq3A_87 = vector.broadcast %broadcast_in_dim3A_86 : vector<512x1xf32> to vector<512x1024xf32>
    %eq3A_88 = arith.cmpf oeq, %select_n3A_72, %eq3A_87 : vector<512x1024xf32>
    %jit3A_89 = arith.constant 1.024000e+03 : f32
    %broadcast_in_dim3A_90 = vector.broadcast %jit3A_89 : f32 to vector<512x1024xf32>
    %select_n3A_91 = arith.select %eq3A_88, %convert_element_type3A, %broadcast_in_dim3A_90 : vector<512x1024xi1>, vector<512x1024xf32>
    %reduce_min3A_92 = arith.constant dense<0x7F800000> : vector<512xf32>
    %reduce_min3A_93 = vector.multi_reduction <minimumf>, %select_n3A_91, %reduce_min3A_92 [1] : vector<512x1024xf32> to vector<512xf32>
    %broadcast_in_dim3A_94 = vector.shape_cast %reduce_min3A_93 : vector<512xf32> to vector<512x1xf32>
    %add3A_95 = arith.constant 9.99999993E-9 : f32
    %add3A_96 = vector.broadcast %add3A_95 : f32 to vector<512x1xf32>
    %add3A_97 = arith.addf %broadcast_in_dim3A_86, %add3A_96 : vector<512x1xf32>
    %div3A_98 = arith.constant 1.000000e+00 : f32
    %div3A_99 = vector.broadcast %div3A_98 : f32 to vector<512x1xf32>
    %div3A_100 = arith.divf %div3A_99, %add3A_97 : vector<512x1xf32>
    %convert_element_type3A_101 = arith.fptosi %broadcast_in_dim3A_94 : vector<512x1xf32> to vector<512x1xi32>
    %mul3A_102 = arith.constant 1024 : i32
    %mul3A_103 = arith.muli %arg0, %mul3A_102 : i32
    %add3A_104 = vector.broadcast %mul3A_103 : i32 to vector<512x1xi32>
    %add3A_105 = arith.addi %convert_element_type3A_101, %add3A_104 : vector<512x1xi32>
    %add3A_106 = arith.addf %div3A_51, %div3A_78 : vector<512x1xf32>
    %add3A_107 = arith.addf %add3A_106, %div3A_100 : vector<512x1xf32>
    %concatenate3A = tpu.concatenate %add3A_56, %add3A_83, %add3A_105 in 1 : vector<512x1xi32>, vector<512x1xi32>, vector<512x1xi32> -> vector<512x3xi32>
    %swap3A = arith.constant 0 : index
    %swap3A_108 = arith.constant 0 : index
    %swap3A_109 = arith.constant 0 : index
    %swap3A_110 = vector.load %arg4[%swap3A, %swap3A_108, %swap3A_109] : memref<1x512x3xi32, #tpu.memory_space<vmem>>, vector<1x512x3xi32>
    %swap3A_111 = vector.shape_cast %swap3A_110 : vector<1x512x3xi32> to vector<512x3xi32>
    %swap3A_112 = vector.shape_cast %concatenate3A : vector<512x3xi32> to vector<1x512x3xi32>
    tpu.vector_store %arg4[%swap3A, %swap3A_108, %swap3A_109], %swap3A_112 {strides = array<i32>} : memref<1x512x3xi32, #tpu.memory_space<vmem>>, vector<1x512x3xi32>,
    %div3A_113 = arith.divf %div3A_51, %add3A_107 : vector<512x1xf32>
    %broadcast_in_dim3A_114 = vector.shape_cast %div3A_113 : vector<512x1xf32> to vector<512x1xf32>
    %broadcast_in_dim3A_115 = vector.broadcast %broadcast_in_dim3A_114 : vector<512x1xf32> to vector<512x16xf32>
    %div3A_116 = arith.divf %div3A_78, %add3A_107 : vector<512x1xf32>
    %broadcast_in_dim3A_117 = vector.shape_cast %div3A_116 : vector<512x1xf32> to vector<512x1xf32>
    %broadcast_in_dim3A_118 = vector.broadcast %broadcast_in_dim3A_117 : vector<512x1xf32> to vector<512x16xf32>
    %div3A_119 = arith.divf %div3A_100, %add3A_107 : vector<512x1xf32>
    %broadcast_in_dim3A_120 = vector.shape_cast %div3A_119 : vector<512x1xf32> to vector<512x1xf32>
    %broadcast_in_dim3A_121 = vector.broadcast %broadcast_in_dim3A_120 : vector<512x1xf32> to vector<512x16xf32>
    %concatenate3A_122 = tpu.concatenate %broadcast_in_dim3A_115, %broadcast_in_dim3A_118, %broadcast_in_dim3A_121 in 1 : vector<512x16xf32>, vector<512x16xf32>, vector<512x16xf32> -> vector<512x48xf32>
    %swap3A_123 = arith.constant 0 : index
    %swap3A_124 = arith.constant 0 : index
    %swap3A_125 = arith.constant 0 : index
    %swap3A_126 = vector.load %arg5[%swap3A_123, %swap3A_124, %swap3A_125] : memref<1x512x48xf32, #tpu.memory_space<vmem>>, vector<1x512x48xf32>
    %swap3A_127 = vector.shape_cast %swap3A_126 : vector<1x512x48xf32> to vector<512x48xf32>
    %swap3A_128 = vector.shape_cast %concatenate3A_122 : vector<512x48xf32> to vector<1x512x48xf32>
    tpu.vector_store %arg5[%swap3A_123, %swap3A_124, %swap3A_125], %swap3A_128 {strides = array<i32>} : memref<1x512x48xf32, #tpu.memory_space<vmem>>, vector<1x512x48xf32>,
    return
  }
  func.func @transform_0(%arg0: i32, %arg1: i32) -> (i32, i32, i32) {
    %c0_i32 = arith.constant 0 : i32
    %c0_i32_0 = arith.constant 0 : i32
    return %arg0, %arg1, %c0_i32 : i32, i32, i32
  }
  func.func @transform_1(%arg0: i32, %arg1: i32) -> (i32, i32, i32) {
    %c0_i32 = arith.constant 0 : i32
    %c0_i32_0 = arith.constant 0 : i32
    %c0_i32_1 = arith.constant 0 : i32
    return %arg0, %c0_i32, %c0_i32_0 : i32, i32, i32
  }
  func.func @transform_2(%arg0: i32, %arg1: i32) -> (i32, i32, i32) {
    %c0_i32 = arith.constant 0 : i32
    %c0_i32_0 = arith.constant 0 : i32
    return %arg0, %arg1, %c0_i32 : i32, i32, i32
  }
  func.func @transform_3(%arg0: i32, %arg1: i32) -> (i32, i32, i32) {
    %c0_i32 = arith.constant 0 : i32
    %c0_i32_0 = arith.constant 0 : i32
    return %arg0, %arg1, %c0_i32 : i32, i32, i32
  }
}

module attributes {stable_mosaic.version = 14 : i64} {
  func.func @_mlp_body(%arg0: i32, %arg1: i32, %arg2: i32, %arg3: memref<1x512x128xf32, #tpu.memory_space<vmem>>, %arg4: memref<1x512x256xf32, #tpu.memory_space<vmem>>, %arg5: memref<1x512x256xf32, #tpu.memory_space<vmem>>, %arg6: memref<1x512x128xf32, #tpu.memory_space<vmem>>, %arg7: memref<128x256xf32, #tpu.memory_space<vmem>>, %arg8: memref<256x256xf32, #tpu.memory_space<vmem>>, %arg9: memref<1x256xf32, #tpu.memory_space<vmem>>, %arg10: memref<1x256xf32, #tpu.memory_space<vmem>>, %arg11: memref<1x256xf32, #tpu.memory_space<vmem>>, %arg12: memref<256x128xf32, #tpu.memory_space<vmem>>, %arg13: memref<1x128xf32, #tpu.memory_space<vmem>>, %arg14: memref<1x128xf32, #tpu.memory_space<vmem>>, %arg15: memref<1x128xf32, #tpu.memory_space<vmem>>, %arg16: memref<1x512x128xf32, #tpu.memory_space<vmem>>, %arg17: memref<1x512x256xf32, #tpu.memory_space<vmem>>, %arg18: memref<1x512x128xf32, #tpu.memory_space<vmem>>, %arg19: memref<8x256xf32, #tpu.memory_space<vmem>>, %arg20: memref<8x128xf32, #tpu.memory_space<vmem>>) attributes {dimension_semantics = [#tpu.dimension_semantics<arbitrary>, #tpu.dimension_semantics<arbitrary>, #tpu.dimension_semantics<arbitrary>], iteration_bounds = array<i64: 3, 8, 8>, scalar_prefetch = 0 : i64, scratch_operands = 0 : i64, tpu.core_type = #tpu.core_type<tc>, window_params = [{transform_indices = @transform_0, window_bounds = array<i64: 1, 512, 128>}, {transform_indices = @transform_1, window_bounds = array<i64: 1, 512, 256>}, {transform_indices = @transform_2, window_bounds = array<i64: 1, 512, 256>}, {transform_indices = @transform_3, window_bounds = array<i64: 1, 512, 128>}, {pipeline_mode = #tpu.pipeline_mode<synchronous>, transform_indices = @transform_4, window_bounds = array<i64: 128, 256>}, {pipeline_mode = #tpu.pipeline_mode<synchronous>, transform_indices = @transform_5, window_bounds = array<i64: 256, 256>}, {pipeline_mode = #tpu.pipeline_mode<synchronous>, transform_indices = @transform_6, window_bounds = array<i64: 1, 256>}, {pipeline_mode = #tpu.pipeline_mode<synchronous>, transform_indices = @transform_7, window_bounds = array<i64: 1, 256>}, {pipeline_mode = #tpu.pipeline_mode<synchronous>, transform_indices = @transform_8, window_bounds = array<i64: 1, 256>}, {pipeline_mode = #tpu.pipeline_mode<synchronous>, transform_indices = @transform_9, window_bounds = array<i64: 256, 128>}, {pipeline_mode = #tpu.pipeline_mode<synchronous>, transform_indices = @transform_10, window_bounds = array<i64: 1, 128>}, {pipeline_mode = #tpu.pipeline_mode<synchronous>, transform_indices = @transform_11, window_bounds = array<i64: 1, 128>}, {pipeline_mode = #tpu.pipeline_mode<synchronous>, transform_indices = @transform_12, window_bounds = array<i64: 1, 128>}, {transform_indices = @transform_13, window_bounds = array<i64: 1, 512, 128>}, {transform_indices = @transform_14, window_bounds = array<i64: 1, 512, 256>}, {transform_indices = @transform_15, window_bounds = array<i64: 1, 512, 128>}, {pipeline_mode = #tpu.pipeline_mode<synchronous>, transform_indices = @transform_16, window_bounds = array<i64: 8, 256>}, {pipeline_mode = #tpu.pipeline_mode<synchronous>, transform_indices = @transform_17, window_bounds = array<i64: 8, 128>}]} {
    %eq3A = arith.constant 0 : i32
    %eq3A_0 = arith.cmpi eq, %arg0, %eq3A : i32
    %convert_element_type3A = arith.extui %eq3A_0 : i1 to i32
    %cond3A = arith.constant 0 : i32
    %cond3A_1 = arith.cmpi ne, %convert_element_type3A, %cond3A : i32
    scf.if %cond3A_1 {
      %get3A = arith.constant 0 : index
      %get3A_12 = arith.constant 0 : index
      %get3A_13 = arith.constant 0 : index
      %get3A_14 = vector.load %arg3[%get3A, %get3A_12, %get3A_13] : memref<1x512x128xf32, #tpu.memory_space<vmem>>, vector<1x512x128xf32>
      %get3A_15 = vector.shape_cast %get3A_14 : vector<1x512x128xf32> to vector<512x128xf32>
      %get3A_16 = arith.constant 0 : index
      %get3A_17 = arith.constant 0 : index
      %get3A_18 = vector.load %arg7[%get3A_16, %get3A_17] : memref<128x256xf32, #tpu.memory_space<vmem>>, vector<128x256xf32>
      %dot_general3A = arith.constant dense<0.000000e+00> : vector<512x256xf32>
      %dot_general3A_19 = tpu.matmul %get3A_15, %get3A_18, %dot_general3A {dimension_numbers = #tpu.dot_dimension_numbers<[1], [0], [0], [1], [0, 0, 1, 1], [], []>, transpose_lhs_hint = false} : vector<512x128xf32>, vector<128x256xf32>, vector<512x256xf32> -> vector<512x256xf32>
      %get3A_20 = arith.constant 0 : index
      %get3A_21 = arith.constant 0 : index
      %get3A_22 = arith.constant 0 : index
      %get3A_23 = vector.load %arg4[%get3A_20, %get3A_21, %get3A_22] : memref<1x512x256xf32, #tpu.memory_space<vmem>>, vector<1x512x256xf32>
      %get3A_24 = vector.shape_cast %get3A_23 : vector<1x512x256xf32> to vector<512x256xf32>
      %get3A_25 = arith.constant 0 : index
      %get3A_26 = arith.constant 0 : index
      %get3A_27 = vector.load %arg8[%get3A_25, %get3A_26] : memref<256x256xf32, #tpu.memory_space<vmem>>, vector<256x256xf32>
      %dot_general3A_28 = arith.constant dense<0.000000e+00> : vector<512x256xf32>
      %dot_general3A_29 = tpu.matmul %get3A_24, %get3A_27, %dot_general3A_28 {dimension_numbers = #tpu.dot_dimension_numbers<[1], [0], [0], [1], [0, 0, 1, 1], [], []>, transpose_lhs_hint = false} : vector<512x256xf32>, vector<256x256xf32>, vector<512x256xf32> -> vector<512x256xf32>
      %add3A = arith.addf %dot_general3A_19, %dot_general3A_29 : vector<512x256xf32>
      %get3A_30 = arith.constant 0 : index
      %get3A_31 = arith.constant 0 : index
      %get3A_32 = vector.load %arg9[%get3A_30, %get3A_31] : memref<1x256xf32, #tpu.memory_space<vmem>>, vector<1x256xf32>
      %add3A_33 = vector.broadcast %get3A_32 : vector<1x256xf32> to vector<512x256xf32>
      %add3A_34 = arith.addf %add3A, %add3A_33 : vector<512x256xf32>
      %swap3A = arith.constant 0 : index
      %swap3A_35 = arith.constant 0 : index
      %swap3A_36 = arith.constant 0 : index
      %swap3A_37 = vector.load %arg17[%swap3A, %swap3A_35, %swap3A_36] : memref<1x512x256xf32, #tpu.memory_space<vmem>>, vector<1x512x256xf32>
      %swap3A_38 = vector.shape_cast %swap3A_37 : vector<1x512x256xf32> to vector<512x256xf32>
      %swap3A_39 = vector.shape_cast %add3A_34 : vector<512x256xf32> to vector<1x512x256xf32>
      tpu.vector_store %arg17[%swap3A, %swap3A_35, %swap3A_36], %swap3A_39 {strides = array<i32>} : memref<1x512x256xf32, #tpu.memory_space<vmem>>, vector<1x512x256xf32>,
      %eq3A_40 = arith.constant 0 : i32
      %eq3A_41 = arith.cmpi eq, %arg1, %eq3A_40 : i32
      %eq3A_42 = arith.constant 0 : i32
      %eq3A_43 = arith.cmpi eq, %arg2, %eq3A_42 : i32
      %and3A = arith.andi %eq3A_41, %eq3A_43 : i1
      %convert_element_type3A_44 = arith.extui %and3A : i1 to i32
      %cond3A_45 = arith.constant 0 : i32
      %cond3A_46 = arith.cmpi ne, %convert_element_type3A_44, %cond3A_45 : i32
      scf.if %cond3A_46 {
        %broadcast_in_dim3A_65 = arith.constant 0.000000e+00 : f32
        %broadcast_in_dim3A_66 = vector.broadcast %broadcast_in_dim3A_65 : f32 to vector<8x256xf32>
        %swap3A_67 = arith.constant 0 : index
        %swap3A_68 = arith.constant 0 : index
        %swap3A_69 = vector.load %arg19[%swap3A_67, %swap3A_68] : memref<8x256xf32, #tpu.memory_space<vmem>>, vector<8x256xf32>
        tpu.vector_store %arg19[%swap3A_67, %swap3A_68], %broadcast_in_dim3A_66 {strides = array<i32>} : memref<8x256xf32, #tpu.memory_space<vmem>>, vector<8x256xf32>,
      } else {
      }
      %get3A_47 = arith.constant 0 : index
      %get3A_48 = arith.constant 0 : index
      %get3A_49 = vector.load %arg19[%get3A_47, %get3A_48] : memref<8x256xf32, #tpu.memory_space<vmem>>, vector<1x256xf32>
      %reduce_sum3A = arith.constant dense<0.000000e+00> : vector<256xf32>
      %reduce_sum3A_50 = vector.multi_reduction <add>, %add3A_34, %reduce_sum3A [0] : vector<512x256xf32> to vector<256xf32>
      %broadcast_in_dim3A = vector.shape_cast %reduce_sum3A_50 : vector<256xf32> to vector<1x256xf32>
      %add3A_51 = arith.addf %get3A_49, %broadcast_in_dim3A : vector<1x256xf32>
      %swap3A_52 = arith.constant 0 : index
      %swap3A_53 = arith.constant 0 : index
      %swap3A_54 = vector.load %arg19[%swap3A_52, %swap3A_53] : memref<8x256xf32, #tpu.memory_space<vmem>>, vector<1x256xf32>
      tpu.vector_store %arg19[%swap3A_52, %swap3A_53], %add3A_51 {strides = array<i32>} : memref<8x256xf32, #tpu.memory_space<vmem>>, vector<1x256xf32>,
      %get3A_55 = arith.constant 1 : index
      %get3A_56 = arith.constant 0 : index
      %get3A_57 = vector.load %arg19[%get3A_55, %get3A_56] : memref<8x256xf32, #tpu.memory_space<vmem>>, vector<1x256xf32>
      %mul3A = arith.mulf %add3A_34, %add3A_34 : vector<512x256xf32>
      %reduce_sum3A_58 = arith.constant dense<0.000000e+00> : vector<256xf32>
      %reduce_sum3A_59 = vector.multi_reduction <add>, %mul3A, %reduce_sum3A_58 [0] : vector<512x256xf32> to vector<256xf32>
      %broadcast_in_dim3A_60 = vector.shape_cast %reduce_sum3A_59 : vector<256xf32> to vector<1x256xf32>
      %add3A_61 = arith.addf %get3A_57, %broadcast_in_dim3A_60 : vector<1x256xf32>
      %swap3A_62 = arith.constant 1 : index
      %swap3A_63 = arith.constant 0 : index
      %swap3A_64 = vector.load %arg19[%swap3A_62, %swap3A_63] : memref<8x256xf32, #tpu.memory_space<vmem>>, vector<1x256xf32>
      tpu.vector_store %arg19[%swap3A_62, %swap3A_63], %add3A_61 {strides = array<i32>} : memref<8x256xf32, #tpu.memory_space<vmem>>, vector<1x256xf32>,
    } else {
    }
    %eq3A_2 = arith.constant 1 : i32
    %eq3A_3 = arith.cmpi eq, %arg0, %eq3A_2 : i32
    %convert_element_type3A_4 = arith.extui %eq3A_3 : i1 to i32
    %cond3A_5 = arith.constant 0 : i32
    %cond3A_6 = arith.cmpi ne, %convert_element_type3A_4, %cond3A_5 : i32
    scf.if %cond3A_6 {
      %get3A = arith.constant 0 : index
      %get3A_12 = arith.constant 0 : index
      %get3A_13 = vector.load %arg19[%get3A, %get3A_12] : memref<8x256xf32, #tpu.memory_space<vmem>>, vector<8x256xf32>
      %get3A_14 = arith.constant 0 : index
      %get3A_15 = arith.constant 0 : index
      %get3A_16 = vector.load %arg10[%get3A_14, %get3A_15] : memref<1x256xf32, #tpu.memory_space<vmem>>, vector<1x256xf32>
      %get3A_17 = arith.constant 0 : index
      %get3A_18 = arith.constant 0 : index
      %get3A_19 = vector.load %arg11[%get3A_17, %get3A_18] : memref<1x256xf32, #tpu.memory_space<vmem>>, vector<1x256xf32>
      %slice3A = vector.extract_strided_slice %get3A_13 {offsets = [0, 0], sizes = [1, 256], strides = [1, 1]} : vector<8x256xf32> to vector<1x256xf32>
      %div3A = arith.constant 3.276800e+04 : f32
      %div3A_20 = vector.broadcast %div3A : f32 to vector<1x256xf32>
      %div3A_21 = arith.divf %slice3A, %div3A_20 : vector<1x256xf32>
      %slice3A_22 = vector.extract_strided_slice %get3A_13 {offsets = [1, 0], sizes = [1, 256], strides = [1, 1]} : vector<8x256xf32> to vector<1x256xf32>
      %div3A_23 = arith.constant 3.276800e+04 : f32
      %div3A_24 = vector.broadcast %div3A_23 : f32 to vector<1x256xf32>
      %div3A_25 = arith.divf %slice3A_22, %div3A_24 : vector<1x256xf32>
      %mul3A = arith.mulf %div3A_21, %div3A_21 : vector<1x256xf32>
      %sub3A = arith.subf %div3A_25, %mul3A : vector<1x256xf32>
      %add3A = arith.constant 9.99999974E-6 : f32
      %add3A_26 = vector.broadcast %add3A : f32 to vector<1x256xf32>
      %add3A_27 = arith.addf %sub3A, %add3A_26 : vector<1x256xf32>
      %rsqrt3A = math.rsqrt %add3A_27 : vector<1x256xf32>
      %mul3A_28 = arith.mulf %rsqrt3A, %get3A_16 : vector<1x256xf32>
      %mul3A_29 = arith.mulf %div3A_21, %mul3A_28 : vector<1x256xf32>
      %sub3A_30 = arith.subf %get3A_19, %mul3A_29 : vector<1x256xf32>
      %get3A_31 = arith.constant 0 : index
      %get3A_32 = arith.constant 0 : index
      %get3A_33 = arith.constant 0 : index
      %get3A_34 = vector.load %arg5[%get3A_31, %get3A_32, %get3A_33] : memref<1x512x256xf32, #tpu.memory_space<vmem>>, vector<1x512x256xf32>
      %get3A_35 = vector.shape_cast %get3A_34 : vector<1x512x256xf32> to vector<512x256xf32>
      %mul3A_36 = vector.broadcast %mul3A_28 : vector<1x256xf32> to vector<512x256xf32>
      %mul3A_37 = arith.mulf %get3A_35, %mul3A_36 : vector<512x256xf32>
      %add3A_38 = vector.broadcast %sub3A_30 : vector<1x256xf32> to vector<512x256xf32>
      %add3A_39 = arith.addf %mul3A_37, %add3A_38 : vector<512x256xf32>
      %max3A = arith.constant 0.000000e+00 : f32
      %max3A_40 = vector.broadcast %max3A : f32 to vector<512x256xf32>
      %max3A_41 = arith.maximumf %add3A_39, %max3A_40 : vector<512x256xf32>
      %get3A_42 = arith.constant 0 : index
      %get3A_43 = arith.constant 0 : index
      %get3A_44 = vector.load %arg12[%get3A_42, %get3A_43] : memref<256x128xf32, #tpu.memory_space<vmem>>, vector<256x128xf32>
      %dot_general3A = arith.constant dense<0.000000e+00> : vector<512x128xf32>
      %dot_general3A_45 = tpu.matmul %max3A_41, %get3A_44, %dot_general3A {dimension_numbers = #tpu.dot_dimension_numbers<[1], [0], [0], [1], [0, 0, 1, 1], [], []>, transpose_lhs_hint = false} : vector<512x256xf32>, vector<256x128xf32>, vector<512x128xf32> -> vector<512x128xf32>
      %get3A_46 = arith.constant 0 : index
      %get3A_47 = arith.constant 0 : index
      %get3A_48 = vector.load %arg13[%get3A_46, %get3A_47] : memref<1x128xf32, #tpu.memory_space<vmem>>, vector<1x128xf32>
      %add3A_49 = vector.broadcast %get3A_48 : vector<1x128xf32> to vector<512x128xf32>
      %add3A_50 = arith.addf %dot_general3A_45, %add3A_49 : vector<512x128xf32>
      %swap3A = arith.constant 0 : index
      %swap3A_51 = arith.constant 0 : index
      %swap3A_52 = arith.constant 0 : index
      %swap3A_53 = vector.load %arg18[%swap3A, %swap3A_51, %swap3A_52] : memref<1x512x128xf32, #tpu.memory_space<vmem>>, vector<1x512x128xf32>
      %swap3A_54 = vector.shape_cast %swap3A_53 : vector<1x512x128xf32> to vector<512x128xf32>
      %swap3A_55 = vector.shape_cast %add3A_50 : vector<512x128xf32> to vector<1x512x128xf32>
      tpu.vector_store %arg18[%swap3A, %swap3A_51, %swap3A_52], %swap3A_55 {strides = array<i32>} : memref<1x512x128xf32, #tpu.memory_space<vmem>>, vector<1x512x128xf32>,
      %eq3A_56 = arith.constant 0 : i32
      %eq3A_57 = arith.cmpi eq, %arg1, %eq3A_56 : i32
      %eq3A_58 = arith.constant 0 : i32
      %eq3A_59 = arith.cmpi eq, %arg2, %eq3A_58 : i32
      %and3A = arith.andi %eq3A_57, %eq3A_59 : i1
      %convert_element_type3A_60 = arith.extui %and3A : i1 to i32
      %cond3A_61 = arith.constant 0 : i32
      %cond3A_62 = arith.cmpi ne, %convert_element_type3A_60, %cond3A_61 : i32
      scf.if %cond3A_62 {
        %broadcast_in_dim3A_82 = arith.constant 0.000000e+00 : f32
        %broadcast_in_dim3A_83 = vector.broadcast %broadcast_in_dim3A_82 : f32 to vector<8x128xf32>
        %swap3A_84 = arith.constant 0 : index
        %swap3A_85 = arith.constant 0 : index
        %swap3A_86 = vector.load %arg20[%swap3A_84, %swap3A_85] : memref<8x128xf32, #tpu.memory_space<vmem>>, vector<8x128xf32>
        tpu.vector_store %arg20[%swap3A_84, %swap3A_85], %broadcast_in_dim3A_83 {strides = array<i32>} : memref<8x128xf32, #tpu.memory_space<vmem>>, vector<8x128xf32>,
      } else {
      }
      %get3A_63 = arith.constant 0 : index
      %get3A_64 = arith.constant 0 : index
      %get3A_65 = vector.load %arg20[%get3A_63, %get3A_64] : memref<8x128xf32, #tpu.memory_space<vmem>>, vector<1x128xf32>
      %reduce_sum3A = arith.constant dense<0.000000e+00> : vector<128xf32>
      %reduce_sum3A_66 = vector.multi_reduction <add>, %add3A_50, %reduce_sum3A [0] : vector<512x128xf32> to vector<128xf32>
      %broadcast_in_dim3A = vector.shape_cast %reduce_sum3A_66 : vector<128xf32> to vector<1x128xf32>
      %add3A_67 = arith.addf %get3A_65, %broadcast_in_dim3A : vector<1x128xf32>
      %swap3A_68 = arith.constant 0 : index
      %swap3A_69 = arith.constant 0 : index
      %swap3A_70 = vector.load %arg20[%swap3A_68, %swap3A_69] : memref<8x128xf32, #tpu.memory_space<vmem>>, vector<1x128xf32>
      tpu.vector_store %arg20[%swap3A_68, %swap3A_69], %add3A_67 {strides = array<i32>} : memref<8x128xf32, #tpu.memory_space<vmem>>, vector<1x128xf32>,
      %get3A_71 = arith.constant 1 : index
      %get3A_72 = arith.constant 0 : index
      %get3A_73 = vector.load %arg20[%get3A_71, %get3A_72] : memref<8x128xf32, #tpu.memory_space<vmem>>, vector<1x128xf32>
      %mul3A_74 = arith.mulf %add3A_50, %add3A_50 : vector<512x128xf32>
      %reduce_sum3A_75 = arith.constant dense<0.000000e+00> : vector<128xf32>
      %reduce_sum3A_76 = vector.multi_reduction <add>, %mul3A_74, %reduce_sum3A_75 [0] : vector<512x128xf32> to vector<128xf32>
      %broadcast_in_dim3A_77 = vector.shape_cast %reduce_sum3A_76 : vector<128xf32> to vector<1x128xf32>
      %add3A_78 = arith.addf %get3A_73, %broadcast_in_dim3A_77 : vector<1x128xf32>
      %swap3A_79 = arith.constant 1 : index
      %swap3A_80 = arith.constant 0 : index
      %swap3A_81 = vector.load %arg20[%swap3A_79, %swap3A_80] : memref<8x128xf32, #tpu.memory_space<vmem>>, vector<1x128xf32>
      tpu.vector_store %arg20[%swap3A_79, %swap3A_80], %add3A_78 {strides = array<i32>} : memref<8x128xf32, #tpu.memory_space<vmem>>, vector<1x128xf32>,
    } else {
    }
    %eq3A_7 = arith.constant 2 : i32
    %eq3A_8 = arith.cmpi eq, %arg0, %eq3A_7 : i32
    %convert_element_type3A_9 = arith.extui %eq3A_8 : i1 to i32
    %cond3A_10 = arith.constant 0 : i32
    %cond3A_11 = arith.cmpi ne, %convert_element_type3A_9, %cond3A_10 : i32
    scf.if %cond3A_11 {
      %get3A = arith.constant 0 : index
      %get3A_12 = arith.constant 0 : index
      %get3A_13 = vector.load %arg20[%get3A, %get3A_12] : memref<8x128xf32, #tpu.memory_space<vmem>>, vector<8x128xf32>
      %get3A_14 = arith.constant 0 : index
      %get3A_15 = arith.constant 0 : index
      %get3A_16 = vector.load %arg14[%get3A_14, %get3A_15] : memref<1x128xf32, #tpu.memory_space<vmem>>, vector<1x128xf32>
      %get3A_17 = arith.constant 0 : index
      %get3A_18 = arith.constant 0 : index
      %get3A_19 = vector.load %arg15[%get3A_17, %get3A_18] : memref<1x128xf32, #tpu.memory_space<vmem>>, vector<1x128xf32>
      %slice3A = vector.extract_strided_slice %get3A_13 {offsets = [0, 0], sizes = [1, 128], strides = [1, 1]} : vector<8x128xf32> to vector<1x128xf32>
      %div3A = arith.constant 3.276800e+04 : f32
      %div3A_20 = vector.broadcast %div3A : f32 to vector<1x128xf32>
      %div3A_21 = arith.divf %slice3A, %div3A_20 : vector<1x128xf32>
      %slice3A_22 = vector.extract_strided_slice %get3A_13 {offsets = [1, 0], sizes = [1, 128], strides = [1, 1]} : vector<8x128xf32> to vector<1x128xf32>
      %div3A_23 = arith.constant 3.276800e+04 : f32
      %div3A_24 = vector.broadcast %div3A_23 : f32 to vector<1x128xf32>
      %div3A_25 = arith.divf %slice3A_22, %div3A_24 : vector<1x128xf32>
      %mul3A = arith.mulf %div3A_21, %div3A_21 : vector<1x128xf32>
      %sub3A = arith.subf %div3A_25, %mul3A : vector<1x128xf32>
      %add3A = arith.constant 9.99999974E-6 : f32
      %add3A_26 = vector.broadcast %add3A : f32 to vector<1x128xf32>
      %add3A_27 = arith.addf %sub3A, %add3A_26 : vector<1x128xf32>
      %rsqrt3A = math.rsqrt %add3A_27 : vector<1x128xf32>
      %mul3A_28 = arith.mulf %rsqrt3A, %get3A_16 : vector<1x128xf32>
      %mul3A_29 = arith.mulf %div3A_21, %mul3A_28 : vector<1x128xf32>
      %sub3A_30 = arith.subf %get3A_19, %mul3A_29 : vector<1x128xf32>
      %get3A_31 = arith.constant 0 : index
      %get3A_32 = arith.constant 0 : index
      %get3A_33 = arith.constant 0 : index
      %get3A_34 = vector.load %arg6[%get3A_31, %get3A_32, %get3A_33] : memref<1x512x128xf32, #tpu.memory_space<vmem>>, vector<1x512x128xf32>
      %get3A_35 = vector.shape_cast %get3A_34 : vector<1x512x128xf32> to vector<512x128xf32>
      %mul3A_36 = vector.broadcast %mul3A_28 : vector<1x128xf32> to vector<512x128xf32>
      %mul3A_37 = arith.mulf %get3A_35, %mul3A_36 : vector<512x128xf32>
      %add3A_38 = vector.broadcast %sub3A_30 : vector<1x128xf32> to vector<512x128xf32>
      %add3A_39 = arith.addf %mul3A_37, %add3A_38 : vector<512x128xf32>
      %max3A = arith.constant 0.000000e+00 : f32
      %max3A_40 = vector.broadcast %max3A : f32 to vector<512x128xf32>
      %max3A_41 = arith.maximumf %add3A_39, %max3A_40 : vector<512x128xf32>
      %swap3A = arith.constant 0 : index
      %swap3A_42 = arith.constant 0 : index
      %swap3A_43 = arith.constant 0 : index
      %swap3A_44 = vector.load %arg16[%swap3A, %swap3A_42, %swap3A_43] : memref<1x512x128xf32, #tpu.memory_space<vmem>>, vector<1x512x128xf32>
      %swap3A_45 = vector.shape_cast %swap3A_44 : vector<1x512x128xf32> to vector<512x128xf32>
      %swap3A_46 = vector.shape_cast %max3A_41 : vector<512x128xf32> to vector<1x512x128xf32>
      tpu.vector_store %arg16[%swap3A, %swap3A_42, %swap3A_43], %swap3A_46 {strides = array<i32>} : memref<1x512x128xf32, #tpu.memory_space<vmem>>, vector<1x512x128xf32>,
    } else {
    }
    return
  }
  func.func @transform_0(%arg0: i32, %arg1: i32, %arg2: i32) -> (i32, i32, i32) {
    %eq3A = arith.constant 0 : i32
    %eq3A_0 = arith.cmpi eq, %arg0, %eq3A : i32
    %jit3A = arith.constant 0 : i32
    %select_n3A = arith.select %eq3A_0, %arg1, %jit3A : i32
    %jit3A_1 = arith.constant 0 : i32
    %select_n3A_2 = arith.select %eq3A_0, %arg2, %jit3A_1 : i32
    %c0_i32 = arith.constant 0 : i32
    %c0_i32_3 = arith.constant 0 : i32
    return %select_n3A, %select_n3A_2, %c0_i32 : i32, i32, i32
  }
  func.func @transform_1(%arg0: i32, %arg1: i32, %arg2: i32) -> (i32, i32, i32) {
    %eq3A = arith.constant 0 : i32
    %eq3A_0 = arith.cmpi eq, %arg0, %eq3A : i32
    %jit3A = arith.constant 0 : i32
    %select_n3A = arith.select %eq3A_0, %arg1, %jit3A : i32
    %jit3A_1 = arith.constant 0 : i32
    %select_n3A_2 = arith.select %eq3A_0, %arg2, %jit3A_1 : i32
    %c0_i32 = arith.constant 0 : i32
    %c0_i32_3 = arith.constant 0 : i32
    return %select_n3A, %select_n3A_2, %c0_i32 : i32, i32, i32
  }
  func.func @transform_2(%arg0: i32, %arg1: i32, %arg2: i32) -> (i32, i32, i32) {
    %eq3A = arith.constant 1 : i32
    %eq3A_0 = arith.cmpi eq, %arg0, %eq3A : i32
    %jit3A = arith.constant 7 : i32
    %select_n3A = arith.select %eq3A_0, %arg1, %jit3A : i32
    %jit3A_1 = arith.constant 7 : i32
    %select_n3A_2 = arith.select %eq3A_0, %arg2, %jit3A_1 : i32
    %c0_i32 = arith.constant 0 : i32
    %c0_i32_3 = arith.constant 0 : i32
    return %select_n3A, %select_n3A_2, %c0_i32 : i32, i32, i32
  }
  func.func @transform_3(%arg0: i32, %arg1: i32, %arg2: i32) -> (i32, i32, i32) {
    %eq3A = arith.constant 2 : i32
    %eq3A_0 = arith.cmpi eq, %arg0, %eq3A : i32
    %jit3A = arith.constant 7 : i32
    %select_n3A = arith.select %eq3A_0, %arg1, %jit3A : i32
    %jit3A_1 = arith.constant 7 : i32
    %select_n3A_2 = arith.select %eq3A_0, %arg2, %jit3A_1 : i32
    %c0_i32 = arith.constant 0 : i32
    %c0_i32_3 = arith.constant 0 : i32
    return %select_n3A, %select_n3A_2, %c0_i32 : i32, i32, i32
  }
  func.func @transform_4(%arg0: i32, %arg1: i32, %arg2: i32) -> (i32, i32) {
    %c0_i32 = arith.constant 0 : i32
    %c0_i32_0 = arith.constant 0 : i32
    %c0_i32_1 = arith.constant 0 : i32
    return %c0_i32, %c0_i32_0 : i32, i32
  }
  func.func @transform_5(%arg0: i32, %arg1: i32, %arg2: i32) -> (i32, i32) {
    %c0_i32 = arith.constant 0 : i32
    %c0_i32_0 = arith.constant 0 : i32
    %c0_i32_1 = arith.constant 0 : i32
    return %c0_i32, %c0_i32_0 : i32, i32
  }
  func.func @transform_6(%arg0: i32, %arg1: i32, %arg2: i32) -> (i32, i32) {
    %c0_i32 = arith.constant 0 : i32
    %c0_i32_0 = arith.constant 0 : i32
    %c0_i32_1 = arith.constant 0 : i32
    return %c0_i32, %c0_i32_0 : i32, i32
  }
  func.func @transform_7(%arg0: i32, %arg1: i32, %arg2: i32) -> (i32, i32) {
    %c0_i32 = arith.constant 0 : i32
    %c0_i32_0 = arith.constant 0 : i32
    %c0_i32_1 = arith.constant 0 : i32
    return %c0_i32, %c0_i32_0 : i32, i32
  }
  func.func @transform_8(%arg0: i32, %arg1: i32, %arg2: i32) -> (i32, i32) {
    %c0_i32 = arith.constant 0 : i32
    %c0_i32_0 = arith.constant 0 : i32
    %c0_i32_1 = arith.constant 0 : i32
    return %c0_i32, %c0_i32_0 : i32, i32
  }
  func.func @transform_9(%arg0: i32, %arg1: i32, %arg2: i32) -> (i32, i32) {
    %c0_i32 = arith.constant 0 : i32
    %c0_i32_0 = arith.constant 0 : i32
    %c0_i32_1 = arith.constant 0 : i32
    return %c0_i32, %c0_i32_0 : i32, i32
  }
  func.func @transform_10(%arg0: i32, %arg1: i32, %arg2: i32) -> (i32, i32) {
    %c0_i32 = arith.constant 0 : i32
    %c0_i32_0 = arith.constant 0 : i32
    %c0_i32_1 = arith.constant 0 : i32
    return %c0_i32, %c0_i32_0 : i32, i32
  }
  func.func @transform_11(%arg0: i32, %arg1: i32, %arg2: i32) -> (i32, i32) {
    %c0_i32 = arith.constant 0 : i32
    %c0_i32_0 = arith.constant 0 : i32
    %c0_i32_1 = arith.constant 0 : i32
    return %c0_i32, %c0_i32_0 : i32, i32
  }
  func.func @transform_12(%arg0: i32, %arg1: i32, %arg2: i32) -> (i32, i32) {
    %c0_i32 = arith.constant 0 : i32
    %c0_i32_0 = arith.constant 0 : i32
    %c0_i32_1 = arith.constant 0 : i32
    return %c0_i32, %c0_i32_0 : i32, i32
  }
  func.func @transform_13(%arg0: i32, %arg1: i32, %arg2: i32) -> (i32, i32, i32) {
    %eq3A = arith.constant 2 : i32
    %eq3A_0 = arith.cmpi eq, %arg0, %eq3A : i32
    %jit3A = arith.constant 0 : i32
    %select_n3A = arith.select %eq3A_0, %arg1, %jit3A : i32
    %jit3A_1 = arith.constant 0 : i32
    %select_n3A_2 = arith.select %eq3A_0, %arg2, %jit3A_1 : i32
    %c0_i32 = arith.constant 0 : i32
    %c0_i32_3 = arith.constant 0 : i32
    return %select_n3A, %select_n3A_2, %c0_i32 : i32, i32, i32
  }
  func.func @transform_14(%arg0: i32, %arg1: i32, %arg2: i32) -> (i32, i32, i32) {
    %eq3A = arith.constant 0 : i32
    %eq3A_0 = arith.cmpi eq, %arg0, %eq3A : i32
    %jit3A = arith.constant 0 : i32
    %select_n3A = arith.select %eq3A_0, %arg1, %jit3A : i32
    %jit3A_1 = arith.constant 0 : i32
    %select_n3A_2 = arith.select %eq3A_0, %arg2, %jit3A_1 : i32
    %c0_i32 = arith.constant 0 : i32
    %c0_i32_3 = arith.constant 0 : i32
    return %select_n3A, %select_n3A_2, %c0_i32 : i32, i32, i32
  }
  func.func @transform_15(%arg0: i32, %arg1: i32, %arg2: i32) -> (i32, i32, i32) {
    %eq3A = arith.constant 1 : i32
    %eq3A_0 = arith.cmpi eq, %arg0, %eq3A : i32
    %jit3A = arith.constant 0 : i32
    %select_n3A = arith.select %eq3A_0, %arg1, %jit3A : i32
    %jit3A_1 = arith.constant 0 : i32
    %select_n3A_2 = arith.select %eq3A_0, %arg2, %jit3A_1 : i32
    %c0_i32 = arith.constant 0 : i32
    %c0_i32_3 = arith.constant 0 : i32
    return %select_n3A, %select_n3A_2, %c0_i32 : i32, i32, i32
  }
  func.func @transform_16(%arg0: i32, %arg1: i32, %arg2: i32) -> (i32, i32) {
    %c0_i32 = arith.constant 0 : i32
    %c0_i32_0 = arith.constant 0 : i32
    %c0_i32_1 = arith.constant 0 : i32
    return %c0_i32, %c0_i32_0 : i32, i32
  }
  func.func @transform_17(%arg0: i32, %arg1: i32, %arg2: i32) -> (i32, i32) {
    %c0_i32 = arith.constant 0 : i32
    %c0_i32_0 = arith.constant 0 : i32
    %c0_i32_1 = arith.constant 0 : i32
    return %c0_i32, %c0_i32_0 : i32, i32
  }
}

</mosaic_0001>

<sc_bundles>
// kernel: kernel.5.cloned.1.call-start
scs
__scs_entry_jumppad:
0x0: {  	(pc) =	sbr.rel $0x88, $3  }
0x1: {  	(tag) =	ssettag $0x0;
	lr =	simm.s32 $0x1  }
0x2: {  	[smem:$0x3F95] =	sst lr;
	_ =	strace $0xD0000000  }
0x3: {  	_ = 	snop  }
0x4: {  	_ = 	snop  }
0x5: {  	_ = 	snop  }
0x6: {  	_ = 	snop  }
0x7: {  	_ = 	snop  }
__scs_overlays_trampoline_lowered:
0x8: {  	[smem:$0x3FA4] =	sst s0  }
0x9: {  	[smem:$0x3FA5] =	sst s1  }
0xa: {  	[smem:$0x3FA6] =	sst s2  }
0xb: {  	[smem:$0x3FA7] =	sst s3  }
0xc: {  	[smem:$0x3FA8] =	sst s4  }
0xd: {  	[smem:$0x3FA9] =	sst s5  }
0xe: {  	[smem:$0x3FAA] =	sst s6  }
0xf: {  	[smem:$0x3FAB] =	sst s7  }
0x10: {  	[smem:$0x3FAC] =	sst s8  }
0x11: {  	[smem:$0x3FAD] =	sst s9;
	s0 =	simm.s32 @!p0 $0x0  }
0x12: {  	s1 =	sld [smem:$0x3F93];
	s0 =	simm.s32 @p0 $0x1  }
0x13: {  	[smem:$0x3FAE] =	sst s0;
	s0 =	simm.s32 @!p1 $0x0  }
0x14: {  	s2 =	sld [smem:$0x3F92];
	s0 =	simm.s32 @p1 $0x1  }
0x15: {  	[smem:$0x3FAF] =	sst s0;
	s0 =	simm.s32 @!p2 $0x0  }
0x16: {  	s3 =	sld [smem:$0x3FDB];
	s0 =	simm.s32 @p2 $0x1  }
0x17: {  	s4 =	simm.s32 $0x1BF5;
	[smem:$0x3FB1] =	sst s0  }
0x18: {  	s0 =	sld [smem:$0x3F94];
	_ =	swait.ge [sflag:s4], $0x0  }
0x19: {  	s7 =	sld [smem:$0x3F95]  }
0x1a: {  	s8 =	sadd.s32 $0xFFFFE003, lr  }
0x1b: {  	s9 =	sadd.s32 $0xFFFFFEF7, lr;
	s5 =	simm.s32 $0xFFFFFFFF;
	p2 =	slt.u32 s8, $0xFFFFF086  }
0x1c: {  	p1 =	slt.u32 s9, $0xF7A;
	s5 =	simm.s32 @!p2 $0x0  }
0x1d: {  	s5 =	simm.s32 @p1 $0x1;
	p0 =	seq.s32 s7, s2  }
0x1e: {  	s7 =	smul.u32 @!p0 $0xF7A, s2;
	p2 =	seq.s32 @!p0 s5, $0x0  }
0x1f: {  	s9 =	smul.u32 $0xF7A, s1;
	s8 =	simm.s32 @!p0 $0x1BF5;
	p2 =	por !p2, p0  }
0x20: {  	[sflag:s8] =	ssyncset.s32 @!p0 $0xFFFFF086;
	s6 =	sadd.s32 @!p0 s3, s7;
	s7 =	simm.s32 @!p0 $0x108  }
0x21: {  	s3 =	sadd.s32 s3, s9;
	s6 =	sadd.s32 @!p0 $0x88, s6;
	s7 =	simm.s32 @p2 $0x1082  }
0x22: {  	[simem:s7], [sflag:s8] =	dma.local @!p0 [hbm:s6], $0xF7A  }
0x23: {  	s9 =	sor.u32 $0xD0000000, s2;
	s6 =	simm.s32 $0x108;
	_ =	swait.ge @!p0 [sflag:s8], $0x0  }
0x24: {  	s3 =	sadd.s32 $0x88, s3;
	s6 =	simm.s32 @!p1 $0x1082;
	[sflag:s4] =	ssyncset.s32 $0xFFFFF086  }
0x25: {  	[simem:s6], [sflag:s4] =	dma.local [hbm:s3], $0xF7A  }
0x26: {  	[smem:$0x3F95] =	sst s1;
	(tag) =	ssettag s2;
	_ =	strace s9  }
0x27: {  	s1 =	sld [smem:$0x3FA5]  }
0x28: {  	s2 =	sld [smem:$0x3FA6]  }
0x29: {  	s4 =	sld [smem:$0x3FA8]  }
0x2a: {  	p0 =	seq.s32 s5, $0x0;
	s5 =	sld [smem:$0x3FA9]  }
0x2b: {  	s6 =	sld [smem:$0x3FAA]  }
0x2c: {  	s7 =	sld [smem:$0x3FAB]  }
0x2d: {  	s3 =	simm.s32 $0x108;
	s8 =	sld [smem:$0x3FAC]  }
0x2e: {  	s3 =	simm.s32 @!p0 $0x1082;
	s9 =	sld [smem:$0x3FAD]  }
0x2f: {  	lr =	sadd.s32 s0, s3;
	s0 =	sld [smem:$0x3FA4]  }
0x30: {  	s3 =	sld [smem:$0x3FA7]  }
0x31: {  	[smem:$0x3FB0] =	sst s10  }
0x32: {  	s10 =	sld [smem:$0x3FAE];
	_ =	sdelay $0x3  }
0x33: {  	p0 =	seq.s32 s10, $0x1;
	s10 =	sld [smem:$0x3FB0];
	_ =	sdelay $0x3  }
0x34: {  	[smem:$0x3FB0] =	sst s10  }
0x35: {  	s10 =	sld [smem:$0x3FAF];
	_ =	sdelay $0x3  }
0x36: {  	p1 =	seq.s32 s10, $0x1;
	s10 =	sld [smem:$0x3FB0];
	_ =	sdelay $0x3  }
0x37: {  	[smem:$0x3FB0] =	sst s10  }
0x38: {  	s10 =	sld [smem:$0x3FB1]  }
0x39: {  	_ = 	snop;
	(pc) =	sbr.ind lr, $3  }
0x3a: {  	_ = 	snop  }
0x3b: {  	_ = 	snop  }
0x3c: {  	p2 =	seq.s32 s10, $0x1;
	s10 =	sld [smem:$0x3FB0]  }
0x3d: {  	_ =	shalt  }
0x3e: {  	_ =	shalt  }
0x3f: {  	_ =	shalt  }
0x40: {  	_ =	shalt  }
0x41: {  	_ =	shalt  }
0x42: {  	_ =	shalt  }
0x43: {  	_ =	shalt  }
0x44: {  	_ =	shalt  }
0x45: {  	_ =	shalt  }
0x46: {  	_ =	shalt  }
0x47: {  	_ =	shalt  }
0x48: {  	_ =	shalt  }
0x49: {  	_ =	shalt  }
0x4a: {  	_ =	shalt  }
0x4b: {  	_ =	shalt  }
0x4c: {  	_ =	shalt  }
0x4d: {  	_ =	shalt  }
0x4e: {  	_ =	shalt  }
0x4f: {  	_ =	shalt  }
0x50: {  	_ =	shalt  }
0x51: {  	_ =	shalt  }
0x52: {  	_ =	shalt  }
0x53: {  	_ =	shalt  }
0x54: {  	_ =	shalt  }
0x55: {  	_ =	shalt  }
0x56: {  	_ =	shalt  }
0x57: {  	_ =	shalt  }
0x58: {  	_ =	shalt  }
0x59: {  	_ =	shalt  }
0x5a: {  	_ =	shalt  }
0x5b: {  	_ =	shalt  }
0x5c: {  	_ =	shalt  }
0x5d: {  	_ =	shalt  }
0x5e: {  	_ =	shalt  }
0x5f: {  	_ =	shalt  }
0x60: {  	_ =	shalt  }
0x61: {  	_ =	shalt  }
0x62: {  	_ =	shalt  }
0x63: {  	_ =	shalt  }
0x64: {  	_ =	shalt  }
0x65: {  	_ =	shalt  }
0x66: {  	_ =	shalt  }
0x67: {  	_ =	shalt  }
0x68: {  	_ =	shalt  }
0x69: {  	_ =	shalt  }
0x6a: {  	_ =	shalt  }
0x6b: {  	_ =	shalt  }
0x6c: {  	_ =	shalt  }
0x6d: {  	_ =	shalt  }
0x6e: {  	_ =	shalt  }
0x6f: {  	_ =	shalt  }
0x70: {  	_ =	shalt  }
0x71: {  	_ =	shalt  }
0x72: {  	_ =	shalt  }
0x73: {  	_ =	shalt  }
0x74: {  	_ =	shalt  }
0x75: {  	_ =	shalt  }
0x76: {  	_ =	shalt  }
0x77: {  	_ =	shalt  }
0x78: {  	_ =	shalt  }
0x79: {  	_ =	shalt  }
0x7a: {  	_ =	shalt  }
0x7b: {  	_ =	shalt  }
0x7c: {  	_ =	shalt  }
0x7d: {  	_ =	shalt  }
0x7e: {  	_ =	shalt  }
0x7f: {  	_ =	shalt  }
0x80: {  	_ =	shalt  }
0x81: {  	_ =	shalt  }
0x82: {  	_ =	shalt  }
0x83: {  	_ =	shalt  }
0x84: {  	_ =	shalt  }
0x85: {  	_ =	shalt  }
0x86: {  	_ =	shalt  }
0x87: {  	_ =	shalt  }
.Lfunc_end0:
.L_simem_size_0:
called_computation_lowered:
.L_overlay_start_0:
0x88: {  	s2 =	sld [smem:$0x3FD9]  }
0x89: {  	s3 =	sld [smem:$0x3FFE];
	_ =	sdelay $0x1  }
0x8a: {  	s1 =	srdreg.scid  }
0x8b: {  	s0 =	sand.u32 $0x1, s1  }
0x8c: {  	s17 =	sshll.u32 s0, $0xA;
	s2 =	sadd.s32 s3, s2  }
0x8d: {  	s2 =	sadd.s32 s2, s17  }
0x8e: {  	[smem:$0x3FBC] =	sst s2  }
0x8f: {  	_ = 	snop  }
0x90: {  	s2 =	sld [smem:$0x3FC6]  }
0x91: {  	s18 =	sld [smem:$0x3FD0];
	(tm) =	ssettm $0x1  }
0x92: {  	s4 =	sld [smem:$0x3FFB];
	_ =	sdelay $0x3  }
0x93: {  	_ =	strace s4  }
0x94: {  	s4 =	sld [smem:$0x3FFC];
	_ =	sdelay $0x3  }
0x95: {  	_ =	strace s4  }
0x96: {  	s4 =	sld [smem:$0x3FFD];
	_ =	sdelay $0x3  }
0x97: {  	_ =	strace s4  }
0x98: {  	_ =	strace $0x8FFFFFFF  }
0x99: {  	s19 =	sld [smem:$0x3FDB];
	_ =	sdelay $0x1  }
0x9a: {  	s5 =	simm.s32 $_scs_section_size  }
0x9b: {  	s6 =	simm.s32 $_size__tile_overlayer_lowered;
	s7 =	simm.s32 $_tile_overlayer_lowered  }
0x9c: {  	s22 =	simm.s32 $0x1BFF;
	s21 =	sshll.u32 s7, $0x1;
	s4 =	sadd.s32 s5, s19  }
0x9d: {  	s8 =	simm.s32 $0x0;
	s20 =	sshll.u32 s6, $0x1;
	s6 =	sadd.s32 s21, s4  }
0x9e: {  	[timem:s8], [sflag:s22] =	dma.local [hbm:s6], s20  }
0x9f: {  	_ =	swait.ge [sflag:s22], s20  }
0xa0: {  	s5 =	ssub.s32 $0x0, s20;
	[sflag:s22] =	ssyncset.done $0x0  }
0xa1: {  	[sflag:s22] =	ssyncadd.s32 s5;
	_ =	sdelay $0x1  }
0xa2: {  	s23 =	simm.s32 $0x1B8B  }
0xa3: {  	_ =	swait.ge [sflag:s23], $0x1  }
0xa4: {  	[sflag:s23] =	ssyncset.done $0x0  }
0xa5: {  	s25 =	simm.s32 $0x1B8E;
	s24 =	sld [smem:$0x3FFE];
	[sflag:s23] =	ssyncadd.s32 $0xFFFFFFFF  }
0xa6: {  	s26 =	simm.s32 $execute0_lowered;
	[smem:$0x3FD2] =	sst s25  }
0xa7: {  	s6 =	sshll.u32 s26, $0x1;
	_ =	strace $0x80000046;
	[dreg:$0x1] =	wrdreg $0xFFFFFFFF  }
0xa8: {  	s28 =	simm.s32 $_size_execute0_lowered;
	s4 =	sadd.s32 s4, s6;
	[dreg:$0x0] =	wrdreg $0x0  }
0xa9: {  	s6 =	sshll.u32 s28, $0x1;
	[dreg:$0x2] =	wrdreg s4  }
0xaa: {  	[dreg:$0x3] =	wrdreg s6  }
0xab: {  	[dreg:$0x4] =	wrdreg $0xC0  }
0xac: {  	_ =	task [dreg:s8], $0x5FFFF  }
0xad: {  	[dreg:$0x1] =	wrdreg $0xFFFFFFFF  }
0xae: {  	[dreg:$0x0] =	wrdreg $0x60  }
0xaf: {  	[dreg:$0x2] =	wrdreg s2  }
0xb0: {  	[dreg:$0x3] =	wrdreg s24  }
0xb1: {  	[dreg:$0x4] =	wrdreg s18  }
0xb2: {  	[dreg:$0x5] =	wrdreg $0x9  }
0xb3: {  	_ =	task.clear_ibuf [dreg:s8], $0x6FFFF;
	_ =	strace $0x90000046  }
0xb4: {  	s29 =	simm.s32 $0x9;
	_ =	strace $0x80000048  }
0xb5: {  	_ =	swait.ge [sflag:s29], $0x1  }
0xb6: {  	[sflag:s29] =	ssyncadd.s32 $0xFFFFFFFF  }
0xb7: {  	_ =	strace $0x90000048  }
0xb8: {  	_ =	sfence  }
0xb9: {  	s30 =	sld [smem:$0x0];
	_ =	sdelay $0x2  }
0xba: {  	s31 =	sshll.u32 s1, $0xD;
	s1 =	sshrl.u32 s1, $0x2  }
0xbb: {  	s3 =	sand.u32 $0x4000, s31;
	s1 =	sadd.s32 s1, s30  }
0xbc: {  	s0 =	sor.u32 s3, s0;
	s1 =	sshll.u32 s1, $0x11  }
0xbd: {  	s0 =	sor.u32 s1, s0  }
0xbe: {  	s0 =	sadd.s32 $0x8F2B, s0  }
0xbf: {  	[sflag:s0] =	ssyncadd.remote.s32 $0x1  }
0xc0: {  	_ =	sfence.sel $0xFFFF  }
0xc1: {  	[dreg:$0x0] =	wrdreg $0xFFFFFFFF;
	(pc) =	sbr.abs _section_cstart, $3  }
0xc2: {  	[dreg:$0x1] =	wrdreg $0xFFFFFFFF  }
0xc3: {  	_ =	task.clear_ibuf [dreg:s8], $0x2FFFF;
	_ =	strace $0x9FFFFFFF  }
0xc4: {  	(tm) =	ssettm $0x7FFFFFFF  }
0xc5: {  	_ =	shalt  }
tec
execute0_lowered:
.L_overlay_start_1:
0x0: {  	(tag) =	ssettag $0x1  }
0x1: {  	s1 =	rddreg [dreg:$0x0]  }
0x2: {  	s0 =	srdreg.scid;
	s6 =	rddreg [dreg:$0x1]  }
0x3: {  	s2 =	stileid.u32;
	s3 =	rddreg [dreg:$0x2]  }
0x4: {  	s5 =	simm.s32 $0x0;
	s10 =	simm.s32 $0x5;
	s28 =	simm.s32 $0x8400  }
0x5: {  	s29 =	simm.s32 $0x8C00;
	s30 =	simm.s32 $0x9400;
	s31 =	simm.s32 $0x9C00  }
0x6: {  	s11 =	simm.s32 $0xD200;
	s12 =	simm.s32 $0x1;
	s13 =	simm.s32 $0x3  }
0x7: {  	s14 =	simm.s32 $0xD800;
	s0 =	sand.u32 $0x1, s0;
	s2 =	sshll.u32 s2, $0x1  }
0x8: {  	s15 =	simm.s32 $0x2;
	s16 =	simm.s32 $0x4;
	s2 =	sor.u32 s0, s2  }
0x9: {  	[smem:$0x7FF] =	sst s5;
	s0 =	ssub.s32 $0x2, s0;
	s4 =	smul.u32 $0xC00, s2  }
0xa: {  	s8 =	sshll.u32 s2, $0xF;
	s9 =	sshrl.u32 s0, $0x1;
	s2 =	smul.u32 $0x1800, s2  }
0xb: {  	s18 =	simm.s32 $0x0;
	_ =	strace $0x80000047;
	s0 =	ssub.s32 s0, s9  }
0xc: {  	s9 =	simm.s32 $0xC400;
	s7 =	sshrl.u32 s4, $0x3;
	s2 =	sadd.s32 s3, s2  }
0xd: {  	s0 =	smax.u32 s0, $0x1;
	s7 =	sadd.s32 s7, s6;
	[dreg:$0x5] =	wrdreg s2  }
0xe: {  	v2 =	vlaneseq.u32;
	s6 =	sadd.s32 s8, s6;
	[dreg:$0x6] =	wrdreg s0;
	s2 =	simm.s32 $0xA400  }
0xf: {  	vm0 =	vmmov $0xffff;
	v1 =	vshrl.u32 v2, $0x3;
	s0 =	simm.s32 $0xAC00;
	s7 =	sadd.s32 $0x81E00, s7;
	s8 =	sadd.s32 $0x84E00, s6  }
0x10: {  	v0 =	vand.u32 $0x7, v2;
	v2 =	vor.u32 $0x8, v2;
	v1 =	vmul.u32 $0x8, v1;
	s6 =	simm.s32 $0xB400;
	[dreg:$0x4] =	wrdreg s7;
	s7 =	simm.s32 $0xBC00  }
.LBB2_1:
0x11: {  	[dreg:$0x7] =	wrdreg s18  }
0x12: {  	s17 =	rddreg [dreg:$0x4]  }
0x13: {  	[tilespmem:s5], [sflag:$0x5] =	stream.linear.gather [hbm4b:s17+s5], $0xC00, $0x38;
	[tilespmem:$0xF800] =	vst v63  }
0x14: {  	_ =	swait.ge [sflag:s10], $0xC00  }
0x15: {  	[sflag:s10] =	ssyncset.done $0x0  }
0x16: {  	[sflag:s10] =	ssyncadd.s32 $0xFFFFF400  }
0x17: {  	v3 =	vld [tilespmem:$0x0];
	_ =	sdelay $0x4  }
0x18: {  	v4 =	vshll.u32 v3, $0x1  }
0x19: {  	v3 =	vand.u32 $0x7, v3;
	v4 =	vand.u32 $0xFFFFFFF0, v4  }
0x1a: {  	v3 =	vor.u32 v3, v4  }
0x1b: {  	v4 =	vperm.xlane v3, v0;
	_ =	sdelay $0x1  }
0x1c: {  	v3 =	vperm.xlane v3, v2;
	v4 =	vadd.s32 v1, v4;
	_ =	sdelay $0x1  }
0x1d: {  	v3 =	vadd.s32 v1, v3;
	_ =	sdelay $0x1  }
0x1e: {  	s22 =	simm.s32 $0xC00  }
0x1f: {  	[tilespmem:s22], [sflag:$0x1] =	stream.indirect_vreg.gather [hbm4b:s1+s5], $0x80, v4, vm0, $0xb8;
	[tilespmem:$0xF800] =	vst v63  }
0x20: {  	s23 =	simm.s32 $0x1400  }
0x21: {  	[tilespmem:s23], [sflag:$0x1] =	stream.indirect_vreg.gather [hbm4b:s1+s5], $0x80, v3, vm0, $0xb8;
	[tilespmem:$0xF800] =	vst v63  }
0x22: {  	v3 =	vld [tilespmem:$0x10];
	_ =	sdelay $0x4  }
0x23: {  	v59 =	vshll.u32 v3, $0x1  }
0x24: {  	v3 =	vand.u32 $0x7, v3;
	v4 =	vand.u32 $0xFFFFFFF0, v59  }
0x25: {  	v3 =	vor.u32 v3, v4  }
0x26: {  	v4 =	vperm.xlane v3, v0;
	_ =	sdelay $0x1  }
0x27: {  	v3 =	vperm.xlane v3, v2;
	v4 =	vadd.s32 v1, v4;
	_ =	sdelay $0x1  }
0x28: {  	v3 =	vadd.s32 v1, v3;
	_ =	sdelay $0x1  }
0x29: {  	s24 =	simm.s32 $0x1C00  }
0x2a: {  	[tilespmem:s24], [sflag:$0x1] =	stream.indirect_vreg.gather [hbm4b:s1+s5], $0x80, v4, vm0, $0xb8;
	[tilespmem:$0xF800] =	vst v63  }
0x2b: {  	s25 =	simm.s32 $0x2400  }
0x2c: {  	[tilespmem:s25], [sflag:$0x1] =	stream.indirect_vreg.gather [hbm4b:s1+s5], $0x80, v3, vm0, $0xb8;
	[tilespmem:$0xF800] =	vst v63  }
0x2d: {  	v3 =	vld [tilespmem:$0x20];
	_ =	sdelay $0x4  }
0x2e: {  	v60 =	vshll.u32 v3, $0x1  }
0x2f: {  	v3 =	vand.u32 $0x7, v3;
	v4 =	vand.u32 $0xFFFFFFF0, v60  }
0x30: {  	v3 =	vor.u32 v3, v4  }
0x31: {  	v4 =	vperm.xlane v3, v0;
	_ =	sdelay $0x1  }
0x32: {  	v3 =	vperm.xlane v3, v2;
	v4 =	vadd.s32 v1, v4;
	_ =	sdelay $0x1  }
0x33: {  	v3 =	vadd.s32 v1, v3;
	_ =	sdelay $0x1  }
0x34: {  	s26 =	simm.s32 $0x2C00  }
0x35: {  	[tilespmem:s26], [sflag:$0x1] =	stream.indirect_vreg.gather [hbm4b:s1+s5], $0x80, v4, vm0, $0xb8;
	[tilespmem:$0xF800] =	vst v63  }
0x36: {  	s18 =	simm.s32 $0x3400  }
0x37: {  	[tilespmem:s18], [sflag:$0x1] =	stream.indirect_vreg.gather [hbm4b:s1+s5], $0x80, v3, vm0, $0xb8;
	[tilespmem:$0xF800] =	vst v63  }
0x38: {  	v3 =	vld [tilespmem:$0x30];
	_ =	sdelay $0x4  }
0x39: {  	v61 =	vshll.u32 v3, $0x1  }
0x3a: {  	v3 =	vand.u32 $0x7, v3;
	v4 =	vand.u32 $0xFFFFFFF0, v61  }
0x3b: {  	v3 =	vor.u32 v3, v4  }
0x3c: {  	v4 =	vperm.xlane v3, v0;
	_ =	sdelay $0x1  }
0x3d: {  	v3 =	vperm.xlane v3, v2;
	v4 =	vadd.s32 v1, v4;
	_ =	sdelay $0x1  }
0x3e: {  	v3 =	vadd.s32 v1, v3;
	_ =	sdelay $0x1  }
0x3f: {  	s19 =	simm.s32 $0x3C00  }
0x40: {  	[tilespmem:s19], [sflag:$0x1] =	stream.indirect_vreg.gather [hbm4b:s1+s5], $0x80, v4, vm0, $0xb8;
	[tilespmem:$0xF800] =	vst v63  }
0x41: {  	s20 =	simm.s32 $0x4400  }
0x42: {  	[tilespmem:s20], [sflag:$0x1] =	stream.indirect_vreg.gather [hbm4b:s1+s5], $0x80, v3, vm0, $0xb8;
	[tilespmem:$0xF800] =	vst v63  }
0x43: {  	v3 =	vld [tilespmem:$0x40];
	_ =	sdelay $0x4  }
0x44: {  	v62 =	vshll.u32 v3, $0x1  }
0x45: {  	v3 =	vand.u32 $0x7, v3;
	v4 =	vand.u32 $0xFFFFFFF0, v62  }
0x46: {  	v3 =	vor.u32 v3, v4  }
0x47: {  	v4 =	vperm.xlane v3, v0;
	_ =	sdelay $0x1  }
0x48: {  	v3 =	vperm.xlane v3, v2;
	v4 =	vadd.s32 v1, v4;
	_ =	sdelay $0x1  }
0x49: {  	v3 =	vadd.s32 v1, v3;
	_ =	sdelay $0x1  }
0x4a: {  	s21 =	simm.s32 $0x4C00  }
0x4b: {  	[tilespmem:s21], [sflag:$0x1] =	stream.indirect_vreg.gather [hbm4b:s1+s5], $0x80, v4, vm0, $0xb8;
	[tilespmem:$0xF800] =	vst v63  }
0x4c: {  	s22 =	simm.s32 $0x5400  }
0x4d: {  	[tilespmem:s22], [sflag:$0x1] =	stream.indirect_vreg.gather [hbm4b:s1+s5], $0x80, v3, vm0, $0xb8;
	[tilespmem:$0xF800] =	vst v63  }
0x4e: {  	v3 =	vld [tilespmem:$0x50];
	_ =	sdelay $0x4  }
0x4f: {  	v63 =	vshll.u32 v3, $0x1  }
0x50: {  	v3 =	vand.u32 $0x7, v3;
	v4 =	vand.u32 $0xFFFFFFF0, v63  }
0x51: {  	v3 =	vor.u32 v3, v4  }
0x52: {  	v4 =	vperm.xlane v3, v0;
	_ =	sdelay $0x1  }
0x53: {  	v3 =	vperm.xlane v3, v2;
	v4 =	vadd.s32 v1, v4;
	_ =	sdelay $0x1  }
0x54: {  	v3 =	vadd.s32 v1, v3;
	_ =	sdelay $0x1  }
0x55: {  	s23 =	simm.s32 $0x5C00  }
0x56: {  	[tilespmem:s23], [sflag:$0x1] =	stream.indirect_vreg.gather [hbm4b:s1+s5], $0x80, v4, vm0, $0xb8;
	[tilespmem:$0xF800] =	vst v63  }
0x57: {  	s24 =	simm.s32 $0x6400  }
0x58: {  	[tilespmem:s24], [sflag:$0x1] =	stream.indirect_vreg.gather [hbm4b:s1+s5], $0x80, v3, vm0, $0xb8;
	[tilespmem:$0xF800] =	vst v63  }
0x59: {  	s17 =	simm.s32 $0x0;
	s25 =	rddreg [dreg:$0x5];
	s26 =	simm.s32 $0xCC00  }
0x5a: {  	[tilespmem:s26], [sflag:$0x3] =	stream.linear.gather [hbm4b:s25+s5], $0x600, $0x38;
	[tilespmem:$0xF800] =	vst v63  }
.LBB2_2:
0x5b: {  	s18 =	sshllo.u32 s17, $0x1  }
0x5c: {  	s20 =	smul.u32 $0x60, s18;
	_ =	sdelay $0x1  }
0x5d: {  	v3 =	vld [tilespmem:s20+$0x0];
	_ =	sdelay $0x4  }
0x5e: {  	v4 =	vshll.u32 v3, $0x1  }
0x5f: {  	v3 =	vand.u32 $0x7, v3;
	v4 =	vand.u32 $0xFFFFFFF0, v4  }
0x60: {  	v3 =	vor.u32 v3, v4  }
0x61: {  	v4 =	vperm.xlane v3, v0;
	_ =	sdelay $0x1  }
0x62: {  	v3 =	vperm.xlane v3, v2;
	v4 =	vadd.s32 v1, v4;
	_ =	sdelay $0x1  }
0x63: {  	v3 =	vadd.s32 v1, v3;
	_ =	sdelay $0x1  }
0x64: {  	s19 =	simm.s32 $0x0;
	s21 =	simm.s32 $0x6C00  }
0x65: {  	[tilespmem:s21], [sflag:$0x2] =	stream.indirect_vreg.gather [hbm4b:s1+s19], $0x80, v4, vm0, $0xb8;
	[tilespmem:$0xF800] =	vst v63  }
0x66: {  	s25 =	simm.s32 $0x7400  }
0x67: {  	[tilespmem:s25], [sflag:$0x2] =	stream.indirect_vreg.gather [hbm4b:s1+s19], $0x80, v3, vm0, $0xb8;
	[tilespmem:$0xF800] =	vst v63  }
0x68: {  	v3 =	vld [tilespmem:s20+$0x10];
	_ =	sdelay $0x4  }
0x69: {  	v59 =	vshll.u32 v3, $0x1  }
0x6a: {  	v3 =	vand.u32 $0x7, v3;
	v4 =	vand.u32 $0xFFFFFFF0, v59  }
0x6b: {  	v3 =	vor.u32 v3, v4  }
0x6c: {  	v4 =	vperm.xlane v3, v0;
	_ =	sdelay $0x1  }
0x6d: {  	v3 =	vperm.xlane v3, v2;
	v4 =	vadd.s32 v1, v4;
	_ =	sdelay $0x1  }
0x6e: {  	v3 =	vadd.s32 v1, v3;
	_ =	sdelay $0x1  }
0x6f: {  	s26 =	simm.s32 $0x7C00  }
0x70: {  	[tilespmem:s26], [sflag:$0x2] =	stream.indirect_vreg.gather [hbm4b:s1+s19], $0x80, v4, vm0, $0xb8;
	[tilespmem:$0xF800] =	vst v63  }
0x71: {  	_ = 	snop  }
0x72: {  	[tilespmem:s28], [sflag:$0x2] =	stream.indirect_vreg.gather [hbm4b:s1+s19], $0x80, v3, vm0, $0xb8;
	[tilespmem:$0xF800] =	vst v63  }
0x73: {  	v3 =	vld [tilespmem:s20+$0x20];
	_ =	sdelay $0x4  }
0x74: {  	v60 =	vshll.u32 v3, $0x1  }
0x75: {  	v3 =	vand.u32 $0x7, v3;
	v4 =	vand.u32 $0xFFFFFFF0, v60  }
0x76: {  	v3 =	vor.u32 v3, v4  }
0x77: {  	v4 =	vperm.xlane v3, v0;
	_ =	sdelay $0x1  }
0x78: {  	v3 =	vperm.xlane v3, v2;
	v4 =	vadd.s32 v1, v4;
	_ =	sdelay $0x1  }
0x79: {  	v3 =	vadd.s32 v1, v3;
	_ =	sdelay $0x2  }
0x7a: {  	[tilespmem:s29], [sflag:$0x2] =	stream.indirect_vreg.gather [hbm4b:s1+s19], $0x80, v4, vm0, $0xb8;
	[tilespmem:$0xF800] =	vst v63  }
0x7b: {  	_ = 	snop  }
0x7c: {  	[tilespmem:s30], [sflag:$0x2] =	stream.indirect_vreg.gather [hbm4b:s1+s19], $0x80, v3, vm0, $0xb8;
	[tilespmem:$0xF800] =	vst v63  }
0x7d: {  	v3 =	vld [tilespmem:s20+$0x30];
	_ =	sdelay $0x4  }
0x7e: {  	v61 =	vshll.u32 v3, $0x1  }
0x7f: {  	v3 =	vand.u32 $0x7, v3;
	v4 =	vand.u32 $0xFFFFFFF0, v61  }
0x80: {  	v3 =	vor.u32 v3, v4  }
0x81: {  	v4 =	vperm.xlane v3, v0;
	_ =	sdelay $0x1  }
0x82: {  	v3 =	vperm.xlane v3, v2;
	v4 =	vadd.s32 v1, v4;
	_ =	sdelay $0x1  }
0x83: {  	v3 =	vadd.s32 v1, v3;
	_ =	sdelay $0x2  }
0x84: {  	[tilespmem:s31], [sflag:$0x2] =	stream.indirect_vreg.gather [hbm4b:s1+s19], $0x80, v4, vm0, $0xb8;
	[tilespmem:$0xF800] =	vst v63  }
0x85: {  	_ = 	snop  }
0x86: {  	[tilespmem:s2], [sflag:$0x2] =	stream.indirect_vreg.gather [hbm4b:s1+s19], $0x80, v3, vm0, $0xb8;
	[tilespmem:$0xF800] =	vst v63  }
0x87: {  	v3 =	vld [tilespmem:s20+$0x40];
	_ =	sdelay $0x4  }
0x88: {  	v62 =	vshll.u32 v3, $0x1  }
0x89: {  	v3 =	vand.u32 $0x7, v3;
	v4 =	vand.u32 $0xFFFFFFF0, v62  }
0x8a: {  	v3 =	vor.u32 v3, v4  }
0x8b: {  	v4 =	vperm.xlane v3, v0;
	_ =	sdelay $0x1  }
0x8c: {  	v3 =	vperm.xlane v3, v2;
	v4 =	vadd.s32 v1, v4;
	_ =	sdelay $0x1  }
0x8d: {  	v3 =	vadd.s32 v1, v3;
	_ =	sdelay $0x2  }
0x8e: {  	[tilespmem:s0], [sflag:$0x2] =	stream.indirect_vreg.gather [hbm4b:s1+s19], $0x80, v4, vm0, $0xb8;
	[tilespmem:$0xF800] =	vst v63  }
0x8f: {  	_ = 	snop  }
0x90: {  	[tilespmem:s6], [sflag:$0x2] =	stream.indirect_vreg.gather [hbm4b:s1+s19], $0x80, v3, vm0, $0xb8;
	[tilespmem:$0xF800] =	vst v63  }
0x91: {  	v3 =	vld [tilespmem:s20+$0x50];
	_ =	sdelay $0x4  }
0x92: {  	v63 =	vshll.u32 v3, $0x1  }
0x93: {  	v3 =	vand.u32 $0x7, v3;
	v4 =	vand.u32 $0xFFFFFFF0, v63  }
0x94: {  	v3 =	vor.u32 v3, v4  }
0x95: {  	v4 =	vperm.xlane v3, v0;
	_ =	sdelay $0x1  }
0x96: {  	v3 =	vperm.xlane v3, v2;
	v4 =	vadd.s32 v1, v4;
	_ =	sdelay $0x1  }
0x97: {  	v3 =	vadd.s32 v1, v3  }
0x98: {  	s20 =	sadd.s32 s4, s20  }
0x99: {  	s20 =	sshll.u32 s20, $0x1  }
0x9a: {  	[tilespmem:s7], [sflag:$0x2] =	stream.indirect_vreg.gather [hbm4b:s1+s19], $0x80, v4, vm0, $0xb8;
	[tilespmem:$0xF800] =	vst v63  }
0x9b: {  	s20 =	sand.u32 $0x1FFFFFC0, s20  }
0x9c: {  	[tilespmem:s9], [sflag:$0x2] =	stream.indirect_vreg.gather [hbm4b:s1+s19], $0x80, v3, vm0, $0xb8;
	[tilespmem:$0xF800] =	vst v63  }
0x9d: {  	s20 =	sadd.s32 s3, s20  }
0x9e: {  	[tilespmem:s11], [sflag:$0x4] =	stream.linear.gather [hbm4b:s20+s19], $0x600, $0x38;
	[tilespmem:$0xF800] =	vst v63  }
0x9f: {  	_ =	swait.ge [sflag:s12], $0x6000  }
0xa0: {  	[sflag:s12] =	ssyncset.done $0x0  }
0xa1: {  	[sflag:s12] =	ssyncadd.s32 $0xFFFFA000  }
0xa2: {  	_ =	swait.ge [sflag:s13], $0x600  }
0xa3: {  	s22 =	simm.s32 $0xD900;
	[sflag:s13] =	ssyncset.done $0x0  }
0xa4: {  	s21 =	simm.s32 $0xCC30;
	s20 =	simm.s32 $0x280;
	[sflag:s13] =	ssyncadd.s32 $0xFFFFFA00  }
.LBB2_3:
0xa5: {  	s23 =	sand.u32 $0x7800, s19;
	s24 =	sadd.s32 $0xFFFFFD80, s20  }
0xa6: {  	v3 =	vld [tilespmem:s21+$0xFFFFFFD0];
	s26 =	sadd.s32 $0xFFFFFE00, s20;
	s24 =	sand.u32 $0x300, s24;
	s25 =	sadd.s32 $0xC00, s23  }
0xa7: {  	v4 =	vld [tilespmem:s21+$0xFFFFFFE0];
	s26 =	sand.u32 $0x380, s26;
	s23 =	sor.u32 s24, s25  }
0xa8: {  	s24 =	sor.u32 s26, s25;
	s25 =	sadd.s32 $0x200, s19;
	s26 =	sadd.s32 $0xFFFFFE80, s20;
	v6 =	vld [tilespmem:s23+$0x0]  }
0xa9: {  	v7 =	vld [tilespmem:s24+$0x0];
	s25 =	sand.u32 $0xF800, s25;
	s26 =	sand.u32 $0x300, s26  }
0xaa: {  	v5 =	vld [tilespmem:s21+$0xFFFFFFF0];
	s25 =	sor.u32 s26, s25  }
0xab: {  	v8 =	vld [tilespmem:s25+$0xC00];
	_ =	sdelay $0x2  }
0xac: {  	v6 =	vmul.f32 v6, v3;
	v7 =	vmul.f32 v7, v4;
	_ =	sdelay $0x1  }
0xad: {  	v6 =	vadd.f32 v7, v6;
	v19 =	vmul.f32 v8, v5;
	_ =	sdelay $0x1  }
0xae: {  	v6 =	vadd.f32 v19, v6;
	_ =	sdelay $0x1  }
0xaf: {  	[tilespmem:s22+$0xFFFFFF00] =	vst v6  }
0xb0: {  	v6 =	vld [tilespmem:s23+$0x10]  }
0xb1: {  	v20 =	vld [tilespmem:s24+$0x10];
	_ =	sdelay $0x1  }
0xb2: {  	v21 =	vld [tilespmem:s25+$0xC10];
	_ =	sdelay $0x2  }
0xb3: {  	v6 =	vmul.f32 v6, v3;
	v7 =	vmul.f32 v20, v4;
	_ =	sdelay $0x1  }
0xb4: {  	v22 =	vmul.f32 v21, v5;
	v6 =	vadd.f32 v7, v6;
	_ =	sdelay $0x1  }
0xb5: {  	v6 =	vadd.f32 v22, v6;
	_ =	sdelay $0x1  }
0xb6: {  	[tilespmem:s22+$0xFFFFFF10] =	vst v6  }
0xb7: {  	v6 =	vld [tilespmem:s23+$0x20]  }
0xb8: {  	v23 =	vld [tilespmem:s24+$0x20];
	_ =	sdelay $0x1  }
0xb9: {  	v24 =	vld [tilespmem:s25+$0xC20];
	_ =	sdelay $0x2  }
0xba: {  	v6 =	vmul.f32 v6, v3;
	v7 =	vmul.f32 v23, v4;
	_ =	sdelay $0x1  }
0xbb: {  	v25 =	vmul.f32 v24, v5;
	v6 =	vadd.f32 v7, v6;
	_ =	sdelay $0x1  }
0xbc: {  	v6 =	vadd.f32 v25, v6;
	_ =	sdelay $0x1  }
0xbd: {  	[tilespmem:s22+$0xFFFFFF20] =	vst v6  }
0xbe: {  	v6 =	vld [tilespmem:s23+$0x30]  }
0xbf: {  	v26 =	vld [tilespmem:s24+$0x30];
	_ =	sdelay $0x1  }
0xc0: {  	v27 =	vld [tilespmem:s25+$0xC30];
	_ =	sdelay $0x2  }
0xc1: {  	v6 =	vmul.f32 v6, v3;
	v7 =	vmul.f32 v26, v4;
	_ =	sdelay $0x1  }
0xc2: {  	v28 =	vmul.f32 v27, v5;
	v6 =	vadd.f32 v7, v6;
	_ =	sdelay $0x1  }
0xc3: {  	v6 =	vadd.f32 v28, v6;
	_ =	sdelay $0x1  }
0xc4: {  	[tilespmem:s22+$0xFFFFFF30] =	vst v6  }
0xc5: {  	v6 =	vld [tilespmem:s23+$0x40]  }
0xc6: {  	v29 =	vld [tilespmem:s24+$0x40];
	_ =	sdelay $0x1  }
0xc7: {  	v30 =	vld [tilespmem:s25+$0xC40];
	_ =	sdelay $0x2  }
0xc8: {  	v6 =	vmul.f32 v6, v3;
	v7 =	vmul.f32 v29, v4;
	_ =	sdelay $0x1  }
0xc9: {  	v31 =	vmul.f32 v30, v5;
	v6 =	vadd.f32 v7, v6;
	_ =	sdelay $0x1  }
0xca: {  	v6 =	vadd.f32 v31, v6;
	_ =	sdelay $0x1  }
0xcb: {  	[tilespmem:s22+$0xFFFFFF40] =	vst v6  }
0xcc: {  	v6 =	vld [tilespmem:s23+$0x50]  }
0xcd: {  	v32 =	vld [tilespmem:s24+$0x50];
	_ =	sdelay $0x1  }
0xce: {  	v33 =	vld [tilespmem:s25+$0xC50];
	_ =	sdelay $0x2  }
0xcf: {  	v6 =	vmul.f32 v6, v3;
	v7 =	vmul.f32 v32, v4;
	_ =	sdelay $0x1  }
0xd0: {  	v34 =	vmul.f32 v33, v5;
	v6 =	vadd.f32 v7, v6;
	_ =	sdelay $0x1  }
0xd1: {  	v6 =	vadd.f32 v34, v6;
	_ =	sdelay $0x1  }
0xd2: {  	[tilespmem:s22+$0xFFFFFF50] =	vst v6  }
0xd3: {  	v6 =	vld [tilespmem:s23+$0x60]  }
0xd4: {  	v35 =	vld [tilespmem:s24+$0x60];
	_ =	sdelay $0x1  }
0xd5: {  	v36 =	vld [tilespmem:s25+$0xC60];
	_ =	sdelay $0x2  }
0xd6: {  	v6 =	vmul.f32 v6, v3;
	v7 =	vmul.f32 v35, v4;
	_ =	sdelay $0x1  }
0xd7: {  	v37 =	vmul.f32 v36, v5;
	v6 =	vadd.f32 v7, v6;
	_ =	sdelay $0x1  }
0xd8: {  	v6 =	vadd.f32 v37, v6;
	_ =	sdelay $0x1  }
0xd9: {  	[tilespmem:s22+$0xFFFFFF60] =	vst v6  }
0xda: {  	v6 =	vld [tilespmem:s23+$0x70]  }
0xdb: {  	v38 =	vld [tilespmem:s24+$0x70];
	_ =	sdelay $0x1  }
0xdc: {  	v39 =	vld [tilespmem:s25+$0xC70];
	_ =	sdelay $0x2  }
0xdd: {  	v6 =	vmul.f32 v6, v3;
	v7 =	vmul.f32 v38, v4;
	_ =	sdelay $0x1  }
0xde: {  	v40 =	vmul.f32 v39, v5;
	v6 =	vadd.f32 v7, v6;
	_ =	sdelay $0x1  }
0xdf: {  	v6 =	vadd.f32 v40, v6;
	_ =	sdelay $0x1  }
0xe0: {  	[tilespmem:s22+$0xFFFFFF70] =	vst v6  }
0xe1: {  	v6 =	vld [tilespmem:s23+$0x400]  }
0xe2: {  	v41 =	vld [tilespmem:s24+$0x400];
	_ =	sdelay $0x1  }
0xe3: {  	v42 =	vld [tilespmem:s25+$0x1000];
	_ =	sdelay $0x2  }
0xe4: {  	v6 =	vmul.f32 v6, v3;
	v7 =	vmul.f32 v41, v4;
	_ =	sdelay $0x1  }
0xe5: {  	v43 =	vmul.f32 v42, v5;
	v6 =	vadd.f32 v7, v6;
	_ =	sdelay $0x1  }
0xe6: {  	v6 =	vadd.f32 v43, v6;
	_ =	sdelay $0x1  }
0xe7: {  	[tilespmem:s22+$0xFFFFFF80] =	vst v6  }
0xe8: {  	v6 =	vld [tilespmem:s23+$0x410]  }
0xe9: {  	v44 =	vld [tilespmem:s24+$0x410];
	_ =	sdelay $0x1  }
0xea: {  	v45 =	vld [tilespmem:s25+$0x1010];
	_ =	sdelay $0x2  }
0xeb: {  	v6 =	vmul.f32 v6, v3;
	v7 =	vmul.f32 v44, v4;
	_ =	sdelay $0x1  }
0xec: {  	v46 =	vmul.f32 v45, v5;
	v6 =	vadd.f32 v7, v6;
	_ =	sdelay $0x1  }
0xed: {  	v6 =	vadd.f32 v46, v6;
	_ =	sdelay $0x1  }
0xee: {  	[tilespmem:s22+$0xFFFFFF90] =	vst v6  }
0xef: {  	v6 =	vld [tilespmem:s23+$0x420]  }
0xf0: {  	v47 =	vld [tilespmem:s24+$0x420];
	_ =	sdelay $0x1  }
0xf1: {  	v48 =	vld [tilespmem:s25+$0x1020];
	_ =	sdelay $0x2  }
0xf2: {  	v6 =	vmul.f32 v6, v3;
	v7 =	vmul.f32 v47, v4;
	_ =	sdelay $0x1  }
0xf3: {  	v49 =	vmul.f32 v48, v5;
	v6 =	vadd.f32 v7, v6;
	_ =	sdelay $0x1  }
0xf4: {  	v6 =	vadd.f32 v49, v6;
	_ =	sdelay $0x1  }
0xf5: {  	[tilespmem:s22+$0xFFFFFFA0] =	vst v6  }
0xf6: {  	v6 =	vld [tilespmem:s23+$0x430]  }
0xf7: {  	v50 =	vld [tilespmem:s24+$0x430];
	_ =	sdelay $0x1  }
0xf8: {  	v51 =	vld [tilespmem:s25+$0x1030];
	_ =	sdelay $0x2  }
0xf9: {  	v6 =	vmul.f32 v6, v3;
	v7 =	vmul.f32 v50, v4;
	_ =	sdelay $0x1  }
0xfa: {  	v52 =	vmul.f32 v51, v5;
	v6 =	vadd.f32 v7, v6;
	_ =	sdelay $0x1  }
0xfb: {  	v6 =	vadd.f32 v52, v6;
	_ =	sdelay $0x1  }
0xfc: {  	[tilespmem:s22+$0xFFFFFFB0] =	vst v6  }
0xfd: {  	v6 =	vld [tilespmem:s23+$0x440]  }
0xfe: {  	v53 =	vld [tilespmem:s24+$0x440];
	_ =	sdelay $0x1  }
0xff: {  	v54 =	vld [tilespmem:s25+$0x1040];
	_ =	sdelay $0x2  }
0x100: {  	v6 =	vmul.f32 v6, v3;
	v7 =	vmul.f32 v53, v4;
	_ =	sdelay $0x1  }
0x101: {  	v55 =	vmul.f32 v54, v5;
	v6 =	vadd.f32 v7, v6;
	_ =	sdelay $0x1  }
0x102: {  	v6 =	vadd.f32 v55, v6;
	_ =	sdelay $0x1  }
0x103: {  	[tilespmem:s22+$0xFFFFFFC0] =	vst v6  }
0x104: {  	v6 =	vld [tilespmem:s23+$0x450]  }
0x105: {  	v56 =	vld [tilespmem:s24+$0x450];
	_ =	sdelay $0x1  }
0x106: {  	v57 =	vld [tilespmem:s25+$0x1050];
	_ =	sdelay $0x2  }
0x107: {  	v6 =	vmul.f32 v6, v3;
	v7 =	vmul.f32 v56, v4;
	_ =	sdelay $0x1  }
0x108: {  	v58 =	vmul.f32 v57, v5;
	v6 =	vadd.f32 v7, v6;
	_ =	sdelay $0x1  }
0x109: {  	v6 =	vadd.f32 v58, v6;
	_ =	sdelay $0x1  }
0x10a: {  	[tilespmem:s22+$0xFFFFFFD0] =	vst v6  }
0x10b: {  	v6 =	vld [tilespmem:s23+$0x460]  }
0x10c: {  	v59 =	vld [tilespmem:s24+$0x460];
	_ =	sdelay $0x1  }
0x10d: {  	v60 =	vld [tilespmem:s25+$0x1060];
	_ =	sdelay $0x2  }
0x10e: {  	v6 =	vmul.f32 v6, v3;
	v7 =	vmul.f32 v59, v4;
	_ =	sdelay $0x1  }
0x10f: {  	v61 =	vmul.f32 v60, v5;
	v6 =	vadd.f32 v7, v6;
	_ =	sdelay $0x1  }
0x110: {  	v6 =	vadd.f32 v61, v6;
	_ =	sdelay $0x1  }
0x111: {  	[tilespmem:s22+$0xFFFFFFE0] =	vst v6  }
0x112: {  	v6 =	vld [tilespmem:s23+$0x470]  }
0x113: {  	v62 =	vld [tilespmem:s24+$0x470];
	_ =	sdelay $0x1  }
0x114: {  	v63 =	vld [tilespmem:s25+$0x1070];
	_ =	sdelay $0x2  }
0x115: {  	v3 =	vmul.f32 v6, v3;
	v4 =	vmul.f32 v62, v4;
	_ =	sdelay $0x1  }
0x116: {  	v12 =	vmul.f32 v63, v5;
	v3 =	vadd.f32 v4, v3;
	_ =	sdelay $0x1  }
0x117: {  	v3 =	vadd.f32 v12, v3  }
0x118: {  	s26 =	sadd.s32 $0xFFFFFF00, s20  }
0x119: {  	s25 =	sadd.s32 $0x300, s19;
	s24 =	sand.u32 $0x380, s26;
	[tilespmem:s22+$0xFFFFFFF0] =	vst v3  }
0x11a: {  	s26 =	sadd.s32 $0xFFFFFF80, s20;
	s23 =	sand.u32 $0x7800, s25;
	s25 =	sadd.s32 $0x400, s19;
	v3 =	vld [tilespmem:s21+$0x0]  }
0x11b: {  	s26 =	sand.u32 $0x300, s26;
	s23 =	sor.u32 s24, s23;
	s25 =	sand.u32 $0x7FFFF800, s25;
	v13 =	vld [tilespmem:s21+$0x10]  }
0x11c: {  	s24 =	sor.u32 s26, s25;
	s26 =	sadd.s32 $0x500, s19;
	v14 =	vld [tilespmem:s23+$0xC00]  }
0x11d: {  	s25 =	sand.u32 $0x7FFFF800, s26;
	s26 =	sand.u32 $0x380, s20;
	v15 =	vld [tilespmem:s24+$0xC00]  }
0x11e: {  	s25 =	sor.u32 s26, s25;
	v16 =	vld [tilespmem:s21+$0x20]  }
0x11f: {  	v17 =	vld [tilespmem:s25+$0xC00];
	_ =	sdelay $0x2  }
0x120: {  	v6 =	vmul.f32 v14, v3;
	v7 =	vmul.f32 v15, v13;
	_ =	sdelay $0x1  }
0x121: {  	v18 =	vmul.f32 v17, v16;
	v6 =	vadd.f32 v7, v6;
	_ =	sdelay $0x1  }
0x122: {  	v6 =	vadd.f32 v18, v6;
	_ =	sdelay $0x1  }
0x123: {  	[tilespmem:s22+$0x0] =	vst v6  }
0x124: {  	v6 =	vld [tilespmem:s23+$0xC10]  }
0x125: {  	v19 =	vld [tilespmem:s24+$0xC10];
	_ =	sdelay $0x1  }
0x126: {  	v20 =	vld [tilespmem:s25+$0xC10];
	_ =	sdelay $0x2  }
0x127: {  	v6 =	vmul.f32 v6, v3;
	v7 =	vmul.f32 v19, v13;
	_ =	sdelay $0x1  }
0x128: {  	v21 =	vmul.f32 v20, v16;
	v6 =	vadd.f32 v7, v6;
	_ =	sdelay $0x1  }
0x129: {  	v6 =	vadd.f32 v21, v6;
	_ =	sdelay $0x1  }
0x12a: {  	[tilespmem:s22+$0x10] =	vst v6  }
0x12b: {  	v6 =	vld [tilespmem:s23+$0xC20]  }
0x12c: {  	v22 =	vld [tilespmem:s24+$0xC20];
	_ =	sdelay $0x1  }
0x12d: {  	v23 =	vld [tilespmem:s25+$0xC20];
	_ =	sdelay $0x2  }
0x12e: {  	v6 =	vmul.f32 v6, v3;
	v7 =	vmul.f32 v22, v13;
	_ =	sdelay $0x1  }
0x12f: {  	v24 =	vmul.f32 v23, v16;
	v6 =	vadd.f32 v7, v6;
	_ =	sdelay $0x1  }
0x130: {  	v6 =	vadd.f32 v24, v6;
	_ =	sdelay $0x1  }
0x131: {  	[tilespmem:s22+$0x20] =	vst v6  }
0x132: {  	v6 =	vld [tilespmem:s23+$0xC30]  }
0x133: {  	v25 =	vld [tilespmem:s24+$0xC30];
	_ =	sdelay $0x1  }
0x134: {  	v26 =	vld [tilespmem:s25+$0xC30];
	_ =	sdelay $0x2  }
0x135: {  	v6 =	vmul.f32 v6, v3;
	v7 =	vmul.f32 v25, v13;
	_ =	sdelay $0x1  }
0x136: {  	v27 =	vmul.f32 v26, v16;
	v6 =	vadd.f32 v7, v6;
	_ =	sdelay $0x1  }
0x137: {  	v6 =	vadd.f32 v27, v6;
	_ =	sdelay $0x1  }
0x138: {  	[tilespmem:s22+$0x30] =	vst v6  }
0x139: {  	v6 =	vld [tilespmem:s23+$0xC40]  }
0x13a: {  	v28 =	vld [tilespmem:s24+$0xC40];
	_ =	sdelay $0x1  }
0x13b: {  	v29 =	vld [tilespmem:s25+$0xC40];
	_ =	sdelay $0x2  }
0x13c: {  	v6 =	vmul.f32 v6, v3;
	v7 =	vmul.f32 v28, v13;
	_ =	sdelay $0x1  }
0x13d: {  	v30 =	vmul.f32 v29, v16;
	v6 =	vadd.f32 v7, v6;
	_ =	sdelay $0x1  }
0x13e: {  	v6 =	vadd.f32 v30, v6;
	_ =	sdelay $0x1  }
0x13f: {  	[tilespmem:s22+$0x40] =	vst v6  }
0x140: {  	v6 =	vld [tilespmem:s23+$0xC50]  }
0x141: {  	v31 =	vld [tilespmem:s24+$0xC50];
	_ =	sdelay $0x1  }
0x142: {  	v32 =	vld [tilespmem:s25+$0xC50];
	_ =	sdelay $0x2  }
0x143: {  	v6 =	vmul.f32 v6, v3;
	v7 =	vmul.f32 v31, v13;
	_ =	sdelay $0x1  }
0x144: {  	v33 =	vmul.f32 v32, v16;
	v6 =	vadd.f32 v7, v6;
	_ =	sdelay $0x1  }
0x145: {  	v6 =	vadd.f32 v33, v6;
	_ =	sdelay $0x1  }
0x146: {  	[tilespmem:s22+$0x50] =	vst v6  }
0x147: {  	v6 =	vld [tilespmem:s23+$0xC60]  }
0x148: {  	v34 =	vld [tilespmem:s24+$0xC60];
	_ =	sdelay $0x1  }
0x149: {  	v35 =	vld [tilespmem:s25+$0xC60];
	_ =	sdelay $0x2  }
0x14a: {  	v6 =	vmul.f32 v6, v3;
	v7 =	vmul.f32 v34, v13;
	_ =	sdelay $0x1  }
0x14b: {  	v36 =	vmul.f32 v35, v16;
	v6 =	vadd.f32 v7, v6;
	_ =	sdelay $0x1  }
0x14c: {  	v6 =	vadd.f32 v36, v6;
	_ =	sdelay $0x1  }
0x14d: {  	[tilespmem:s22+$0x60] =	vst v6  }
0x14e: {  	v6 =	vld [tilespmem:s23+$0xC70]  }
0x14f: {  	v37 =	vld [tilespmem:s24+$0xC70];
	_ =	sdelay $0x1  }
0x150: {  	v38 =	vld [tilespmem:s25+$0xC70];
	_ =	sdelay $0x2  }
0x151: {  	v6 =	vmul.f32 v6, v3;
	v7 =	vmul.f32 v37, v13;
	_ =	sdelay $0x1  }
0x152: {  	v39 =	vmul.f32 v38, v16;
	v6 =	vadd.f32 v7, v6;
	_ =	sdelay $0x1  }
0x153: {  	v6 =	vadd.f32 v39, v6;
	_ =	sdelay $0x1  }
0x154: {  	[tilespmem:s22+$0x70] =	vst v6  }
0x155: {  	v6 =	vld [tilespmem:s23+$0x1000]  }
0x156: {  	v40 =	vld [tilespmem:s24+$0x1000];
	_ =	sdelay $0x1  }
0x157: {  	v41 =	vld [tilespmem:s25+$0x1000];
	_ =	sdelay $0x2  }
0x158: {  	v6 =	vmul.f32 v6, v3;
	v7 =	vmul.f32 v40, v13;
	_ =	sdelay $0x1  }
0x159: {  	v42 =	vmul.f32 v41, v16;
	v6 =	vadd.f32 v7, v6;
	_ =	sdelay $0x1  }
0x15a: {  	v6 =	vadd.f32 v42, v6;
	_ =	sdelay $0x1  }
0x15b: {  	[tilespmem:s22+$0x80] =	vst v6  }
0x15c: {  	v6 =	vld [tilespmem:s23+$0x1010]  }
0x15d: {  	v43 =	vld [tilespmem:s24+$0x1010];
	_ =	sdelay $0x1  }
0x15e: {  	v44 =	vld [tilespmem:s25+$0x1010];
	_ =	sdelay $0x2  }
0x15f: {  	v6 =	vmul.f32 v6, v3;
	v7 =	vmul.f32 v43, v13;
	_ =	sdelay $0x1  }
0x160: {  	v45 =	vmul.f32 v44, v16;
	v6 =	vadd.f32 v7, v6;
	_ =	sdelay $0x1  }
0x161: {  	v6 =	vadd.f32 v45, v6;
	_ =	sdelay $0x1  }
0x162: {  	[tilespmem:s22+$0x90] =	vst v6  }
0x163: {  	v6 =	vld [tilespmem:s23+$0x1020]  }
0x164: {  	v46 =	vld [tilespmem:s24+$0x1020];
	_ =	sdelay $0x1  }
0x165: {  	v47 =	vld [tilespmem:s25+$0x1020];
	_ =	sdelay $0x2  }
0x166: {  	v6 =	vmul.f32 v6, v3;
	v7 =	vmul.f32 v46, v13;
	_ =	sdelay $0x1  }
0x167: {  	v48 =	vmul.f32 v47, v16;
	v6 =	vadd.f32 v7, v6;
	_ =	sdelay $0x1  }
0x168: {  	v6 =	vadd.f32 v48, v6;
	_ =	sdelay $0x1  }
0x169: {  	[tilespmem:s22+$0xA0] =	vst v6  }
0x16a: {  	v6 =	vld [tilespmem:s23+$0x1030]  }
0x16b: {  	v49 =	vld [tilespmem:s24+$0x1030];
	_ =	sdelay $0x1  }
0x16c: {  	v50 =	vld [tilespmem:s25+$0x1030];
	_ =	sdelay $0x2  }
0x16d: {  	v6 =	vmul.f32 v6, v3;
	v7 =	vmul.f32 v49, v13;
	_ =	sdelay $0x1  }
0x16e: {  	v51 =	vmul.f32 v50, v16;
	v6 =	vadd.f32 v7, v6;
	_ =	sdelay $0x1  }
0x16f: {  	v6 =	vadd.f32 v51, v6;
	_ =	sdelay $0x1  }
0x170: {  	[tilespmem:s22+$0xB0] =	vst v6  }
0x171: {  	v6 =	vld [tilespmem:s23+$0x1040]  }
0x172: {  	v52 =	vld [tilespmem:s24+$0x1040];
	_ =	sdelay $0x1  }
0x173: {  	v53 =	vld [tilespmem:s25+$0x1040];
	_ =	sdelay $0x2  }
0x174: {  	v6 =	vmul.f32 v6, v3;
	v7 =	vmul.f32 v52, v13;
	_ =	sdelay $0x1  }
0x175: {  	v54 =	vmul.f32 v53, v16;
	v6 =	vadd.f32 v7, v6;
	_ =	sdelay $0x1  }
0x176: {  	v6 =	vadd.f32 v54, v6;
	_ =	sdelay $0x1  }
0x177: {  	[tilespmem:s22+$0xC0] =	vst v6  }
0x178: {  	v6 =	vld [tilespmem:s23+$0x1050]  }
0x179: {  	v55 =	vld [tilespmem:s24+$0x1050];
	_ =	sdelay $0x1  }
0x17a: {  	v56 =	vld [tilespmem:s25+$0x1050];
	_ =	sdelay $0x2  }
0x17b: {  	v6 =	vmul.f32 v6, v3;
	v7 =	vmul.f32 v55, v13;
	_ =	sdelay $0x1  }
0x17c: {  	v57 =	vmul.f32 v56, v16;
	v6 =	vadd.f32 v7, v6;
	_ =	sdelay $0x1  }
0x17d: {  	v6 =	vadd.f32 v57, v6;
	_ =	sdelay $0x1  }
0x17e: {  	[tilespmem:s22+$0xD0] =	vst v6  }
0x17f: {  	v6 =	vld [tilespmem:s23+$0x1060]  }
0x180: {  	v58 =	vld [tilespmem:s24+$0x1060];
	_ =	sdelay $0x1  }
0x181: {  	v59 =	vld [tilespmem:s25+$0x1060];
	_ =	sdelay $0x2  }
0x182: {  	v6 =	vmul.f32 v6, v3;
	v7 =	vmul.f32 v58, v13;
	_ =	sdelay $0x1  }
0x183: {  	v60 =	vmul.f32 v59, v16;
	v6 =	vadd.f32 v7, v6;
	_ =	sdelay $0x1  }
0x184: {  	v6 =	vadd.f32 v60, v6;
	_ =	sdelay $0x1  }
0x185: {  	[tilespmem:s22+$0xE0] =	vst v6  }
0x186: {  	v6 =	vld [tilespmem:s23+$0x1070]  }
0x187: {  	v61 =	vld [tilespmem:s24+$0x1070];
	_ =	sdelay $0x1  }
0x188: {  	v62 =	vld [tilespmem:s25+$0x1070];
	_ =	sdelay $0x2  }
0x189: {  	v3 =	vmul.f32 v6, v3;
	v4 =	vmul.f32 v61, v13  }
0x18a: {  	p0 =	sne.s32 s20, $0x2F80  }
.Ltmp0:
0x18b: {  	v63 =	vmul.f32 v62, v16;
	v3 =	vadd.f32 v4, v3;
	(pc) =	sbr.rel @p0 .LBB2_3-.Ltmp0, $4  }
0x18c: {  	_ = 	snop  }
0x18d: {  	v3 =	vadd.f32 v63, v3  }
0x18e: {  	s19 =	sadd.s32 $0x600, s19  }
0x18f: {  	s20 =	sadd.s32 $0x300, s20;
	s21 =	sadd.s32 $0x60, s21;
	[tilespmem:s22+$0xF0] =	vst v3;
	s22 =	sadd.s32 $0x200, s22  }
0x190: {  	s19 =	sshll.u32 s17, $0xB;
	p0 =	seq.s32 s17, $0xF  }
.Ltmp1:
0x191: {  	s19 =	sadd.s32 s19, s8;
	(pc) =	sbr.rel @p0 .LBB2_6-.Ltmp1, $4  }
0x192: {  	[hbm4b:s19+s5] =	stream.linear.scatter [tilespmem:s14], [sflag:$0x5], $0x2000, $0x38;
	[tilespmem:$0xF800] =	vst v63  }
0x193: {  	_ =	swait.ge [sflag:s10], $0x2000  }
0x194: {  	[sflag:s10] =	ssyncset.done $0x0  }
0x195: {  	[sflag:s10] =	ssyncadd.s32 $0xFFFFE000  }
0x196: {  	s19 =	smul.u32 $0xC0, s17;
	_ =	sdelay $0x1  }
0x197: {  	v3 =	vld [tilespmem:s19+$0xC0];
	_ =	sdelay $0x4  }
0x198: {  	v4 =	vshll.u32 v3, $0x1  }
0x199: {  	v3 =	vand.u32 $0x7, v3;
	v4 =	vand.u32 $0xFFFFFFF0, v4  }
0x19a: {  	v3 =	vor.u32 v3, v4  }
0x19b: {  	v4 =	vperm.xlane v3, v0;
	_ =	sdelay $0x1  }
0x19c: {  	v3 =	vperm.xlane v3, v2;
	v4 =	vadd.s32 v1, v4;
	_ =	sdelay $0x1  }
0x19d: {  	v3 =	vadd.s32 v1, v3;
	_ =	sdelay $0x1  }
0x19e: {  	s20 =	simm.s32 $0xC00  }
0x19f: {  	[tilespmem:s20], [sflag:$0x1] =	stream.indirect_vreg.gather [hbm4b:s1+s5], $0x80, v4, vm0, $0xb8;
	[tilespmem:$0xF800] =	vst v63  }
0x1a0: {  	s21 =	simm.s32 $0x1400  }
0x1a1: {  	[tilespmem:s21], [sflag:$0x1] =	stream.indirect_vreg.gather [hbm4b:s1+s5], $0x80, v3, vm0, $0xb8;
	[tilespmem:$0xF800] =	vst v63  }
0x1a2: {  	v3 =	vld [tilespmem:s19+$0xD0];
	_ =	sdelay $0x4  }
0x1a3: {  	v59 =	vshll.u32 v3, $0x1  }
0x1a4: {  	v3 =	vand.u32 $0x7, v3;
	v4 =	vand.u32 $0xFFFFFFF0, v59  }
0x1a5: {  	v3 =	vor.u32 v3, v4  }
0x1a6: {  	v4 =	vperm.xlane v3, v0;
	_ =	sdelay $0x1  }
0x1a7: {  	v3 =	vperm.xlane v3, v2;
	v4 =	vadd.s32 v1, v4;
	_ =	sdelay $0x1  }
0x1a8: {  	v3 =	vadd.s32 v1, v3;
	_ =	sdelay $0x1  }
0x1a9: {  	s22 =	simm.s32 $0x1C00  }
0x1aa: {  	[tilespmem:s22], [sflag:$0x1] =	stream.indirect_vreg.gather [hbm4b:s1+s5], $0x80, v4, vm0, $0xb8;
	[tilespmem:$0xF800] =	vst v63  }
0x1ab: {  	s23 =	simm.s32 $0x2400  }
0x1ac: {  	[tilespmem:s23], [sflag:$0x1] =	stream.indirect_vreg.gather [hbm4b:s1+s5], $0x80, v3, vm0, $0xb8;
	[tilespmem:$0xF800] =	vst v63  }
0x1ad: {  	v3 =	vld [tilespmem:s19+$0xE0];
	_ =	sdelay $0x4  }
0x1ae: {  	v60 =	vshll.u32 v3, $0x1  }
0x1af: {  	v3 =	vand.u32 $0x7, v3;
	v4 =	vand.u32 $0xFFFFFFF0, v60  }
0x1b0: {  	v3 =	vor.u32 v3, v4  }
0x1b1: {  	v4 =	vperm.xlane v3, v0;
	_ =	sdelay $0x1  }
0x1b2: {  	v3 =	vperm.xlane v3, v2;
	v4 =	vadd.s32 v1, v4;
	_ =	sdelay $0x1  }
0x1b3: {  	v3 =	vadd.s32 v1, v3;
	_ =	sdelay $0x1  }
0x1b4: {  	s24 =	simm.s32 $0x2C00  }
0x1b5: {  	[tilespmem:s24], [sflag:$0x1] =	stream.indirect_vreg.gather [hbm4b:s1+s5], $0x80, v4, vm0, $0xb8;
	[tilespmem:$0xF800] =	vst v63  }
0x1b6: {  	s25 =	simm.s32 $0x3400  }
0x1b7: {  	[tilespmem:s25], [sflag:$0x1] =	stream.indirect_vreg.gather [hbm4b:s1+s5], $0x80, v3, vm0, $0xb8;
	[tilespmem:$0xF800] =	vst v63  }
0x1b8: {  	v3 =	vld [tilespmem:s19+$0xF0];
	_ =	sdelay $0x4  }
0x1b9: {  	v61 =	vshll.u32 v3, $0x1  }
0x1ba: {  	v3 =	vand.u32 $0x7, v3;
	v4 =	vand.u32 $0xFFFFFFF0, v61  }
0x1bb: {  	v3 =	vor.u32 v3, v4  }
0x1bc: {  	v4 =	vperm.xlane v3, v0;
	_ =	sdelay $0x1  }
0x1bd: {  	v3 =	vperm.xlane v3, v2;
	v4 =	vadd.s32 v1, v4;
	_ =	sdelay $0x1  }
0x1be: {  	v3 =	vadd.s32 v1, v3;
	_ =	sdelay $0x1  }
0x1bf: {  	s26 =	simm.s32 $0x3C00  }
0x1c0: {  	[tilespmem:s26], [sflag:$0x1] =	stream.indirect_vreg.gather [hbm4b:s1+s5], $0x80, v4, vm0, $0xb8;
	[tilespmem:$0xF800] =	vst v63  }
0x1c1: {  	s21 =	simm.s32 $0x4400  }
0x1c2: {  	[tilespmem:s21], [sflag:$0x1] =	stream.indirect_vreg.gather [hbm4b:s1+s5], $0x80, v3, vm0, $0xb8;
	[tilespmem:$0xF800] =	vst v63  }
0x1c3: {  	v3 =	vld [tilespmem:s19+$0x100];
	_ =	sdelay $0x4  }
0x1c4: {  	v62 =	vshll.u32 v3, $0x1  }
0x1c5: {  	v3 =	vand.u32 $0x7, v3;
	v4 =	vand.u32 $0xFFFFFFF0, v62  }
0x1c6: {  	v3 =	vor.u32 v3, v4  }
0x1c7: {  	v4 =	vperm.xlane v3, v0;
	_ =	sdelay $0x1  }
0x1c8: {  	v3 =	vperm.xlane v3, v2;
	v4 =	vadd.s32 v1, v4;
	_ =	sdelay $0x1  }
0x1c9: {  	v3 =	vadd.s32 v1, v3;
	_ =	sdelay $0x1  }
0x1ca: {  	s22 =	simm.s32 $0x4C00  }
0x1cb: {  	[tilespmem:s22], [sflag:$0x1] =	stream.indirect_vreg.gather [hbm4b:s1+s5], $0x80, v4, vm0, $0xb8;
	[tilespmem:$0xF800] =	vst v63  }
0x1cc: {  	s23 =	simm.s32 $0x5400  }
0x1cd: {  	[tilespmem:s23], [sflag:$0x1] =	stream.indirect_vreg.gather [hbm4b:s1+s5], $0x80, v3, vm0, $0xb8;
	[tilespmem:$0xF800] =	vst v63  }
0x1ce: {  	v3 =	vld [tilespmem:s19+$0x110];
	_ =	sdelay $0x4  }
0x1cf: {  	v63 =	vshll.u32 v3, $0x1  }
0x1d0: {  	v3 =	vand.u32 $0x7, v3;
	v4 =	vand.u32 $0xFFFFFFF0, v63  }
0x1d1: {  	v3 =	vor.u32 v3, v4  }
0x1d2: {  	v4 =	vperm.xlane v3, v0;
	_ =	sdelay $0x1  }
0x1d3: {  	v3 =	vperm.xlane v3, v2;
	v4 =	vadd.s32 v1, v4;
	_ =	sdelay $0x1  }
0x1d4: {  	s19 =	sadd.s32 $0xC0, s19;
	v3 =	vadd.s32 v1, v3  }
0x1d5: {  	s19 =	sadd.s32 s4, s19  }
0x1d6: {  	s24 =	simm.s32 $0x5C00;
	s19 =	sshll.u32 s19, $0x1  }
0x1d7: {  	[tilespmem:s24], [sflag:$0x1] =	stream.indirect_vreg.gather [hbm4b:s1+s5], $0x80, v4, vm0, $0xb8;
	[tilespmem:$0xF800] =	vst v63  }
0x1d8: {  	s25 =	simm.s32 $0x6400;
	s19 =	sand.u32 $0x1FFFFF80, s19  }
0x1d9: {  	[tilespmem:s25], [sflag:$0x1] =	stream.indirect_vreg.gather [hbm4b:s1+s5], $0x80, v3, vm0, $0xb8;
	[tilespmem:$0xF800] =	vst v63  }
0x1da: {  	s26 =	simm.s32 $0xCC00;
	s19 =	sadd.s32 s3, s19  }
0x1db: {  	[tilespmem:s26], [sflag:$0x3] =	stream.linear.gather [hbm4b:s19+s5], $0x600, $0x38;
	[tilespmem:$0xF800] =	vst v63  }
.LBB2_6:
0x1dc: {  	_ =	swait.ge [sflag:s15], $0x6000  }
0x1dd: {  	[sflag:s15] =	ssyncset.done $0x0  }
0x1de: {  	[sflag:s15] =	ssyncadd.s32 $0xFFFFA000  }
0x1df: {  	_ =	swait.ge [sflag:s16], $0x600  }
0x1e0: {  	s19 =	simm.s32 $0x280;
	s20 =	simm.s32 $0x0;
	[sflag:s16] =	ssyncset.done $0x0  }
0x1e1: {  	s21 =	simm.s32 $0xD230;
	s22 =	simm.s32 $0xD900;
	[sflag:s16] =	ssyncadd.s32 $0xFFFFFA00  }
.LBB2_7:
0x1e2: {  	s23 =	sand.u32 $0x7800, s20;
	s24 =	sadd.s32 $0xFFFFFD80, s19  }
0x1e3: {  	v3 =	vld [tilespmem:s21+$0xFFFFFFD0];
	s26 =	sadd.s32 $0xFFFFFE00, s19;
	s24 =	sand.u32 $0x300, s24;
	s25 =	sadd.s32 $0x6C00, s23  }
0x1e4: {  	v4 =	vld [tilespmem:s21+$0xFFFFFFE0];
	s26 =	sand.u32 $0x380, s26;
	s23 =	sor.u32 s24, s25  }
0x1e5: {  	s24 =	sor.u32 s26, s25;
	s25 =	sadd.s32 $0x200, s20;
	s26 =	sadd.s32 $0xFFFFFE80, s19;
	v6 =	vld [tilespmem:s23+$0x0]  }
0x1e6: {  	v7 =	vld [tilespmem:s24+$0x0];
	s25 =	sand.u32 $0xF800, s25;
	s26 =	sand.u32 $0x300, s26  }
0x1e7: {  	v5 =	vld [tilespmem:s21+$0xFFFFFFF0];
	s25 =	sor.u32 s26, s25  }
0x1e8: {  	v8 =	vld [tilespmem:s25+$0x6C00];
	_ =	sdelay $0x2  }
0x1e9: {  	v6 =	vmul.f32 v6, v3;
	v7 =	vmul.f32 v7, v4;
	_ =	sdelay $0x1  }
0x1ea: {  	v6 =	vadd.f32 v7, v6;
	v19 =	vmul.f32 v8, v5;
	_ =	sdelay $0x1  }
0x1eb: {  	v6 =	vadd.f32 v19, v6;
	_ =	sdelay $0x1  }
0x1ec: {  	[tilespmem:s22+$0xFFFFFF00] =	vst v6  }
0x1ed: {  	v6 =	vld [tilespmem:s23+$0x10]  }
0x1ee: {  	v20 =	vld [tilespmem:s24+$0x10];
	_ =	sdelay $0x1  }
0x1ef: {  	v21 =	vld [tilespmem:s25+$0x6C10];
	_ =	sdelay $0x2  }
0x1f0: {  	v6 =	vmul.f32 v6, v3;
	v7 =	vmul.f32 v20, v4;
	_ =	sdelay $0x1  }
0x1f1: {  	v22 =	vmul.f32 v21, v5;
	v6 =	vadd.f32 v7, v6;
	_ =	sdelay $0x1  }
0x1f2: {  	v6 =	vadd.f32 v22, v6;
	_ =	sdelay $0x1  }
0x1f3: {  	[tilespmem:s22+$0xFFFFFF10] =	vst v6  }
0x1f4: {  	v6 =	vld [tilespmem:s23+$0x20]  }
0x1f5: {  	v23 =	vld [tilespmem:s24+$0x20];
	_ =	sdelay $0x1  }
0x1f6: {  	v24 =	vld [tilespmem:s25+$0x6C20];
	_ =	sdelay $0x2  }
0x1f7: {  	v6 =	vmul.f32 v6, v3;
	v7 =	vmul.f32 v23, v4;
	_ =	sdelay $0x1  }
0x1f8: {  	v25 =	vmul.f32 v24, v5;
	v6 =	vadd.f32 v7, v6;
	_ =	sdelay $0x1  }
0x1f9: {  	v6 =	vadd.f32 v25, v6;
	_ =	sdelay $0x1  }
0x1fa: {  	[tilespmem:s22+$0xFFFFFF20] =	vst v6  }
0x1fb: {  	v6 =	vld [tilespmem:s23+$0x30]  }
0x1fc: {  	v26 =	vld [tilespmem:s24+$0x30];
	_ =	sdelay $0x1  }
0x1fd: {  	v27 =	vld [tilespmem:s25+$0x6C30];
	_ =	sdelay $0x2  }
0x1fe: {  	v6 =	vmul.f32 v6, v3;
	v7 =	vmul.f32 v26, v4;
	_ =	sdelay $0x1  }
0x1ff: {  	v28 =	vmul.f32 v27, v5;
	v6 =	vadd.f32 v7, v6;
	_ =	sdelay $0x1  }
0x200: {  	v6 =	vadd.f32 v28, v6;
	_ =	sdelay $0x1  }
0x201: {  	[tilespmem:s22+$0xFFFFFF30] =	vst v6  }
0x202: {  	v6 =	vld [tilespmem:s23+$0x40]  }
0x203: {  	v29 =	vld [tilespmem:s24+$0x40];
	_ =	sdelay $0x1  }
0x204: {  	v30 =	vld [tilespmem:s25+$0x6C40];
	_ =	sdelay $0x2  }
0x205: {  	v6 =	vmul.f32 v6, v3;
	v7 =	vmul.f32 v29, v4;
	_ =	sdelay $0x1  }
0x206: {  	v31 =	vmul.f32 v30, v5;
	v6 =	vadd.f32 v7, v6;
	_ =	sdelay $0x1  }
0x207: {  	v6 =	vadd.f32 v31, v6;
	_ =	sdelay $0x1  }
0x208: {  	[tilespmem:s22+$0xFFFFFF40] =	vst v6  }
0x209: {  	v6 =	vld [tilespmem:s23+$0x50]  }
0x20a: {  	v32 =	vld [tilespmem:s24+$0x50];
	_ =	sdelay $0x1  }
0x20b: {  	v33 =	vld [tilespmem:s25+$0x6C50];
	_ =	sdelay $0x2  }
0x20c: {  	v6 =	vmul.f32 v6, v3;
	v7 =	vmul.f32 v32, v4;
	_ =	sdelay $0x1  }
0x20d: {  	v34 =	vmul.f32 v33, v5;
	v6 =	vadd.f32 v7, v6;
	_ =	sdelay $0x1  }
0x20e: {  	v6 =	vadd.f32 v34, v6;
	_ =	sdelay $0x1  }
0x20f: {  	[tilespmem:s22+$0xFFFFFF50] =	vst v6  }
0x210: {  	v6 =	vld [tilespmem:s23+$0x60]  }
0x211: {  	v35 =	vld [tilespmem:s24+$0x60];
	_ =	sdelay $0x1  }
0x212: {  	v36 =	vld [tilespmem:s25+$0x6C60];
	_ =	sdelay $0x2  }
0x213: {  	v6 =	vmul.f32 v6, v3;
	v7 =	vmul.f32 v35, v4;
	_ =	sdelay $0x1  }
0x214: {  	v37 =	vmul.f32 v36, v5;
	v6 =	vadd.f32 v7, v6;
	_ =	sdelay $0x1  }
0x215: {  	v6 =	vadd.f32 v37, v6;
	_ =	sdelay $0x1  }
0x216: {  	[tilespmem:s22+$0xFFFFFF60] =	vst v6  }
0x217: {  	v6 =	vld [tilespmem:s23+$0x70]  }
0x218: {  	v38 =	vld [tilespmem:s24+$0x70];
	_ =	sdelay $0x1  }
0x219: {  	v39 =	vld [tilespmem:s25+$0x6C70];
	_ =	sdelay $0x2  }
0x21a: {  	v6 =	vmul.f32 v6, v3;
	v7 =	vmul.f32 v38, v4;
	_ =	sdelay $0x1  }
0x21b: {  	v40 =	vmul.f32 v39, v5;
	v6 =	vadd.f32 v7, v6;
	_ =	sdelay $0x1  }
0x21c: {  	v6 =	vadd.f32 v40, v6;
	_ =	sdelay $0x1  }
0x21d: {  	[tilespmem:s22+$0xFFFFFF70] =	vst v6  }
0x21e: {  	v6 =	vld [tilespmem:s23+$0x400]  }
0x21f: {  	v41 =	vld [tilespmem:s24+$0x400];
	_ =	sdelay $0x1  }
0x220: {  	v42 =	vld [tilespmem:s25+$0x7000];
	_ =	sdelay $0x2  }
0x221: {  	v6 =	vmul.f32 v6, v3;
	v7 =	vmul.f32 v41, v4;
	_ =	sdelay $0x1  }
0x222: {  	v43 =	vmul.f32 v42, v5;
	v6 =	vadd.f32 v7, v6;
	_ =	sdelay $0x1  }
0x223: {  	v6 =	vadd.f32 v43, v6;
	_ =	sdelay $0x1  }
0x224: {  	[tilespmem:s22+$0xFFFFFF80] =	vst v6  }
0x225: {  	v6 =	vld [tilespmem:s23+$0x410]  }
0x226: {  	v44 =	vld [tilespmem:s24+$0x410];
	_ =	sdelay $0x1  }
0x227: {  	v45 =	vld [tilespmem:s25+$0x7010];
	_ =	sdelay $0x2  }
0x228: {  	v6 =	vmul.f32 v6, v3;
	v7 =	vmul.f32 v44, v4;
	_ =	sdelay $0x1  }
0x229: {  	v46 =	vmul.f32 v45, v5;
	v6 =	vadd.f32 v7, v6;
	_ =	sdelay $0x1  }
0x22a: {  	v6 =	vadd.f32 v46, v6;
	_ =	sdelay $0x1  }
0x22b: {  	[tilespmem:s22+$0xFFFFFF90] =	vst v6  }
0x22c: {  	v6 =	vld [tilespmem:s23+$0x420]  }
0x22d: {  	v47 =	vld [tilespmem:s24+$0x420];
	_ =	sdelay $0x1  }
0x22e: {  	v48 =	vld [tilespmem:s25+$0x7020];
	_ =	sdelay $0x2  }
0x22f: {  	v6 =	vmul.f32 v6, v3;
	v7 =	vmul.f32 v47, v4;
	_ =	sdelay $0x1  }
0x230: {  	v49 =	vmul.f32 v48, v5;
	v6 =	vadd.f32 v7, v6;
	_ =	sdelay $0x1  }
0x231: {  	v6 =	vadd.f32 v49, v6;
	_ =	sdelay $0x1  }
0x232: {  	[tilespmem:s22+$0xFFFFFFA0] =	vst v6  }
0x233: {  	v6 =	vld [tilespmem:s23+$0x430]  }
0x234: {  	v50 =	vld [tilespmem:s24+$0x430];
	_ =	sdelay $0x1  }
0x235: {  	v51 =	vld [tilespmem:s25+$0x7030];
	_ =	sdelay $0x2  }
0x236: {  	v6 =	vmul.f32 v6, v3;
	v7 =	vmul.f32 v50, v4;
	_ =	sdelay $0x1  }
0x237: {  	v52 =	vmul.f32 v51, v5;
	v6 =	vadd.f32 v7, v6;
	_ =	sdelay $0x1  }
0x238: {  	v6 =	vadd.f32 v52, v6;
	_ =	sdelay $0x1  }
0x239: {  	[tilespmem:s22+$0xFFFFFFB0] =	vst v6  }
0x23a: {  	v6 =	vld [tilespmem:s23+$0x440]  }
0x23b: {  	v53 =	vld [tilespmem:s24+$0x440];
	_ =	sdelay $0x1  }
0x23c: {  	v54 =	vld [tilespmem:s25+$0x7040];
	_ =	sdelay $0x2  }
0x23d: {  	v6 =	vmul.f32 v6, v3;
	v7 =	vmul.f32 v53, v4;
	_ =	sdelay $0x1  }
0x23e: {  	v55 =	vmul.f32 v54, v5;
	v6 =	vadd.f32 v7, v6;
	_ =	sdelay $0x1  }
0x23f: {  	v6 =	vadd.f32 v55, v6;
	_ =	sdelay $0x1  }
0x240: {  	[tilespmem:s22+$0xFFFFFFC0] =	vst v6  }
0x241: {  	v6 =	vld [tilespmem:s23+$0x450]  }
0x242: {  	v56 =	vld [tilespmem:s24+$0x450];
	_ =	sdelay $0x1  }
0x243: {  	v57 =	vld [tilespmem:s25+$0x7050];
	_ =	sdelay $0x2  }
0x244: {  	v6 =	vmul.f32 v6, v3;
	v7 =	vmul.f32 v56, v4;
	_ =	sdelay $0x1  }
0x245: {  	v58 =	vmul.f32 v57, v5;
	v6 =	vadd.f32 v7, v6;
	_ =	sdelay $0x1  }
0x246: {  	v6 =	vadd.f32 v58, v6;
	_ =	sdelay $0x1  }
0x247: {  	[tilespmem:s22+$0xFFFFFFD0] =	vst v6  }
0x248: {  	v6 =	vld [tilespmem:s23+$0x460]  }
0x249: {  	v59 =	vld [tilespmem:s24+$0x460];
	_ =	sdelay $0x1  }
0x24a: {  	v60 =	vld [tilespmem:s25+$0x7060];
	_ =	sdelay $0x2  }
0x24b: {  	v6 =	vmul.f32 v6, v3;
	v7 =	vmul.f32 v59, v4;
	_ =	sdelay $0x1  }
0x24c: {  	v61 =	vmul.f32 v60, v5;
	v6 =	vadd.f32 v7, v6;
	_ =	sdelay $0x1  }
0x24d: {  	v6 =	vadd.f32 v61, v6;
	_ =	sdelay $0x1  }
0x24e: {  	[tilespmem:s22+$0xFFFFFFE0] =	vst v6  }
0x24f: {  	v6 =	vld [tilespmem:s23+$0x470]  }
0x250: {  	v62 =	vld [tilespmem:s24+$0x470];
	_ =	sdelay $0x1  }
0x251: {  	v63 =	vld [tilespmem:s25+$0x7070];
	_ =	sdelay $0x2  }
0x252: {  	v3 =	vmul.f32 v6, v3;
	v4 =	vmul.f32 v62, v4;
	_ =	sdelay $0x1  }
0x253: {  	v12 =	vmul.f32 v63, v5;
	v3 =	vadd.f32 v4, v3;
	_ =	sdelay $0x1  }
0x254: {  	v3 =	vadd.f32 v12, v3  }
0x255: {  	s26 =	sadd.s32 $0xFFFFFF00, s19  }
0x256: {  	s25 =	sadd.s32 $0x300, s20;
	s24 =	sand.u32 $0x380, s26;
	[tilespmem:s22+$0xFFFFFFF0] =	vst v3  }
0x257: {  	s26 =	sadd.s32 $0xFFFFFF80, s19;
	s23 =	sand.u32 $0x7800, s25;
	s25 =	sadd.s32 $0x400, s20;
	v3 =	vld [tilespmem:s21+$0x0]  }
0x258: {  	s26 =	sand.u32 $0x300, s26;
	s23 =	sor.u32 s24, s23;
	s25 =	sand.u32 $0x7FFFF800, s25;
	v13 =	vld [tilespmem:s21+$0x10]  }
0x259: {  	s24 =	sor.u32 s26, s25;
	s26 =	sadd.s32 $0x500, s20;
	v14 =	vld [tilespmem:s23+$0x6C00]  }
0x25a: {  	s25 =	sand.u32 $0x7FFFF800, s26;
	s26 =	sand.u32 $0x380, s19;
	v15 =	vld [tilespmem:s24+$0x6C00]  }
0x25b: {  	s25 =	sor.u32 s26, s25;
	v16 =	vld [tilespmem:s21+$0x20]  }
0x25c: {  	v17 =	vld [tilespmem:s25+$0x6C00];
	_ =	sdelay $0x2  }
0x25d: {  	v6 =	vmul.f32 v14, v3;
	v7 =	vmul.f32 v15, v13;
	_ =	sdelay $0x1  }
0x25e: {  	v18 =	vmul.f32 v17, v16;
	v6 =	vadd.f32 v7, v6;
	_ =	sdelay $0x1  }
0x25f: {  	v6 =	vadd.f32 v18, v6;
	_ =	sdelay $0x1  }
0x260: {  	[tilespmem:s22+$0x0] =	vst v6  }
0x261: {  	v6 =	vld [tilespmem:s23+$0x6C10]  }
0x262: {  	v19 =	vld [tilespmem:s24+$0x6C10];
	_ =	sdelay $0x1  }
0x263: {  	v20 =	vld [tilespmem:s25+$0x6C10];
	_ =	sdelay $0x2  }
0x264: {  	v6 =	vmul.f32 v6, v3;
	v7 =	vmul.f32 v19, v13;
	_ =	sdelay $0x1  }
0x265: {  	v21 =	vmul.f32 v20, v16;
	v6 =	vadd.f32 v7, v6;
	_ =	sdelay $0x1  }
0x266: {  	v6 =	vadd.f32 v21, v6;
	_ =	sdelay $0x1  }
0x267: {  	[tilespmem:s22+$0x10] =	vst v6  }
0x268: {  	v6 =	vld [tilespmem:s23+$0x6C20]  }
0x269: {  	v22 =	vld [tilespmem:s24+$0x6C20];
	_ =	sdelay $0x1  }
0x26a: {  	v23 =	vld [tilespmem:s25+$0x6C20];
	_ =	sdelay $0x2  }
0x26b: {  	v6 =	vmul.f32 v6, v3;
	v7 =	vmul.f32 v22, v13;
	_ =	sdelay $0x1  }
0x26c: {  	v24 =	vmul.f32 v23, v16;
	v6 =	vadd.f32 v7, v6;
	_ =	sdelay $0x1  }
0x26d: {  	v6 =	vadd.f32 v24, v6;
	_ =	sdelay $0x1  }
0x26e: {  	[tilespmem:s22+$0x20] =	vst v6  }
0x26f: {  	v6 =	vld [tilespmem:s23+$0x6C30]  }
0x270: {  	v25 =	vld [tilespmem:s24+$0x6C30];
	_ =	sdelay $0x1  }
0x271: {  	v26 =	vld [tilespmem:s25+$0x6C30];
	_ =	sdelay $0x2  }
0x272: {  	v6 =	vmul.f32 v6, v3;
	v7 =	vmul.f32 v25, v13;
	_ =	sdelay $0x1  }
0x273: {  	v27 =	vmul.f32 v26, v16;
	v6 =	vadd.f32 v7, v6;
	_ =	sdelay $0x1  }
0x274: {  	v6 =	vadd.f32 v27, v6;
	_ =	sdelay $0x1  }
0x275: {  	[tilespmem:s22+$0x30] =	vst v6  }
0x276: {  	v6 =	vld [tilespmem:s23+$0x6C40]  }
0x277: {  	v28 =	vld [tilespmem:s24+$0x6C40];
	_ =	sdelay $0x1  }
0x278: {  	v29 =	vld [tilespmem:s25+$0x6C40];
	_ =	sdelay $0x2  }
0x279: {  	v6 =	vmul.f32 v6, v3;
	v7 =	vmul.f32 v28, v13;
	_ =	sdelay $0x1  }
0x27a: {  	v30 =	vmul.f32 v29, v16;
	v6 =	vadd.f32 v7, v6;
	_ =	sdelay $0x1  }
0x27b: {  	v6 =	vadd.f32 v30, v6;
	_ =	sdelay $0x1  }
0x27c: {  	[tilespmem:s22+$0x40] =	vst v6  }
0x27d: {  	v6 =	vld [tilespmem:s23+$0x6C50]  }
0x27e: {  	v31 =	vld [tilespmem:s24+$0x6C50];
	_ =	sdelay $0x1  }
0x27f: {  	v32 =	vld [tilespmem:s25+$0x6C50];
	_ =	sdelay $0x2  }
0x280: {  	v6 =	vmul.f32 v6, v3;
	v7 =	vmul.f32 v31, v13;
	_ =	sdelay $0x1  }
0x281: {  	v33 =	vmul.f32 v32, v16;
	v6 =	vadd.f32 v7, v6;
	_ =	sdelay $0x1  }
0x282: {  	v6 =	vadd.f32 v33, v6;
	_ =	sdelay $0x1  }
0x283: {  	[tilespmem:s22+$0x50] =	vst v6  }
0x284: {  	v6 =	vld [tilespmem:s23+$0x6C60]  }
0x285: {  	v34 =	vld [tilespmem:s24+$0x6C60];
	_ =	sdelay $0x1  }
0x286: {  	v35 =	vld [tilespmem:s25+$0x6C60];
	_ =	sdelay $0x2  }
0x287: {  	v6 =	vmul.f32 v6, v3;
	v7 =	vmul.f32 v34, v13;
	_ =	sdelay $0x1  }
0x288: {  	v36 =	vmul.f32 v35, v16;
	v6 =	vadd.f32 v7, v6;
	_ =	sdelay $0x1  }
0x289: {  	v6 =	vadd.f32 v36, v6;
	_ =	sdelay $0x1  }
0x28a: {  	[tilespmem:s22+$0x60] =	vst v6  }
0x28b: {  	v6 =	vld [tilespmem:s23+$0x6C70]  }
0x28c: {  	v37 =	vld [tilespmem:s24+$0x6C70];
	_ =	sdelay $0x1  }
0x28d: {  	v38 =	vld [tilespmem:s25+$0x6C70];
	_ =	sdelay $0x2  }
0x28e: {  	v6 =	vmul.f32 v6, v3;
	v7 =	vmul.f32 v37, v13;
	_ =	sdelay $0x1  }
0x28f: {  	v39 =	vmul.f32 v38, v16;
	v6 =	vadd.f32 v7, v6;
	_ =	sdelay $0x1  }
0x290: {  	v6 =	vadd.f32 v39, v6;
	_ =	sdelay $0x1  }
0x291: {  	[tilespmem:s22+$0x70] =	vst v6  }
0x292: {  	v6 =	vld [tilespmem:s23+$0x7000]  }
0x293: {  	v40 =	vld [tilespmem:s24+$0x7000];
	_ =	sdelay $0x1  }
0x294: {  	v41 =	vld [tilespmem:s25+$0x7000];
	_ =	sdelay $0x2  }
0x295: {  	v6 =	vmul.f32 v6, v3;
	v7 =	vmul.f32 v40, v13;
	_ =	sdelay $0x1  }
0x296: {  	v42 =	vmul.f32 v41, v16;
	v6 =	vadd.f32 v7, v6;
	_ =	sdelay $0x1  }
0x297: {  	v6 =	vadd.f32 v42, v6;
	_ =	sdelay $0x1  }
0x298: {  	[tilespmem:s22+$0x80] =	vst v6  }
0x299: {  	v6 =	vld [tilespmem:s23+$0x7010]  }
0x29a: {  	v43 =	vld [tilespmem:s24+$0x7010];
	_ =	sdelay $0x1  }
0x29b: {  	v44 =	vld [tilespmem:s25+$0x7010];
	_ =	sdelay $0x2  }
0x29c: {  	v6 =	vmul.f32 v6, v3;
	v7 =	vmul.f32 v43, v13;
	_ =	sdelay $0x1  }
0x29d: {  	v45 =	vmul.f32 v44, v16;
	v6 =	vadd.f32 v7, v6;
	_ =	sdelay $0x1  }
0x29e: {  	v6 =	vadd.f32 v45, v6;
	_ =	sdelay $0x1  }
0x29f: {  	[tilespmem:s22+$0x90] =	vst v6  }
0x2a0: {  	v6 =	vld [tilespmem:s23+$0x7020]  }
0x2a1: {  	v46 =	vld [tilespmem:s24+$0x7020];
	_ =	sdelay $0x1  }
0x2a2: {  	v47 =	vld [tilespmem:s25+$0x7020];
	_ =	sdelay $0x2  }
0x2a3: {  	v6 =	vmul.f32 v6, v3;
	v7 =	vmul.f32 v46, v13;
	_ =	sdelay $0x1  }
0x2a4: {  	v48 =	vmul.f32 v47, v16;
	v6 =	vadd.f32 v7, v6;
	_ =	sdelay $0x1  }
0x2a5: {  	v6 =	vadd.f32 v48, v6;
	_ =	sdelay $0x1  }
0x2a6: {  	[tilespmem:s22+$0xA0] =	vst v6  }
0x2a7: {  	v6 =	vld [tilespmem:s23+$0x7030]  }
0x2a8: {  	v49 =	vld [tilespmem:s24+$0x7030];
	_ =	sdelay $0x1  }
0x2a9: {  	v50 =	vld [tilespmem:s25+$0x7030];
	_ =	sdelay $0x2  }
0x2aa: {  	v6 =	vmul.f32 v6, v3;
	v7 =	vmul.f32 v49, v13;
	_ =	sdelay $0x1  }
0x2ab: {  	v51 =	vmul.f32 v50, v16;
	v6 =	vadd.f32 v7, v6;
	_ =	sdelay $0x1  }
0x2ac: {  	v6 =	vadd.f32 v51, v6;
	_ =	sdelay $0x1  }
0x2ad: {  	[tilespmem:s22+$0xB0] =	vst v6  }
0x2ae: {  	v6 =	vld [tilespmem:s23+$0x7040]  }
0x2af: {  	v52 =	vld [tilespmem:s24+$0x7040];
	_ =	sdelay $0x1  }
0x2b0: {  	v53 =	vld [tilespmem:s25+$0x7040];
	_ =	sdelay $0x2  }
0x2b1: {  	v6 =	vmul.f32 v6, v3;
	v7 =	vmul.f32 v52, v13;
	_ =	sdelay $0x1  }
0x2b2: {  	v54 =	vmul.f32 v53, v16;
	v6 =	vadd.f32 v7, v6;
	_ =	sdelay $0x1  }
0x2b3: {  	v6 =	vadd.f32 v54, v6;
	_ =	sdelay $0x1  }
0x2b4: {  	[tilespmem:s22+$0xC0] =	vst v6  }
0x2b5: {  	v6 =	vld [tilespmem:s23+$0x7050]  }
0x2b6: {  	v55 =	vld [tilespmem:s24+$0x7050];
	_ =	sdelay $0x1  }
0x2b7: {  	v56 =	vld [tilespmem:s25+$0x7050];
	_ =	sdelay $0x2  }
0x2b8: {  	v6 =	vmul.f32 v6, v3;
	v7 =	vmul.f32 v55, v13;
	_ =	sdelay $0x1  }
0x2b9: {  	v57 =	vmul.f32 v56, v16;
	v6 =	vadd.f32 v7, v6;
	_ =	sdelay $0x1  }
0x2ba: {  	v6 =	vadd.f32 v57, v6;
	_ =	sdelay $0x1  }
0x2bb: {  	[tilespmem:s22+$0xD0] =	vst v6  }
0x2bc: {  	v6 =	vld [tilespmem:s23+$0x7060]  }
0x2bd: {  	v58 =	vld [tilespmem:s24+$0x7060];
	_ =	sdelay $0x1  }
0x2be: {  	v59 =	vld [tilespmem:s25+$0x7060];
	_ =	sdelay $0x2  }
0x2bf: {  	v6 =	vmul.f32 v6, v3;
	v7 =	vmul.f32 v58, v13;
	_ =	sdelay $0x1  }
0x2c0: {  	v60 =	vmul.f32 v59, v16;
	v6 =	vadd.f32 v7, v6;
	_ =	sdelay $0x1  }
0x2c1: {  	v6 =	vadd.f32 v60, v6;
	_ =	sdelay $0x1  }
0x2c2: {  	[tilespmem:s22+$0xE0] =	vst v6  }
0x2c3: {  	v6 =	vld [tilespmem:s23+$0x7070]  }
0x2c4: {  	v61 =	vld [tilespmem:s24+$0x7070];
	_ =	sdelay $0x1  }
0x2c5: {  	v62 =	vld [tilespmem:s25+$0x7070];
	_ =	sdelay $0x2  }
0x2c6: {  	v3 =	vmul.f32 v6, v3;
	v4 =	vmul.f32 v61, v13  }
0x2c7: {  	p0 =	sne.s32 s19, $0x2F80  }
.Ltmp2:
0x2c8: {  	v63 =	vmul.f32 v62, v16;
	v3 =	vadd.f32 v4, v3;
	(pc) =	sbr.rel @p0 .LBB2_7-.Ltmp2, $4  }
0x2c9: {  	_ = 	snop  }
0x2ca: {  	v3 =	vadd.f32 v63, v3  }
0x2cb: {  	s20 =	sadd.s32 $0x600, s20  }
0x2cc: {  	s19 =	sadd.s32 $0x300, s19;
	s21 =	sadd.s32 $0x60, s21;
	[tilespmem:s22+$0xF0] =	vst v3;
	s22 =	sadd.s32 $0x200, s22  }
0x2cd: {  	s17 =	sadd.s32 $0x1, s17  }
0x2ce: {  	s18 =	sshll.u32 s18, $0xA;
	p0 =	sne.s32 s17, $0x10  }
.Ltmp3:
0x2cf: {  	s18 =	sadd.s32 s18, s8;
	(pc) =	sbr.rel @p0 .LBB2_2-.Ltmp3, $4  }
0x2d0: {  	[hbm4b:s18+s5] =	stream.linear.scatter [tilespmem:s14], [sflag:$0x5], $0x2000, $0x38;
	[tilespmem:$0xF800] =	vst v63  }
0x2d1: {  	_ =	swait.ge [sflag:s10], $0x2000  }
0x2d2: {  	[sflag:s10] =	ssyncset.done $0x0  }
0x2d3: {  	[sflag:s10] =	ssyncadd.s32 $0xFFFFE000  }
0x2d4: {  	s18 =	rddreg [dreg:$0x7]  }
0x2d5: {  	s17 =	rddreg [dreg:$0x6];
	s18 =	sadd.s32 $0x1, s18  }
0x2d6: {  	p0 =	sne.s32 s18, s17  }
.Ltmp4:
0x2d7: {  	_ = 	snop;
	(pc) =	sbr.rel @p0 .LBB2_1-.Ltmp4, $1  }
0x2d8: {  	_ =	sdelay $0x3  }
0x2d9: {  	_ =	sfence.sel $0x180000  }
0x2da: {  	[bflag:$0x0] =	sbarrier.arrive $0xFFFF  }
0x2db: {  	_ =	strace $0x90000047  }
0x2dc: {  	s0 =	stileid.u32;
	[bflag:$0x2] =	sbarrier.arrive $0xFFFF  }
0x2dd: {  	p0 =	sne.s32 s0, $0x0;
	s0 =	rddreg [dreg:$0x3]  }
0x2de: {  	s0 =	sadd.s32 @!p0 $0x100000, s0  }
0x2df: {  	[sflag:s0] =	ssyncadd.tile.s32 @!p0 $0x1;
	_ =	shalt  }
.Lfunc_end2:
_tile_overlayer_lowered:
.L_overlay_start_2:
0x2e0: {  	(tag) =	ssettag $0x2  }
0x2e1: {  	s0 =	rddreg [dreg:$0x0];
	s2 =	stileid.u32  }
0x2e2: {  	s1 =	rddreg [dreg:$0x1];
	p0 =	sne.s32 s2, $0x0  }
0x2e3: {  	s3 =	rddreg [dreg:$0x2];
	[bflag:$0x3] =	sbarrier.arrive $0xFFFF;
	s2 =	simm.s32 @!p0 $0x1C05  }
0x2e4: {  	[timem:s3], [sflag:s2] =	dma.local @!p0 [hbm:s0], s1  }
0x2e5: {  	s0 =	simm.s32 @!p0 $0x5  }
0x2e6: {  	_ =	swait.ge @!p0 [sflag:s0], s1  }
0x2e7: {  	s1 =	ssub.s32 @!p0 $0x0, s1;
	[sflag:s0] =	ssyncset.done @!p0 $0x0  }
0x2e8: {  	[sflag:s0] =	ssyncadd.s32 @!p0 s1  }
0x2e9: {  	[bflag:$0x3] =	sbarrier.arrive $0xFFFF  }
0x2ea: {  	_ =	shalt  }

</sc_bundles>
